<compile_context>
chip_gen: v7x
topology: tpu7x:2x2x1
jax: 0.10.2.dev20260603
libtpu: 0.0.44.dev20260713+nightly
codegen_flags: <defaults>
</compile_context>

<pallas_src>
import functools

import jax
import jax.numpy as jnp
from jax import lax
from jax.experimental import pallas as pl
from jax.experimental.pallas import tpu as pltpu
from jax.experimental.pallas import tpu_sc as plsc

F = 128
B = 16384
NW = 32
BPW = B // NW
CH = 64
NCH = BPW // CH
NBUF = 4
L = 16
RG = 4


def _body(user_hbm, rsid_hbm, ut_hbm, rt_hbm, out_hbm,
          u_idx, r_idx, u_rows, r_rows, out_v,
          sem_i, sem_u0, sem_u1, sem_r0, sem_r1):
    wid = lax.axis_index("s") * 2 + lax.axis_index("c")
    base = wid * BPW

    isems = {0: (sem_u0, sem_r0), 1: (sem_u1, sem_r1)}
    early, rest = [], []
    for c in range(NCH):
        su, sr = isems.get(c, (sem_i, sem_i))
        lst = early if c < 2 else rest
        lst.append(pltpu.async_copy(
            user_hbm.at[pl.ds(base + c * CH, CH)], u_idx.at[c], su))
        lst.append(pltpu.async_copy(
            rsid_hbm.at[pl.ds(base + c * CH, CH)], r_idx.at[c], sr))

    def start(c, par):
        su = sem_u0 if par == 0 else sem_u1
        sr = sem_r0 if par == 0 else sem_r1
        buf = c % NBUF
        cu = pltpu.async_copy(ut_hbm.at[u_idx.at[c]], u_rows.at[buf], su)
        cr = pltpu.async_copy(rt_hbm.at[r_idx.at[c]], r_rows.at[buf], sr)
        return cu, cr

    lanes = lax.iota(jnp.int32, L)
    perms = {k: lanes ^ k for k in (8, 4, 2, 1)}
    dnums = lax.GatherDimensionNumbers(
        offset_dims=(), collapsed_slice_dims=(0,), start_index_map=(0,))

    def perm(x, k):
        return lax.gather(
            x, perms[k][:, None], dimension_numbers=dnums, slice_sizes=(1,),
            mode=lax.GatherScatterMode.PROMISE_IN_BOUNDS)

    def lane_sum(x):
        for k in (8, 4, 2, 1):
            x = x + perm(x, k)
        return x

    def row_acc(buf, row):
        prods = [u_rows[buf, row, pl.ds(fs * L, L)]
                 * r_rows[buf, row, pl.ds(fs * L, L)]
                 for fs in range(F // L)]
        while len(prods) > 1:
            prods = [a + b for a, b in zip(prods[::2], prods[1::2])]
        return prods[0]

    def run_chunk(c):
        buf = c % NBUF
        ngrp = CH // RG

        def group_body(j, carry):
            accs, outv = carry
            lb = ((j - 1) % (L // RG)) * RG
            for i in range(RG):
                s = lane_sum(accs[i])
                outv = jnp.where(lanes == lb + i, s, outv)

            row0 = jnp.minimum(j, ngrp - 1) * RG
            accs = tuple(row_acc(buf, row0 + i) for i in range(RG))

            off = ((jnp.maximum(j, 1) - 1) // (L // RG)) * L
            out_v[pl.ds(c * CH + off, L)] = outv
            return accs, outv

        zero = jnp.zeros((L,), jnp.float32)
        lax.fori_loop(0, ngrp + 1, group_body, ((zero,) * RG, zero))

    def wait_chunk(c, par):
        su = sem_u0 if par == 0 else sem_u1
        sr = sem_r0 if par == 0 else sem_r1
        buf = c % NBUF
        pltpu.make_async_copy(ut_hbm.at[u_idx.at[c]], u_rows.at[buf],
                              su).wait()
        pltpu.make_async_copy(rt_hbm.at[r_idx.at[c]], r_rows.at[buf],
                              sr).wait()

    early[0].wait()
    early[1].wait()
    start(0, 0)
    early[2].wait()
    early[3].wait()
    start(1, 1)
    for h in rest:
        h.wait()

    def pair_body(p, _):
        c0 = p * 2
        wait_chunk(c0, 0)

        @pl.when(c0 + 2 < NCH)
        def _prefetch_even():
            start(c0 + 2, 0)
        run_chunk(c0)

        wait_chunk(c0 + 1, 1)

        @pl.when(c0 + 3 < NCH)
        def _prefetch_odd():
            start(c0 + 3, 1)
        run_chunk(c0 + 1)
        return 0

    lax.fori_loop(0, NCH // 2, pair_body, 0)

    pltpu.sync_copy(out_v, out_hbm.at[pl.ds(base, BPW)])


@jax.jit
def _run(user, rsid, user_table, rsid_table):
    mesh = plsc.VectorSubcoreMesh(core_axis_name="c", subcore_axis_name="s")
    k = functools.partial(
        pl.kernel,
        out_type=jax.ShapeDtypeStruct((B,), jnp.float32),
        mesh=mesh,
        scratch_types=[
            pltpu.VMEM((NCH, CH), jnp.int32),
            pltpu.VMEM((NCH, CH), jnp.int32),
            pltpu.VMEM((NBUF, CH, F), jnp.float32),
            pltpu.VMEM((NBUF, CH, F), jnp.float32),
            pltpu.VMEM((BPW,), jnp.float32),
            pltpu.SemaphoreType.DMA,
            pltpu.SemaphoreType.DMA,
            pltpu.SemaphoreType.DMA,
            pltpu.SemaphoreType.DMA,
            pltpu.SemaphoreType.DMA,
        ],
    )(_body)
    return k(user, rsid, user_table, rsid_table)


def kernel(user, rsid, user_table, rsid_table):
    return _run(user, rsid, user_table, rsid_table)

# --- scband reference (transcript-rebuilt; emitter-appended) ---
"""Pipeline reference for scband-matrix-factorization-model-14937896255752 (READ-ONLY COPY).

The authoritative reference and input builder live on the scoring server;
editing this copy changes nothing except your own understanding.
"""

import jax, jax.numpy as jnp
import numpy as np

NUM_USERS = 100000
NUM_RSIDS = 100000
NUM_FEATURES = 128
BATCH = 16384

def setup_inputs(seed: int = 0) -> dict:
    key = jax.random.key(seed)
    k1, k2, k3, k4 = jax.random.split(key, 4)
    user = jax.random.randint(k1, (BATCH,), 0, NUM_USERS, dtype=jnp.int64 if jax.config.jax_enable_x64 else jnp.int32).astype(jnp.int32)
    rsid = jax.random.randint(k2, (BATCH,), 0, NUM_RSIDS, dtype=jnp.int32)
    user_table = jax.random.normal(k3, (NUM_USERS, NUM_FEATURES), dtype=jnp.float32)
    rsid_table = jax.random.normal(k4, (NUM_RSIDS, NUM_FEATURES), dtype=jnp.float32)
    return {"user": user, "rsid": rsid, "user_table": user_table, "rsid_table": rsid_table}

def reference(user, rsid, user_table, rsid_table):
    u = jnp.take(user_table, user, axis=0)   # [B, F] embedding gather
    r = jnp.take(rsid_table, rsid, axis=0)   # [B, F] embedding gather
    return (u * r).sum(axis=1)               # [B]

if __name__ == "__main__":
    import jax
    _d = setup_inputs()
    print(jax.jit(kernel)(*tuple(_d.values())))

</pallas_src>

<mosaic_0001>
#map = affine_map<(d0, d1) -> (0)>
#map1 = affine_map<(d0, d1) -> (0, 0)>
module attributes {stable_mosaic.version = 14 : i64} {
  func.func @_body(%arg0: i32, %arg1: i32, %arg2: memref<16384xi32, #tpu.memory_space<hbm>>, %arg3: memref<16384xi32, #tpu.memory_space<hbm>>, %arg4: memref<100000x128xf32, #tpu.memory_space<hbm>>, %arg5: memref<100000x128xf32, #tpu.memory_space<hbm>>, %arg6: memref<16384xf32, #tpu.memory_space<hbm>>, %arg7: memref<8x64xi32, #tpu.memory_space<vmem>>, %arg8: memref<8x64xi32, #tpu.memory_space<vmem>>, %arg9: memref<4x64x128xf32, #tpu.memory_space<vmem>>, %arg10: memref<4x64x128xf32, #tpu.memory_space<vmem>>, %arg11: memref<512xf32, #tpu.memory_space<vmem>>, %arg12: memref<!tpu.dma_semaphore, #tpu.memory_space<semaphore_mem>>, %arg13: memref<!tpu.dma_semaphore, #tpu.memory_space<semaphore_mem>>, %arg14: memref<!tpu.dma_semaphore, #tpu.memory_space<semaphore_mem>>, %arg15: memref<!tpu.dma_semaphore, #tpu.memory_space<semaphore_mem>>, %arg16: memref<!tpu.dma_semaphore, #tpu.memory_space<semaphore_mem>>) attributes {dimension_semantics = [#tpu.dimension_semantics<core_parallel>, #tpu.dimension_semantics<subcore_parallel>], iteration_bounds = array<i64: 2, 16>, scalar_prefetch = 0 : i64, scratch_operands = 10 : i64, tpu.core_type = #tpu.core_type<sc_vector_subcore>, window_params = [{transform_indices = #map}, {transform_indices = #map}, {transform_indices = #map1}, {transform_indices = #map1}, {transform_indices = #map}]} {
    %mul3A = arith.constant 2 : i32
    %mul3A_0 = arith.muli %arg1, %mul3A : i32
    %add3A = arith.addi %mul3A_0, %arg0 : i32
    %mul3A_1 = arith.constant 512 : i32
    %mul3A_2 = arith.muli %add3A, %mul3A_1 : i32
    %add3A_3 = arith.constant 0 : i32
    %add3A_4 = arith.addi %mul3A_2, %add3A_3 : i32
    %dma_start3A = arith.constant 0 : i32
    %dma_start3A_5 = arith.constant 0 : i32
    %dma_start3A_6 = tpu.memref_slice %arg7[%dma_start3A, %dma_start3A_5] : memref<8x64xi32, #tpu.memory_space<vmem>> -> memref<1x64xi32, #tpu.memory_space<vmem>>
    %dma_start3A_7 = tpu.memref_squeeze %dma_start3A_6 : memref<1x64xi32, #tpu.memory_space<vmem>> -> memref<64xi32, #tpu.memory_space<vmem>>
    %dma_start3A_8 = tpu.memref_slice %arg2[%add3A_4] : memref<16384xi32, #tpu.memory_space<hbm>> -> memref<64xi32, #tpu.memory_space<hbm>>
    %dma_start3A_9 = arith.constant 0 : i32
    %dma_start3A_10 = tpu.memref_slice %arg7[%dma_start3A, %dma_start3A_9] : memref<8x64xi32, #tpu.memory_space<vmem>> -> memref<1x64xi32, #tpu.memory_space<vmem>>
    %dma_start3A_11 = tpu.memref_squeeze %dma_start3A_10 : memref<1x64xi32, #tpu.memory_space<vmem>> -> memref<64xi32, #tpu.memory_space<vmem>>
    %dma_start3A_12 = tpu.memref_slice %arg2[%add3A_4] : memref<16384xi32, #tpu.memory_space<hbm>> -> memref<64xi32, #tpu.memory_space<hbm>>
    tpu.enqueue_dma source(%dma_start3A_12 : memref<64xi32, #tpu.memory_space<hbm>>) target(%dma_start3A_11 : memref<64xi32, #tpu.memory_space<vmem>>) target_semaphore(%arg13 : memref<!tpu.dma_semaphore, #tpu.memory_space<semaphore_mem>>)
    %add3A_13 = arith.constant 0 : i32
    %add3A_14 = arith.addi %mul3A_2, %add3A_13 : i32
    %dma_start3A_15 = arith.constant 0 : i32
    %dma_start3A_16 = arith.constant 0 : i32
    %dma_start3A_17 = tpu.memref_slice %arg8[%dma_start3A_15, %dma_start3A_16] : memref<8x64xi32, #tpu.memory_space<vmem>> -> memref<1x64xi32, #tpu.memory_space<vmem>>
    %dma_start3A_18 = tpu.memref_squeeze %dma_start3A_17 : memref<1x64xi32, #tpu.memory_space<vmem>> -> memref<64xi32, #tpu.memory_space<vmem>>
    %dma_start3A_19 = tpu.memref_slice %arg3[%add3A_14] : memref<16384xi32, #tpu.memory_space<hbm>> -> memref<64xi32, #tpu.memory_space<hbm>>
    %dma_start3A_20 = arith.constant 0 : i32
    %dma_start3A_21 = tpu.memref_slice %arg8[%dma_start3A_15, %dma_start3A_20] : memref<8x64xi32, #tpu.memory_space<vmem>> -> memref<1x64xi32, #tpu.memory_space<vmem>>
    %dma_start3A_22 = tpu.memref_squeeze %dma_start3A_21 : memref<1x64xi32, #tpu.memory_space<vmem>> -> memref<64xi32, #tpu.memory_space<vmem>>
    %dma_start3A_23 = tpu.memref_slice %arg3[%add3A_14] : memref<16384xi32, #tpu.memory_space<hbm>> -> memref<64xi32, #tpu.memory_space<hbm>>
    tpu.enqueue_dma source(%dma_start3A_23 : memref<64xi32, #tpu.memory_space<hbm>>) target(%dma_start3A_22 : memref<64xi32, #tpu.memory_space<vmem>>) target_semaphore(%arg15 : memref<!tpu.dma_semaphore, #tpu.memory_space<semaphore_mem>>)
    %add3A_24 = arith.constant 64 : i32
    %add3A_25 = arith.addi %mul3A_2, %add3A_24 : i32
    %dma_start3A_26 = arith.constant 1 : i32
    %dma_start3A_27 = arith.constant 0 : i32
    %dma_start3A_28 = tpu.memref_slice %arg7[%dma_start3A_26, %dma_start3A_27] : memref<8x64xi32, #tpu.memory_space<vmem>> -> memref<1x64xi32, #tpu.memory_space<vmem>>
    %dma_start3A_29 = tpu.memref_squeeze %dma_start3A_28 : memref<1x64xi32, #tpu.memory_space<vmem>> -> memref<64xi32, #tpu.memory_space<vmem>>
    %dma_start3A_30 = tpu.memref_slice %arg2[%add3A_25] : memref<16384xi32, #tpu.memory_space<hbm>> -> memref<64xi32, #tpu.memory_space<hbm>>
    %dma_start3A_31 = arith.constant 0 : i32
    %dma_start3A_32 = tpu.memref_slice %arg7[%dma_start3A_26, %dma_start3A_31] : memref<8x64xi32, #tpu.memory_space<vmem>> -> memref<1x64xi32, #tpu.memory_space<vmem>>
    %dma_start3A_33 = tpu.memref_squeeze %dma_start3A_32 : memref<1x64xi32, #tpu.memory_space<vmem>> -> memref<64xi32, #tpu.memory_space<vmem>>
    %dma_start3A_34 = tpu.memref_slice %arg2[%add3A_25] : memref<16384xi32, #tpu.memory_space<hbm>> -> memref<64xi32, #tpu.memory_space<hbm>>
    tpu.enqueue_dma source(%dma_start3A_34 : memref<64xi32, #tpu.memory_space<hbm>>) target(%dma_start3A_33 : memref<64xi32, #tpu.memory_space<vmem>>) target_semaphore(%arg14 : memref<!tpu.dma_semaphore, #tpu.memory_space<semaphore_mem>>)
    %add3A_35 = arith.constant 64 : i32
    %add3A_36 = arith.addi %mul3A_2, %add3A_35 : i32
    %dma_start3A_37 = arith.constant 1 : i32
    %dma_start3A_38 = arith.constant 0 : i32
    %dma_start3A_39 = tpu.memref_slice %arg8[%dma_start3A_37, %dma_start3A_38] : memref<8x64xi32, #tpu.memory_space<vmem>> -> memref<1x64xi32, #tpu.memory_space<vmem>>
    %dma_start3A_40 = tpu.memref_squeeze %dma_start3A_39 : memref<1x64xi32, #tpu.memory_space<vmem>> -> memref<64xi32, #tpu.memory_space<vmem>>
    %dma_start3A_41 = tpu.memref_slice %arg3[%add3A_36] : memref<16384xi32, #tpu.memory_space<hbm>> -> memref<64xi32, #tpu.memory_space<hbm>>
    %dma_start3A_42 = arith.constant 0 : i32
    %dma_start3A_43 = tpu.memref_slice %arg8[%dma_start3A_37, %dma_start3A_42] : memref<8x64xi32, #tpu.memory_space<vmem>> -> memref<1x64xi32, #tpu.memory_space<vmem>>
    %dma_start3A_44 = tpu.memref_squeeze %dma_start3A_43 : memref<1x64xi32, #tpu.memory_space<vmem>> -> memref<64xi32, #tpu.memory_space<vmem>>
    %dma_start3A_45 = tpu.memref_slice %arg3[%add3A_36] : memref<16384xi32, #tpu.memory_space<hbm>> -> memref<64xi32, #tpu.memory_space<hbm>>
    tpu.enqueue_dma source(%dma_start3A_45 : memref<64xi32, #tpu.memory_space<hbm>>) target(%dma_start3A_44 : memref<64xi32, #tpu.memory_space<vmem>>) target_semaphore(%arg16 : memref<!tpu.dma_semaphore, #tpu.memory_space<semaphore_mem>>)
    %add3A_46 = arith.constant 128 : i32
    %add3A_47 = arith.addi %mul3A_2, %add3A_46 : i32
    %dma_start3A_48 = arith.constant 2 : i32
    %dma_start3A_49 = arith.constant 0 : i32
    %dma_start3A_50 = tpu.memref_slice %arg7[%dma_start3A_48, %dma_start3A_49] : memref<8x64xi32, #tpu.memory_space<vmem>> -> memref<1x64xi32, #tpu.memory_space<vmem>>
    %dma_start3A_51 = tpu.memref_squeeze %dma_start3A_50 : memref<1x64xi32, #tpu.memory_space<vmem>> -> memref<64xi32, #tpu.memory_space<vmem>>
    %dma_start3A_52 = tpu.memref_slice %arg2[%add3A_47] : memref<16384xi32, #tpu.memory_space<hbm>> -> memref<64xi32, #tpu.memory_space<hbm>>
    %dma_start3A_53 = arith.constant 0 : i32
    %dma_start3A_54 = tpu.memref_slice %arg7[%dma_start3A_48, %dma_start3A_53] : memref<8x64xi32, #tpu.memory_space<vmem>> -> memref<1x64xi32, #tpu.memory_space<vmem>>
    %dma_start3A_55 = tpu.memref_squeeze %dma_start3A_54 : memref<1x64xi32, #tpu.memory_space<vmem>> -> memref<64xi32, #tpu.memory_space<vmem>>
    %dma_start3A_56 = tpu.memref_slice %arg2[%add3A_47] : memref<16384xi32, #tpu.memory_space<hbm>> -> memref<64xi32, #tpu.memory_space<hbm>>
    tpu.enqueue_dma source(%dma_start3A_56 : memref<64xi32, #tpu.memory_space<hbm>>) target(%dma_start3A_55 : memref<64xi32, #tpu.memory_space<vmem>>) target_semaphore(%arg12 : memref<!tpu.dma_semaphore, #tpu.memory_space<semaphore_mem>>)
    %add3A_57 = arith.constant 128 : i32
    %add3A_58 = arith.addi %mul3A_2, %add3A_57 : i32
    %dma_start3A_59 = arith.constant 2 : i32
    %dma_start3A_60 = arith.constant 0 : i32
    %dma_start3A_61 = tpu.memref_slice %arg8[%dma_start3A_59, %dma_start3A_60] : memref<8x64xi32, #tpu.memory_space<vmem>> -> memref<1x64xi32, #tpu.memory_space<vmem>>
    %dma_start3A_62 = tpu.memref_squeeze %dma_start3A_61 : memref<1x64xi32, #tpu.memory_space<vmem>> -> memref<64xi32, #tpu.memory_space<vmem>>
    %dma_start3A_63 = tpu.memref_slice %arg3[%add3A_58] : memref<16384xi32, #tpu.memory_space<hbm>> -> memref<64xi32, #tpu.memory_space<hbm>>
    %dma_start3A_64 = arith.constant 0 : i32
    %dma_start3A_65 = tpu.memref_slice %arg8[%dma_start3A_59, %dma_start3A_64] : memref<8x64xi32, #tpu.memory_space<vmem>> -> memref<1x64xi32, #tpu.memory_space<vmem>>
    %dma_start3A_66 = tpu.memref_squeeze %dma_start3A_65 : memref<1x64xi32, #tpu.memory_space<vmem>> -> memref<64xi32, #tpu.memory_space<vmem>>
    %dma_start3A_67 = tpu.memref_slice %arg3[%add3A_58] : memref<16384xi32, #tpu.memory_space<hbm>> -> memref<64xi32, #tpu.memory_space<hbm>>
    tpu.enqueue_dma source(%dma_start3A_67 : memref<64xi32, #tpu.memory_space<hbm>>) target(%dma_start3A_66 : memref<64xi32, #tpu.memory_space<vmem>>) target_semaphore(%arg12 : memref<!tpu.dma_semaphore, #tpu.memory_space<semaphore_mem>>)
    %add3A_68 = arith.constant 192 : i32
    %add3A_69 = arith.addi %mul3A_2, %add3A_68 : i32
    %dma_start3A_70 = arith.constant 3 : i32
    %dma_start3A_71 = arith.constant 0 : i32
    %dma_start3A_72 = tpu.memref_slice %arg7[%dma_start3A_70, %dma_start3A_71] : memref<8x64xi32, #tpu.memory_space<vmem>> -> memref<1x64xi32, #tpu.memory_space<vmem>>
    %dma_start3A_73 = tpu.memref_squeeze %dma_start3A_72 : memref<1x64xi32, #tpu.memory_space<vmem>> -> memref<64xi32, #tpu.memory_space<vmem>>
    %dma_start3A_74 = tpu.memref_slice %arg2[%add3A_69] : memref<16384xi32, #tpu.memory_space<hbm>> -> memref<64xi32, #tpu.memory_space<hbm>>
    %dma_start3A_75 = arith.constant 0 : i32
    %dma_start3A_76 = tpu.memref_slice %arg7[%dma_start3A_70, %dma_start3A_75] : memref<8x64xi32, #tpu.memory_space<vmem>> -> memref<1x64xi32, #tpu.memory_space<vmem>>
    %dma_start3A_77 = tpu.memref_squeeze %dma_start3A_76 : memref<1x64xi32, #tpu.memory_space<vmem>> -> memref<64xi32, #tpu.memory_space<vmem>>
    %dma_start3A_78 = tpu.memref_slice %arg2[%add3A_69] : memref<16384xi32, #tpu.memory_space<hbm>> -> memref<64xi32, #tpu.memory_space<hbm>>
    tpu.enqueue_dma source(%dma_start3A_78 : memref<64xi32, #tpu.memory_space<hbm>>) target(%dma_start3A_77 : memref<64xi32, #tpu.memory_space<vmem>>) target_semaphore(%arg12 : memref<!tpu.dma_semaphore, #tpu.memory_space<semaphore_mem>>)
    %add3A_79 = arith.constant 192 : i32
    %add3A_80 = arith.addi %mul3A_2, %add3A_79 : i32
    %dma_start3A_81 = arith.constant 3 : i32
    %dma_start3A_82 = arith.constant 0 : i32
    %dma_start3A_83 = tpu.memref_slice %arg8[%dma_start3A_81, %dma_start3A_82] : memref<8x64xi32, #tpu.memory_space<vmem>> -> memref<1x64xi32, #tpu.memory_space<vmem>>
    %dma_start3A_84 = tpu.memref_squeeze %dma_start3A_83 : memref<1x64xi32, #tpu.memory_space<vmem>> -> memref<64xi32, #tpu.memory_space<vmem>>
    %dma_start3A_85 = tpu.memref_slice %arg3[%add3A_80] : memref<16384xi32, #tpu.memory_space<hbm>> -> memref<64xi32, #tpu.memory_space<hbm>>
    %dma_start3A_86 = arith.constant 0 : i32
    %dma_start3A_87 = tpu.memref_slice %arg8[%dma_start3A_81, %dma_start3A_86] : memref<8x64xi32, #tpu.memory_space<vmem>> -> memref<1x64xi32, #tpu.memory_space<vmem>>
    %dma_start3A_88 = tpu.memref_squeeze %dma_start3A_87 : memref<1x64xi32, #tpu.memory_space<vmem>> -> memref<64xi32, #tpu.memory_space<vmem>>
    %dma_start3A_89 = tpu.memref_slice %arg3[%add3A_80] : memref<16384xi32, #tpu.memory_space<hbm>> -> memref<64xi32, #tpu.memory_space<hbm>>
    tpu.enqueue_dma source(%dma_start3A_89 : memref<64xi32, #tpu.memory_space<hbm>>) target(%dma_start3A_88 : memref<64xi32, #tpu.memory_space<vmem>>) target_semaphore(%arg12 : memref<!tpu.dma_semaphore, #tpu.memory_space<semaphore_mem>>)
    %add3A_90 = arith.constant 256 : i32
    %add3A_91 = arith.addi %mul3A_2, %add3A_90 : i32
    %dma_start3A_92 = arith.constant 4 : i32
    %dma_start3A_93 = arith.constant 0 : i32
    %dma_start3A_94 = tpu.memref_slice %arg7[%dma_start3A_92, %dma_start3A_93] : memref<8x64xi32, #tpu.memory_space<vmem>> -> memref<1x64xi32, #tpu.memory_space<vmem>>
    %dma_start3A_95 = tpu.memref_squeeze %dma_start3A_94 : memref<1x64xi32, #tpu.memory_space<vmem>> -> memref<64xi32, #tpu.memory_space<vmem>>
    %dma_start3A_96 = tpu.memref_slice %arg2[%add3A_91] : memref<16384xi32, #tpu.memory_space<hbm>> -> memref<64xi32, #tpu.memory_space<hbm>>
    %dma_start3A_97 = arith.constant 0 : i32
    %dma_start3A_98 = tpu.memref_slice %arg7[%dma_start3A_92, %dma_start3A_97] : memref<8x64xi32, #tpu.memory_space<vmem>> -> memref<1x64xi32, #tpu.memory_space<vmem>>
    %dma_start3A_99 = tpu.memref_squeeze %dma_start3A_98 : memref<1x64xi32, #tpu.memory_space<vmem>> -> memref<64xi32, #tpu.memory_space<vmem>>
    %dma_start3A_100 = tpu.memref_slice %arg2[%add3A_91] : memref<16384xi32, #tpu.memory_space<hbm>> -> memref<64xi32, #tpu.memory_space<hbm>>
    tpu.enqueue_dma source(%dma_start3A_100 : memref<64xi32, #tpu.memory_space<hbm>>) target(%dma_start3A_99 : memref<64xi32, #tpu.memory_space<vmem>>) target_semaphore(%arg12 : memref<!tpu.dma_semaphore, #tpu.memory_space<semaphore_mem>>)
    %add3A_101 = arith.constant 256 : i32
    %add3A_102 = arith.addi %mul3A_2, %add3A_101 : i32
    %dma_start3A_103 = arith.constant 4 : i32
    %dma_start3A_104 = arith.constant 0 : i32
    %dma_start3A_105 = tpu.memref_slice %arg8[%dma_start3A_103, %dma_start3A_104] : memref<8x64xi32, #tpu.memory_space<vmem>> -> memref<1x64xi32, #tpu.memory_space<vmem>>
    %dma_start3A_106 = tpu.memref_squeeze %dma_start3A_105 : memref<1x64xi32, #tpu.memory_space<vmem>> -> memref<64xi32, #tpu.memory_space<vmem>>
    %dma_start3A_107 = tpu.memref_slice %arg3[%add3A_102] : memref<16384xi32, #tpu.memory_space<hbm>> -> memref<64xi32, #tpu.memory_space<hbm>>
    %dma_start3A_108 = arith.constant 0 : i32
    %dma_start3A_109 = tpu.memref_slice %arg8[%dma_start3A_103, %dma_start3A_108] : memref<8x64xi32, #tpu.memory_space<vmem>> -> memref<1x64xi32, #tpu.memory_space<vmem>>
    %dma_start3A_110 = tpu.memref_squeeze %dma_start3A_109 : memref<1x64xi32, #tpu.memory_space<vmem>> -> memref<64xi32, #tpu.memory_space<vmem>>
    %dma_start3A_111 = tpu.memref_slice %arg3[%add3A_102] : memref<16384xi32, #tpu.memory_space<hbm>> -> memref<64xi32, #tpu.memory_space<hbm>>
    tpu.enqueue_dma source(%dma_start3A_111 : memref<64xi32, #tpu.memory_space<hbm>>) target(%dma_start3A_110 : memref<64xi32, #tpu.memory_space<vmem>>) target_semaphore(%arg12 : memref<!tpu.dma_semaphore, #tpu.memory_space<semaphore_mem>>)
    %add3A_112 = arith.constant 320 : i32
    %add3A_113 = arith.addi %mul3A_2, %add3A_112 : i32
    %dma_start3A_114 = arith.constant 5 : i32
    %dma_start3A_115 = arith.constant 0 : i32
    %dma_start3A_116 = tpu.memref_slice %arg7[%dma_start3A_114, %dma_start3A_115] : memref<8x64xi32, #tpu.memory_space<vmem>> -> memref<1x64xi32, #tpu.memory_space<vmem>>
    %dma_start3A_117 = tpu.memref_squeeze %dma_start3A_116 : memref<1x64xi32, #tpu.memory_space<vmem>> -> memref<64xi32, #tpu.memory_space<vmem>>
    %dma_start3A_118 = tpu.memref_slice %arg2[%add3A_113] : memref<16384xi32, #tpu.memory_space<hbm>> -> memref<64xi32, #tpu.memory_space<hbm>>
    %dma_start3A_119 = arith.constant 0 : i32
    %dma_start3A_120 = tpu.memref_slice %arg7[%dma_start3A_114, %dma_start3A_119] : memref<8x64xi32, #tpu.memory_space<vmem>> -> memref<1x64xi32, #tpu.memory_space<vmem>>
    %dma_start3A_121 = tpu.memref_squeeze %dma_start3A_120 : memref<1x64xi32, #tpu.memory_space<vmem>> -> memref<64xi32, #tpu.memory_space<vmem>>
    %dma_start3A_122 = tpu.memref_slice %arg2[%add3A_113] : memref<16384xi32, #tpu.memory_space<hbm>> -> memref<64xi32, #tpu.memory_space<hbm>>
    tpu.enqueue_dma source(%dma_start3A_122 : memref<64xi32, #tpu.memory_space<hbm>>) target(%dma_start3A_121 : memref<64xi32, #tpu.memory_space<vmem>>) target_semaphore(%arg12 : memref<!tpu.dma_semaphore, #tpu.memory_space<semaphore_mem>>)
    %add3A_123 = arith.constant 320 : i32
    %add3A_124 = arith.addi %mul3A_2, %add3A_123 : i32
    %dma_start3A_125 = arith.constant 5 : i32
    %dma_start3A_126 = arith.constant 0 : i32
    %dma_start3A_127 = tpu.memref_slice %arg8[%dma_start3A_125, %dma_start3A_126] : memref<8x64xi32, #tpu.memory_space<vmem>> -> memref<1x64xi32, #tpu.memory_space<vmem>>
    %dma_start3A_128 = tpu.memref_squeeze %dma_start3A_127 : memref<1x64xi32, #tpu.memory_space<vmem>> -> memref<64xi32, #tpu.memory_space<vmem>>
    %dma_start3A_129 = tpu.memref_slice %arg3[%add3A_124] : memref<16384xi32, #tpu.memory_space<hbm>> -> memref<64xi32, #tpu.memory_space<hbm>>
    %dma_start3A_130 = arith.constant 0 : i32
    %dma_start3A_131 = tpu.memref_slice %arg8[%dma_start3A_125, %dma_start3A_130] : memref<8x64xi32, #tpu.memory_space<vmem>> -> memref<1x64xi32, #tpu.memory_space<vmem>>
    %dma_start3A_132 = tpu.memref_squeeze %dma_start3A_131 : memref<1x64xi32, #tpu.memory_space<vmem>> -> memref<64xi32, #tpu.memory_space<vmem>>
    %dma_start3A_133 = tpu.memref_slice %arg3[%add3A_124] : memref<16384xi32, #tpu.memory_space<hbm>> -> memref<64xi32, #tpu.memory_space<hbm>>
    tpu.enqueue_dma source(%dma_start3A_133 : memref<64xi32, #tpu.memory_space<hbm>>) target(%dma_start3A_132 : memref<64xi32, #tpu.memory_space<vmem>>) target_semaphore(%arg12 : memref<!tpu.dma_semaphore, #tpu.memory_space<semaphore_mem>>)
    %add3A_134 = arith.constant 384 : i32
    %add3A_135 = arith.addi %mul3A_2, %add3A_134 : i32
    %dma_start3A_136 = arith.constant 6 : i32
    %dma_start3A_137 = arith.constant 0 : i32
    %dma_start3A_138 = tpu.memref_slice %arg7[%dma_start3A_136, %dma_start3A_137] : memref<8x64xi32, #tpu.memory_space<vmem>> -> memref<1x64xi32, #tpu.memory_space<vmem>>
    %dma_start3A_139 = tpu.memref_squeeze %dma_start3A_138 : memref<1x64xi32, #tpu.memory_space<vmem>> -> memref<64xi32, #tpu.memory_space<vmem>>
    %dma_start3A_140 = tpu.memref_slice %arg2[%add3A_135] : memref<16384xi32, #tpu.memory_space<hbm>> -> memref<64xi32, #tpu.memory_space<hbm>>
    %dma_start3A_141 = arith.constant 0 : i32
    %dma_start3A_142 = tpu.memref_slice %arg7[%dma_start3A_136, %dma_start3A_141] : memref<8x64xi32, #tpu.memory_space<vmem>> -> memref<1x64xi32, #tpu.memory_space<vmem>>
    %dma_start3A_143 = tpu.memref_squeeze %dma_start3A_142 : memref<1x64xi32, #tpu.memory_space<vmem>> -> memref<64xi32, #tpu.memory_space<vmem>>
    %dma_start3A_144 = tpu.memref_slice %arg2[%add3A_135] : memref<16384xi32, #tpu.memory_space<hbm>> -> memref<64xi32, #tpu.memory_space<hbm>>
    tpu.enqueue_dma source(%dma_start3A_144 : memref<64xi32, #tpu.memory_space<hbm>>) target(%dma_start3A_143 : memref<64xi32, #tpu.memory_space<vmem>>) target_semaphore(%arg12 : memref<!tpu.dma_semaphore, #tpu.memory_space<semaphore_mem>>)
    %add3A_145 = arith.constant 384 : i32
    %add3A_146 = arith.addi %mul3A_2, %add3A_145 : i32
    %dma_start3A_147 = arith.constant 6 : i32
    %dma_start3A_148 = arith.constant 0 : i32
    %dma_start3A_149 = tpu.memref_slice %arg8[%dma_start3A_147, %dma_start3A_148] : memref<8x64xi32, #tpu.memory_space<vmem>> -> memref<1x64xi32, #tpu.memory_space<vmem>>
    %dma_start3A_150 = tpu.memref_squeeze %dma_start3A_149 : memref<1x64xi32, #tpu.memory_space<vmem>> -> memref<64xi32, #tpu.memory_space<vmem>>
    %dma_start3A_151 = tpu.memref_slice %arg3[%add3A_146] : memref<16384xi32, #tpu.memory_space<hbm>> -> memref<64xi32, #tpu.memory_space<hbm>>
    %dma_start3A_152 = arith.constant 0 : i32
    %dma_start3A_153 = tpu.memref_slice %arg8[%dma_start3A_147, %dma_start3A_152] : memref<8x64xi32, #tpu.memory_space<vmem>> -> memref<1x64xi32, #tpu.memory_space<vmem>>
    %dma_start3A_154 = tpu.memref_squeeze %dma_start3A_153 : memref<1x64xi32, #tpu.memory_space<vmem>> -> memref<64xi32, #tpu.memory_space<vmem>>
    %dma_start3A_155 = tpu.memref_slice %arg3[%add3A_146] : memref<16384xi32, #tpu.memory_space<hbm>> -> memref<64xi32, #tpu.memory_space<hbm>>
    tpu.enqueue_dma source(%dma_start3A_155 : memref<64xi32, #tpu.memory_space<hbm>>) target(%dma_start3A_154 : memref<64xi32, #tpu.memory_space<vmem>>) target_semaphore(%arg12 : memref<!tpu.dma_semaphore, #tpu.memory_space<semaphore_mem>>)
    %add3A_156 = arith.constant 448 : i32
    %add3A_157 = arith.addi %mul3A_2, %add3A_156 : i32
    %dma_start3A_158 = arith.constant 7 : i32
    %dma_start3A_159 = arith.constant 0 : i32
    %dma_start3A_160 = tpu.memref_slice %arg7[%dma_start3A_158, %dma_start3A_159] : memref<8x64xi32, #tpu.memory_space<vmem>> -> memref<1x64xi32, #tpu.memory_space<vmem>>
    %dma_start3A_161 = tpu.memref_squeeze %dma_start3A_160 : memref<1x64xi32, #tpu.memory_space<vmem>> -> memref<64xi32, #tpu.memory_space<vmem>>
    %dma_start3A_162 = tpu.memref_slice %arg2[%add3A_157] : memref<16384xi32, #tpu.memory_space<hbm>> -> memref<64xi32, #tpu.memory_space<hbm>>
    %dma_start3A_163 = arith.constant 0 : i32
    %dma_start3A_164 = tpu.memref_slice %arg7[%dma_start3A_158, %dma_start3A_163] : memref<8x64xi32, #tpu.memory_space<vmem>> -> memref<1x64xi32, #tpu.memory_space<vmem>>
    %dma_start3A_165 = tpu.memref_squeeze %dma_start3A_164 : memref<1x64xi32, #tpu.memory_space<vmem>> -> memref<64xi32, #tpu.memory_space<vmem>>
    %dma_start3A_166 = tpu.memref_slice %arg2[%add3A_157] : memref<16384xi32, #tpu.memory_space<hbm>> -> memref<64xi32, #tpu.memory_space<hbm>>
    tpu.enqueue_dma source(%dma_start3A_166 : memref<64xi32, #tpu.memory_space<hbm>>) target(%dma_start3A_165 : memref<64xi32, #tpu.memory_space<vmem>>) target_semaphore(%arg12 : memref<!tpu.dma_semaphore, #tpu.memory_space<semaphore_mem>>)
    %add3A_167 = arith.constant 448 : i32
    %add3A_168 = arith.addi %mul3A_2, %add3A_167 : i32
    %dma_start3A_169 = arith.constant 7 : i32
    %dma_start3A_170 = arith.constant 0 : i32
    %dma_start3A_171 = tpu.memref_slice %arg8[%dma_start3A_169, %dma_start3A_170] : memref<8x64xi32, #tpu.memory_space<vmem>> -> memref<1x64xi32, #tpu.memory_space<vmem>>
    %dma_start3A_172 = tpu.memref_squeeze %dma_start3A_171 : memref<1x64xi32, #tpu.memory_space<vmem>> -> memref<64xi32, #tpu.memory_space<vmem>>
    %dma_start3A_173 = tpu.memref_slice %arg3[%add3A_168] : memref<16384xi32, #tpu.memory_space<hbm>> -> memref<64xi32, #tpu.memory_space<hbm>>
    %dma_start3A_174 = arith.constant 0 : i32
    %dma_start3A_175 = tpu.memref_slice %arg8[%dma_start3A_169, %dma_start3A_174] : memref<8x64xi32, #tpu.memory_space<vmem>> -> memref<1x64xi32, #tpu.memory_space<vmem>>
    %dma_start3A_176 = tpu.memref_squeeze %dma_start3A_175 : memref<1x64xi32, #tpu.memory_space<vmem>> -> memref<64xi32, #tpu.memory_space<vmem>>
    %dma_start3A_177 = tpu.memref_slice %arg3[%add3A_168] : memref<16384xi32, #tpu.memory_space<hbm>> -> memref<64xi32, #tpu.memory_space<hbm>>
    tpu.enqueue_dma source(%dma_start3A_177 : memref<64xi32, #tpu.memory_space<hbm>>) target(%dma_start3A_176 : memref<64xi32, #tpu.memory_space<vmem>>) target_semaphore(%arg12 : memref<!tpu.dma_semaphore, #tpu.memory_space<semaphore_mem>>)
    %iota3A = tpu.iota {dimensions = array<i32: 0>} : vector<16xi32>
    %xor3A = arith.constant 8 : i32
    %xor3A_178 = vector.broadcast %xor3A : i32 to vector<16xi32>
    %xor3A_179 = arith.xori %iota3A, %xor3A_178 : vector<16xi32>
    %xor3A_180 = arith.constant 4 : i32
    %xor3A_181 = vector.broadcast %xor3A_180 : i32 to vector<16xi32>
    %xor3A_182 = arith.xori %iota3A, %xor3A_181 : vector<16xi32>
    %xor3A_183 = arith.constant 2 : i32
    %xor3A_184 = vector.broadcast %xor3A_183 : i32 to vector<16xi32>
    %xor3A_185 = arith.xori %iota3A, %xor3A_184 : vector<16xi32>
    %xor3A_186 = arith.constant 1 : i32
    %xor3A_187 = vector.broadcast %xor3A_186 : i32 to vector<16xi32>
    %xor3A_188 = arith.xori %iota3A, %xor3A_187 : vector<16xi32>
    %dma_wait3A = arith.constant 0 : i32
    %dma_wait3A_189 = arith.constant 0 : i32
    %dma_wait3A_190 = tpu.memref_slice %arg7[%dma_wait3A, %dma_wait3A_189] : memref<8x64xi32, #tpu.memory_space<vmem>> -> memref<1x64xi32, #tpu.memory_space<vmem>>
    %dma_wait3A_191 = tpu.memref_squeeze %dma_wait3A_190 : memref<1x64xi32, #tpu.memory_space<vmem>> -> memref<64xi32, #tpu.memory_space<vmem>>
    %dma_wait3A_192 = tpu.memref_slice %arg2[%add3A_4] : memref<16384xi32, #tpu.memory_space<hbm>> -> memref<64xi32, #tpu.memory_space<hbm>>
    %dma_wait3A_193 = arith.constant 0 : i32
    %dma_wait3A_194 = tpu.memref_slice %arg7[%dma_wait3A, %dma_wait3A_193] : memref<8x64xi32, #tpu.memory_space<vmem>> -> memref<1x64xi32, #tpu.memory_space<vmem>>
    %dma_wait3A_195 = tpu.memref_squeeze %dma_wait3A_194 : memref<1x64xi32, #tpu.memory_space<vmem>> -> memref<64xi32, #tpu.memory_space<vmem>>
    %dma_wait3A_196 = tpu.memref_slice %arg2[%add3A_4] : memref<16384xi32, #tpu.memory_space<hbm>> -> memref<64xi32, #tpu.memory_space<hbm>>
    tpu.wait_dma2 semaphore(%arg13 : memref<!tpu.dma_semaphore, #tpu.memory_space<semaphore_mem>>) src(%dma_wait3A_196 : memref<64xi32, #tpu.memory_space<hbm>>) dst(%dma_wait3A_195 : memref<64xi32, #tpu.memory_space<vmem>>)
    %dma_wait3A_197 = arith.constant 0 : i32
    %dma_wait3A_198 = arith.constant 0 : i32
    %dma_wait3A_199 = tpu.memref_slice %arg8[%dma_wait3A_197, %dma_wait3A_198] : memref<8x64xi32, #tpu.memory_space<vmem>> -> memref<1x64xi32, #tpu.memory_space<vmem>>
    %dma_wait3A_200 = tpu.memref_squeeze %dma_wait3A_199 : memref<1x64xi32, #tpu.memory_space<vmem>> -> memref<64xi32, #tpu.memory_space<vmem>>
    %dma_wait3A_201 = tpu.memref_slice %arg3[%add3A_14] : memref<16384xi32, #tpu.memory_space<hbm>> -> memref<64xi32, #tpu.memory_space<hbm>>
    %dma_wait3A_202 = arith.constant 0 : i32
    %dma_wait3A_203 = tpu.memref_slice %arg8[%dma_wait3A_197, %dma_wait3A_202] : memref<8x64xi32, #tpu.memory_space<vmem>> -> memref<1x64xi32, #tpu.memory_space<vmem>>
    %dma_wait3A_204 = tpu.memref_squeeze %dma_wait3A_203 : memref<1x64xi32, #tpu.memory_space<vmem>> -> memref<64xi32, #tpu.memory_space<vmem>>
    %dma_wait3A_205 = tpu.memref_slice %arg3[%add3A_14] : memref<16384xi32, #tpu.memory_space<hbm>> -> memref<64xi32, #tpu.memory_space<hbm>>
    tpu.wait_dma2 semaphore(%arg15 : memref<!tpu.dma_semaphore, #tpu.memory_space<semaphore_mem>>) src(%dma_wait3A_205 : memref<64xi32, #tpu.memory_space<hbm>>) dst(%dma_wait3A_204 : memref<64xi32, #tpu.memory_space<vmem>>)
    %dma_start3A_206 = arith.constant 0 : i32
    %dma_start3A_207 = arith.constant 0 : i32
    %dma_start3A_208 = arith.constant 0 : i32
    %dma_start3A_209 = arith.constant 0 : i32
    %dma_start3A_210 = tpu.memref_slice %arg9[%dma_start3A_207, %dma_start3A_208, %dma_start3A_209] : memref<4x64x128xf32, #tpu.memory_space<vmem>> -> memref<1x64x128xf32, #tpu.memory_space<vmem>>
    %dma_start3A_211 = tpu.memref_squeeze %dma_start3A_210 : memref<1x64x128xf32, #tpu.memory_space<vmem>> -> memref<64x128xf32, #tpu.memory_space<vmem>>
    %dma_start3A_212 = arith.constant 0 : i32
    %dma_start3A_213 = tpu.memref_slice %arg7[%dma_start3A_206, %dma_start3A_212] : memref<8x64xi32, #tpu.memory_space<vmem>> -> memref<1x64xi32, #tpu.memory_space<vmem>>
    %dma_start3A_214 = tpu.memref_squeeze %dma_start3A_213 : memref<1x64xi32, #tpu.memory_space<vmem>> -> memref<64xi32, #tpu.memory_space<vmem>>
    %dma_start3A_215 = arith.constant 0 : i32
    %dma_start3A_216 = arith.constant 0 : i32
    %dma_start3A_217 = tpu.memref_slice %arg4[%dma_start3A_215, %dma_start3A_216] : memref<100000x128xf32, #tpu.memory_space<hbm>> -> memref<100000x128xf32, #tpu.memory_space<hbm>>
    tpu.enqueue_indirect_dma source(%dma_start3A_217 : memref<100000x128xf32, #tpu.memory_space<hbm>>) target(%dma_start3A_211 : memref<64x128xf32, #tpu.memory_space<vmem>>) offsets(%dma_start3A_214 : memref<64xi32, #tpu.memory_space<vmem>>) semaphore(%arg13 : memref<!tpu.dma_semaphore, #tpu.memory_space<semaphore_mem>>)
    %dma_start3A_218 = arith.constant 0 : i32
    %dma_start3A_219 = arith.constant 0 : i32
    %dma_start3A_220 = arith.constant 0 : i32
    %dma_start3A_221 = arith.constant 0 : i32
    %dma_start3A_222 = tpu.memref_slice %arg10[%dma_start3A_219, %dma_start3A_220, %dma_start3A_221] : memref<4x64x128xf32, #tpu.memory_space<vmem>> -> memref<1x64x128xf32, #tpu.memory_space<vmem>>
    %dma_start3A_223 = tpu.memref_squeeze %dma_start3A_222 : memref<1x64x128xf32, #tpu.memory_space<vmem>> -> memref<64x128xf32, #tpu.memory_space<vmem>>
    %dma_start3A_224 = arith.constant 0 : i32
    %dma_start3A_225 = tpu.memref_slice %arg8[%dma_start3A_218, %dma_start3A_224] : memref<8x64xi32, #tpu.memory_space<vmem>> -> memref<1x64xi32, #tpu.memory_space<vmem>>
    %dma_start3A_226 = tpu.memref_squeeze %dma_start3A_225 : memref<1x64xi32, #tpu.memory_space<vmem>> -> memref<64xi32, #tpu.memory_space<vmem>>
    %dma_start3A_227 = arith.constant 0 : i32
    %dma_start3A_228 = arith.constant 0 : i32
    %dma_start3A_229 = tpu.memref_slice %arg5[%dma_start3A_227, %dma_start3A_228] : memref<100000x128xf32, #tpu.memory_space<hbm>> -> memref<100000x128xf32, #tpu.memory_space<hbm>>
    tpu.enqueue_indirect_dma source(%dma_start3A_229 : memref<100000x128xf32, #tpu.memory_space<hbm>>) target(%dma_start3A_223 : memref<64x128xf32, #tpu.memory_space<vmem>>) offsets(%dma_start3A_226 : memref<64xi32, #tpu.memory_space<vmem>>) semaphore(%arg15 : memref<!tpu.dma_semaphore, #tpu.memory_space<semaphore_mem>>)
    %dma_wait3A_230 = arith.constant 1 : i32
    %dma_wait3A_231 = arith.constant 0 : i32
    %dma_wait3A_232 = tpu.memref_slice %arg7[%dma_wait3A_230, %dma_wait3A_231] : memref<8x64xi32, #tpu.memory_space<vmem>> -> memref<1x64xi32, #tpu.memory_space<vmem>>
    %dma_wait3A_233 = tpu.memref_squeeze %dma_wait3A_232 : memref<1x64xi32, #tpu.memory_space<vmem>> -> memref<64xi32, #tpu.memory_space<vmem>>
    %dma_wait3A_234 = tpu.memref_slice %arg2[%add3A_25] : memref<16384xi32, #tpu.memory_space<hbm>> -> memref<64xi32, #tpu.memory_space<hbm>>
    %dma_wait3A_235 = arith.constant 0 : i32
    %dma_wait3A_236 = tpu.memref_slice %arg7[%dma_wait3A_230, %dma_wait3A_235] : memref<8x64xi32, #tpu.memory_space<vmem>> -> memref<1x64xi32, #tpu.memory_space<vmem>>
    %dma_wait3A_237 = tpu.memref_squeeze %dma_wait3A_236 : memref<1x64xi32, #tpu.memory_space<vmem>> -> memref<64xi32, #tpu.memory_space<vmem>>
    %dma_wait3A_238 = tpu.memref_slice %arg2[%add3A_25] : memref<16384xi32, #tpu.memory_space<hbm>> -> memref<64xi32, #tpu.memory_space<hbm>>
    tpu.wait_dma2 semaphore(%arg14 : memref<!tpu.dma_semaphore, #tpu.memory_space<semaphore_mem>>) src(%dma_wait3A_238 : memref<64xi32, #tpu.memory_space<hbm>>) dst(%dma_wait3A_237 : memref<64xi32, #tpu.memory_space<vmem>>)
    %dma_wait3A_239 = arith.constant 1 : i32
    %dma_wait3A_240 = arith.constant 0 : i32
    %dma_wait3A_241 = tpu.memref_slice %arg8[%dma_wait3A_239, %dma_wait3A_240] : memref<8x64xi32, #tpu.memory_space<vmem>> -> memref<1x64xi32, #tpu.memory_space<vmem>>
    %dma_wait3A_242 = tpu.memref_squeeze %dma_wait3A_241 : memref<1x64xi32, #tpu.memory_space<vmem>> -> memref<64xi32, #tpu.memory_space<vmem>>
    %dma_wait3A_243 = tpu.memref_slice %arg3[%add3A_36] : memref<16384xi32, #tpu.memory_space<hbm>> -> memref<64xi32, #tpu.memory_space<hbm>>
    %dma_wait3A_244 = arith.constant 0 : i32
    %dma_wait3A_245 = tpu.memref_slice %arg8[%dma_wait3A_239, %dma_wait3A_244] : memref<8x64xi32, #tpu.memory_space<vmem>> -> memref<1x64xi32, #tpu.memory_space<vmem>>
    %dma_wait3A_246 = tpu.memref_squeeze %dma_wait3A_245 : memref<1x64xi32, #tpu.memory_space<vmem>> -> memref<64xi32, #tpu.memory_space<vmem>>
    %dma_wait3A_247 = tpu.memref_slice %arg3[%add3A_36] : memref<16384xi32, #tpu.memory_space<hbm>> -> memref<64xi32, #tpu.memory_space<hbm>>
    tpu.wait_dma2 semaphore(%arg16 : memref<!tpu.dma_semaphore, #tpu.memory_space<semaphore_mem>>) src(%dma_wait3A_247 : memref<64xi32, #tpu.memory_space<hbm>>) dst(%dma_wait3A_246 : memref<64xi32, #tpu.memory_space<vmem>>)
    %dma_start3A_248 = arith.constant 1 : i32
    %dma_start3A_249 = arith.constant 1 : i32
    %dma_start3A_250 = arith.constant 0 : i32
    %dma_start3A_251 = arith.constant 0 : i32
    %dma_start3A_252 = tpu.memref_slice %arg9[%dma_start3A_249, %dma_start3A_250, %dma_start3A_251] : memref<4x64x128xf32, #tpu.memory_space<vmem>> -> memref<1x64x128xf32, #tpu.memory_space<vmem>>
    %dma_start3A_253 = tpu.memref_squeeze %dma_start3A_252 : memref<1x64x128xf32, #tpu.memory_space<vmem>> -> memref<64x128xf32, #tpu.memory_space<vmem>>
    %dma_start3A_254 = arith.constant 0 : i32
    %dma_start3A_255 = tpu.memref_slice %arg7[%dma_start3A_248, %dma_start3A_254] : memref<8x64xi32, #tpu.memory_space<vmem>> -> memref<1x64xi32, #tpu.memory_space<vmem>>
    %dma_start3A_256 = tpu.memref_squeeze %dma_start3A_255 : memref<1x64xi32, #tpu.memory_space<vmem>> -> memref<64xi32, #tpu.memory_space<vmem>>
    %dma_start3A_257 = arith.constant 0 : i32
    %dma_start3A_258 = arith.constant 0 : i32
    %dma_start3A_259 = tpu.memref_slice %arg4[%dma_start3A_257, %dma_start3A_258] : memref<100000x128xf32, #tpu.memory_space<hbm>> -> memref<100000x128xf32, #tpu.memory_space<hbm>>
    tpu.enqueue_indirect_dma source(%dma_start3A_259 : memref<100000x128xf32, #tpu.memory_space<hbm>>) target(%dma_start3A_253 : memref<64x128xf32, #tpu.memory_space<vmem>>) offsets(%dma_start3A_256 : memref<64xi32, #tpu.memory_space<vmem>>) semaphore(%arg14 : memref<!tpu.dma_semaphore, #tpu.memory_space<semaphore_mem>>)
    %dma_start3A_260 = arith.constant 1 : i32
    %dma_start3A_261 = arith.constant 1 : i32
    %dma_start3A_262 = arith.constant 0 : i32
    %dma_start3A_263 = arith.constant 0 : i32
    %dma_start3A_264 = tpu.memref_slice %arg10[%dma_start3A_261, %dma_start3A_262, %dma_start3A_263] : memref<4x64x128xf32, #tpu.memory_space<vmem>> -> memref<1x64x128xf32, #tpu.memory_space<vmem>>
    %dma_start3A_265 = tpu.memref_squeeze %dma_start3A_264 : memref<1x64x128xf32, #tpu.memory_space<vmem>> -> memref<64x128xf32, #tpu.memory_space<vmem>>
    %dma_start3A_266 = arith.constant 0 : i32
    %dma_start3A_267 = tpu.memref_slice %arg8[%dma_start3A_260, %dma_start3A_266] : memref<8x64xi32, #tpu.memory_space<vmem>> -> memref<1x64xi32, #tpu.memory_space<vmem>>
    %dma_start3A_268 = tpu.memref_squeeze %dma_start3A_267 : memref<1x64xi32, #tpu.memory_space<vmem>> -> memref<64xi32, #tpu.memory_space<vmem>>
    %dma_start3A_269 = arith.constant 0 : i32
    %dma_start3A_270 = arith.constant 0 : i32
    %dma_start3A_271 = tpu.memref_slice %arg5[%dma_start3A_269, %dma_start3A_270] : memref<100000x128xf32, #tpu.memory_space<hbm>> -> memref<100000x128xf32, #tpu.memory_space<hbm>>
    tpu.enqueue_indirect_dma source(%dma_start3A_271 : memref<100000x128xf32, #tpu.memory_space<hbm>>) target(%dma_start3A_265 : memref<64x128xf32, #tpu.memory_space<vmem>>) offsets(%dma_start3A_268 : memref<64xi32, #tpu.memory_space<vmem>>) semaphore(%arg16 : memref<!tpu.dma_semaphore, #tpu.memory_space<semaphore_mem>>)
    %dma_wait3A_272 = arith.constant 2 : i32
    %dma_wait3A_273 = arith.constant 0 : i32
    %dma_wait3A_274 = tpu.memref_slice %arg7[%dma_wait3A_272, %dma_wait3A_273] : memref<8x64xi32, #tpu.memory_space<vmem>> -> memref<1x64xi32, #tpu.memory_space<vmem>>
    %dma_wait3A_275 = tpu.memref_squeeze %dma_wait3A_274 : memref<1x64xi32, #tpu.memory_space<vmem>> -> memref<64xi32, #tpu.memory_space<vmem>>
    %dma_wait3A_276 = tpu.memref_slice %arg2[%add3A_47] : memref<16384xi32, #tpu.memory_space<hbm>> -> memref<64xi32, #tpu.memory_space<hbm>>
    %dma_wait3A_277 = arith.constant 0 : i32
    %dma_wait3A_278 = tpu.memref_slice %arg7[%dma_wait3A_272, %dma_wait3A_277] : memref<8x64xi32, #tpu.memory_space<vmem>> -> memref<1x64xi32, #tpu.memory_space<vmem>>
    %dma_wait3A_279 = tpu.memref_squeeze %dma_wait3A_278 : memref<1x64xi32, #tpu.memory_space<vmem>> -> memref<64xi32, #tpu.memory_space<vmem>>
    %dma_wait3A_280 = tpu.memref_slice %arg2[%add3A_47] : memref<16384xi32, #tpu.memory_space<hbm>> -> memref<64xi32, #tpu.memory_space<hbm>>
    tpu.wait_dma2 semaphore(%arg12 : memref<!tpu.dma_semaphore, #tpu.memory_space<semaphore_mem>>) src(%dma_wait3A_280 : memref<64xi32, #tpu.memory_space<hbm>>) dst(%dma_wait3A_279 : memref<64xi32, #tpu.memory_space<vmem>>)
    %dma_wait3A_281 = arith.constant 2 : i32
    %dma_wait3A_282 = arith.constant 0 : i32
    %dma_wait3A_283 = tpu.memref_slice %arg8[%dma_wait3A_281, %dma_wait3A_282] : memref<8x64xi32, #tpu.memory_space<vmem>> -> memref<1x64xi32, #tpu.memory_space<vmem>>
    %dma_wait3A_284 = tpu.memref_squeeze %dma_wait3A_283 : memref<1x64xi32, #tpu.memory_space<vmem>> -> memref<64xi32, #tpu.memory_space<vmem>>
    %dma_wait3A_285 = tpu.memref_slice %arg3[%add3A_58] : memref<16384xi32, #tpu.memory_space<hbm>> -> memref<64xi32, #tpu.memory_space<hbm>>
    %dma_wait3A_286 = arith.constant 0 : i32
    %dma_wait3A_287 = tpu.memref_slice %arg8[%dma_wait3A_281, %dma_wait3A_286] : memref<8x64xi32, #tpu.memory_space<vmem>> -> memref<1x64xi32, #tpu.memory_space<vmem>>
    %dma_wait3A_288 = tpu.memref_squeeze %dma_wait3A_287 : memref<1x64xi32, #tpu.memory_space<vmem>> -> memref<64xi32, #tpu.memory_space<vmem>>
    %dma_wait3A_289 = tpu.memref_slice %arg3[%add3A_58] : memref<16384xi32, #tpu.memory_space<hbm>> -> memref<64xi32, #tpu.memory_space<hbm>>
    tpu.wait_dma2 semaphore(%arg12 : memref<!tpu.dma_semaphore, #tpu.memory_space<semaphore_mem>>) src(%dma_wait3A_289 : memref<64xi32, #tpu.memory_space<hbm>>) dst(%dma_wait3A_288 : memref<64xi32, #tpu.memory_space<vmem>>)
    %dma_wait3A_290 = arith.constant 3 : i32
    %dma_wait3A_291 = arith.constant 0 : i32
    %dma_wait3A_292 = tpu.memref_slice %arg7[%dma_wait3A_290, %dma_wait3A_291] : memref<8x64xi32, #tpu.memory_space<vmem>> -> memref<1x64xi32, #tpu.memory_space<vmem>>
    %dma_wait3A_293 = tpu.memref_squeeze %dma_wait3A_292 : memref<1x64xi32, #tpu.memory_space<vmem>> -> memref<64xi32, #tpu.memory_space<vmem>>
    %dma_wait3A_294 = tpu.memref_slice %arg2[%add3A_69] : memref<16384xi32, #tpu.memory_space<hbm>> -> memref<64xi32, #tpu.memory_space<hbm>>
    %dma_wait3A_295 = arith.constant 0 : i32
    %dma_wait3A_296 = tpu.memref_slice %arg7[%dma_wait3A_290, %dma_wait3A_295] : memref<8x64xi32, #tpu.memory_space<vmem>> -> memref<1x64xi32, #tpu.memory_space<vmem>>
    %dma_wait3A_297 = tpu.memref_squeeze %dma_wait3A_296 : memref<1x64xi32, #tpu.memory_space<vmem>> -> memref<64xi32, #tpu.memory_space<vmem>>
    %dma_wait3A_298 = tpu.memref_slice %arg2[%add3A_69] : memref<16384xi32, #tpu.memory_space<hbm>> -> memref<64xi32, #tpu.memory_space<hbm>>
    tpu.wait_dma2 semaphore(%arg12 : memref<!tpu.dma_semaphore, #tpu.memory_space<semaphore_mem>>) src(%dma_wait3A_298 : memref<64xi32, #tpu.memory_space<hbm>>) dst(%dma_wait3A_297 : memref<64xi32, #tpu.memory_space<vmem>>)
    %dma_wait3A_299 = arith.constant 3 : i32
    %dma_wait3A_300 = arith.constant 0 : i32
    %dma_wait3A_301 = tpu.memref_slice %arg8[%dma_wait3A_299, %dma_wait3A_300] : memref<8x64xi32, #tpu.memory_space<vmem>> -> memref<1x64xi32, #tpu.memory_space<vmem>>
    %dma_wait3A_302 = tpu.memref_squeeze %dma_wait3A_301 : memref<1x64xi32, #tpu.memory_space<vmem>> -> memref<64xi32, #tpu.memory_space<vmem>>
    %dma_wait3A_303 = tpu.memref_slice %arg3[%add3A_80] : memref<16384xi32, #tpu.memory_space<hbm>> -> memref<64xi32, #tpu.memory_space<hbm>>
    %dma_wait3A_304 = arith.constant 0 : i32
    %dma_wait3A_305 = tpu.memref_slice %arg8[%dma_wait3A_299, %dma_wait3A_304] : memref<8x64xi32, #tpu.memory_space<vmem>> -> memref<1x64xi32, #tpu.memory_space<vmem>>
    %dma_wait3A_306 = tpu.memref_squeeze %dma_wait3A_305 : memref<1x64xi32, #tpu.memory_space<vmem>> -> memref<64xi32, #tpu.memory_space<vmem>>
    %dma_wait3A_307 = tpu.memref_slice %arg3[%add3A_80] : memref<16384xi32, #tpu.memory_space<hbm>> -> memref<64xi32, #tpu.memory_space<hbm>>
    tpu.wait_dma2 semaphore(%arg12 : memref<!tpu.dma_semaphore, #tpu.memory_space<semaphore_mem>>) src(%dma_wait3A_307 : memref<64xi32, #tpu.memory_space<hbm>>) dst(%dma_wait3A_306 : memref<64xi32, #tpu.memory_space<vmem>>)
    %dma_wait3A_308 = arith.constant 4 : i32
    %dma_wait3A_309 = arith.constant 0 : i32
    %dma_wait3A_310 = tpu.memref_slice %arg7[%dma_wait3A_308, %dma_wait3A_309] : memref<8x64xi32, #tpu.memory_space<vmem>> -> memref<1x64xi32, #tpu.memory_space<vmem>>
    %dma_wait3A_311 = tpu.memref_squeeze %dma_wait3A_310 : memref<1x64xi32, #tpu.memory_space<vmem>> -> memref<64xi32, #tpu.memory_space<vmem>>
    %dma_wait3A_312 = tpu.memref_slice %arg2[%add3A_91] : memref<16384xi32, #tpu.memory_space<hbm>> -> memref<64xi32, #tpu.memory_space<hbm>>
    %dma_wait3A_313 = arith.constant 0 : i32
    %dma_wait3A_314 = tpu.memref_slice %arg7[%dma_wait3A_308, %dma_wait3A_313] : memref<8x64xi32, #tpu.memory_space<vmem>> -> memref<1x64xi32, #tpu.memory_space<vmem>>
    %dma_wait3A_315 = tpu.memref_squeeze %dma_wait3A_314 : memref<1x64xi32, #tpu.memory_space<vmem>> -> memref<64xi32, #tpu.memory_space<vmem>>
    %dma_wait3A_316 = tpu.memref_slice %arg2[%add3A_91] : memref<16384xi32, #tpu.memory_space<hbm>> -> memref<64xi32, #tpu.memory_space<hbm>>
    tpu.wait_dma2 semaphore(%arg12 : memref<!tpu.dma_semaphore, #tpu.memory_space<semaphore_mem>>) src(%dma_wait3A_316 : memref<64xi32, #tpu.memory_space<hbm>>) dst(%dma_wait3A_315 : memref<64xi32, #tpu.memory_space<vmem>>)
    %dma_wait3A_317 = arith.constant 4 : i32
    %dma_wait3A_318 = arith.constant 0 : i32
    %dma_wait3A_319 = tpu.memref_slice %arg8[%dma_wait3A_317, %dma_wait3A_318] : memref<8x64xi32, #tpu.memory_space<vmem>> -> memref<1x64xi32, #tpu.memory_space<vmem>>
    %dma_wait3A_320 = tpu.memref_squeeze %dma_wait3A_319 : memref<1x64xi32, #tpu.memory_space<vmem>> -> memref<64xi32, #tpu.memory_space<vmem>>
    %dma_wait3A_321 = tpu.memref_slice %arg3[%add3A_102] : memref<16384xi32, #tpu.memory_space<hbm>> -> memref<64xi32, #tpu.memory_space<hbm>>
    %dma_wait3A_322 = arith.constant 0 : i32
    %dma_wait3A_323 = tpu.memref_slice %arg8[%dma_wait3A_317, %dma_wait3A_322] : memref<8x64xi32, #tpu.memory_space<vmem>> -> memref<1x64xi32, #tpu.memory_space<vmem>>
    %dma_wait3A_324 = tpu.memref_squeeze %dma_wait3A_323 : memref<1x64xi32, #tpu.memory_space<vmem>> -> memref<64xi32, #tpu.memory_space<vmem>>
    %dma_wait3A_325 = tpu.memref_slice %arg3[%add3A_102] : memref<16384xi32, #tpu.memory_space<hbm>> -> memref<64xi32, #tpu.memory_space<hbm>>
    tpu.wait_dma2 semaphore(%arg12 : memref<!tpu.dma_semaphore, #tpu.memory_space<semaphore_mem>>) src(%dma_wait3A_325 : memref<64xi32, #tpu.memory_space<hbm>>) dst(%dma_wait3A_324 : memref<64xi32, #tpu.memory_space<vmem>>)
    %dma_wait3A_326 = arith.constant 5 : i32
    %dma_wait3A_327 = arith.constant 0 : i32
    %dma_wait3A_328 = tpu.memref_slice %arg7[%dma_wait3A_326, %dma_wait3A_327] : memref<8x64xi32, #tpu.memory_space<vmem>> -> memref<1x64xi32, #tpu.memory_space<vmem>>
    %dma_wait3A_329 = tpu.memref_squeeze %dma_wait3A_328 : memref<1x64xi32, #tpu.memory_space<vmem>> -> memref<64xi32, #tpu.memory_space<vmem>>
    %dma_wait3A_330 = tpu.memref_slice %arg2[%add3A_113] : memref<16384xi32, #tpu.memory_space<hbm>> -> memref<64xi32, #tpu.memory_space<hbm>>
    %dma_wait3A_331 = arith.constant 0 : i32
    %dma_wait3A_332 = tpu.memref_slice %arg7[%dma_wait3A_326, %dma_wait3A_331] : memref<8x64xi32, #tpu.memory_space<vmem>> -> memref<1x64xi32, #tpu.memory_space<vmem>>
    %dma_wait3A_333 = tpu.memref_squeeze %dma_wait3A_332 : memref<1x64xi32, #tpu.memory_space<vmem>> -> memref<64xi32, #tpu.memory_space<vmem>>
    %dma_wait3A_334 = tpu.memref_slice %arg2[%add3A_113] : memref<16384xi32, #tpu.memory_space<hbm>> -> memref<64xi32, #tpu.memory_space<hbm>>
    tpu.wait_dma2 semaphore(%arg12 : memref<!tpu.dma_semaphore, #tpu.memory_space<semaphore_mem>>) src(%dma_wait3A_334 : memref<64xi32, #tpu.memory_space<hbm>>) dst(%dma_wait3A_333 : memref<64xi32, #tpu.memory_space<vmem>>)
    %dma_wait3A_335 = arith.constant 5 : i32
    %dma_wait3A_336 = arith.constant 0 : i32
    %dma_wait3A_337 = tpu.memref_slice %arg8[%dma_wait3A_335, %dma_wait3A_336] : memref<8x64xi32, #tpu.memory_space<vmem>> -> memref<1x64xi32, #tpu.memory_space<vmem>>
    %dma_wait3A_338 = tpu.memref_squeeze %dma_wait3A_337 : memref<1x64xi32, #tpu.memory_space<vmem>> -> memref<64xi32, #tpu.memory_space<vmem>>
    %dma_wait3A_339 = tpu.memref_slice %arg3[%add3A_124] : memref<16384xi32, #tpu.memory_space<hbm>> -> memref<64xi32, #tpu.memory_space<hbm>>
    %dma_wait3A_340 = arith.constant 0 : i32
    %dma_wait3A_341 = tpu.memref_slice %arg8[%dma_wait3A_335, %dma_wait3A_340] : memref<8x64xi32, #tpu.memory_space<vmem>> -> memref<1x64xi32, #tpu.memory_space<vmem>>
    %dma_wait3A_342 = tpu.memref_squeeze %dma_wait3A_341 : memref<1x64xi32, #tpu.memory_space<vmem>> -> memref<64xi32, #tpu.memory_space<vmem>>
    %dma_wait3A_343 = tpu.memref_slice %arg3[%add3A_124] : memref<16384xi32, #tpu.memory_space<hbm>> -> memref<64xi32, #tpu.memory_space<hbm>>
    tpu.wait_dma2 semaphore(%arg12 : memref<!tpu.dma_semaphore, #tpu.memory_space<semaphore_mem>>) src(%dma_wait3A_343 : memref<64xi32, #tpu.memory_space<hbm>>) dst(%dma_wait3A_342 : memref<64xi32, #tpu.memory_space<vmem>>)
    %dma_wait3A_344 = arith.constant 6 : i32
    %dma_wait3A_345 = arith.constant 0 : i32
    %dma_wait3A_346 = tpu.memref_slice %arg7[%dma_wait3A_344, %dma_wait3A_345] : memref<8x64xi32, #tpu.memory_space<vmem>> -> memref<1x64xi32, #tpu.memory_space<vmem>>
    %dma_wait3A_347 = tpu.memref_squeeze %dma_wait3A_346 : memref<1x64xi32, #tpu.memory_space<vmem>> -> memref<64xi32, #tpu.memory_space<vmem>>
    %dma_wait3A_348 = tpu.memref_slice %arg2[%add3A_135] : memref<16384xi32, #tpu.memory_space<hbm>> -> memref<64xi32, #tpu.memory_space<hbm>>
    %dma_wait3A_349 = arith.constant 0 : i32
    %dma_wait3A_350 = tpu.memref_slice %arg7[%dma_wait3A_344, %dma_wait3A_349] : memref<8x64xi32, #tpu.memory_space<vmem>> -> memref<1x64xi32, #tpu.memory_space<vmem>>
    %dma_wait3A_351 = tpu.memref_squeeze %dma_wait3A_350 : memref<1x64xi32, #tpu.memory_space<vmem>> -> memref<64xi32, #tpu.memory_space<vmem>>
    %dma_wait3A_352 = tpu.memref_slice %arg2[%add3A_135] : memref<16384xi32, #tpu.memory_space<hbm>> -> memref<64xi32, #tpu.memory_space<hbm>>
    tpu.wait_dma2 semaphore(%arg12 : memref<!tpu.dma_semaphore, #tpu.memory_space<semaphore_mem>>) src(%dma_wait3A_352 : memref<64xi32, #tpu.memory_space<hbm>>) dst(%dma_wait3A_351 : memref<64xi32, #tpu.memory_space<vmem>>)
    %dma_wait3A_353 = arith.constant 6 : i32
    %dma_wait3A_354 = arith.constant 0 : i32
    %dma_wait3A_355 = tpu.memref_slice %arg8[%dma_wait3A_353, %dma_wait3A_354] : memref<8x64xi32, #tpu.memory_space<vmem>> -> memref<1x64xi32, #tpu.memory_space<vmem>>
    %dma_wait3A_356 = tpu.memref_squeeze %dma_wait3A_355 : memref<1x64xi32, #tpu.memory_space<vmem>> -> memref<64xi32, #tpu.memory_space<vmem>>
    %dma_wait3A_357 = tpu.memref_slice %arg3[%add3A_146] : memref<16384xi32, #tpu.memory_space<hbm>> -> memref<64xi32, #tpu.memory_space<hbm>>
    %dma_wait3A_358 = arith.constant 0 : i32
    %dma_wait3A_359 = tpu.memref_slice %arg8[%dma_wait3A_353, %dma_wait3A_358] : memref<8x64xi32, #tpu.memory_space<vmem>> -> memref<1x64xi32, #tpu.memory_space<vmem>>
    %dma_wait3A_360 = tpu.memref_squeeze %dma_wait3A_359 : memref<1x64xi32, #tpu.memory_space<vmem>> -> memref<64xi32, #tpu.memory_space<vmem>>
    %dma_wait3A_361 = tpu.memref_slice %arg3[%add3A_146] : memref<16384xi32, #tpu.memory_space<hbm>> -> memref<64xi32, #tpu.memory_space<hbm>>
    tpu.wait_dma2 semaphore(%arg12 : memref<!tpu.dma_semaphore, #tpu.memory_space<semaphore_mem>>) src(%dma_wait3A_361 : memref<64xi32, #tpu.memory_space<hbm>>) dst(%dma_wait3A_360 : memref<64xi32, #tpu.memory_space<vmem>>)
    %dma_wait3A_362 = arith.constant 7 : i32
    %dma_wait3A_363 = arith.constant 0 : i32
    %dma_wait3A_364 = tpu.memref_slice %arg7[%dma_wait3A_362, %dma_wait3A_363] : memref<8x64xi32, #tpu.memory_space<vmem>> -> memref<1x64xi32, #tpu.memory_space<vmem>>
    %dma_wait3A_365 = tpu.memref_squeeze %dma_wait3A_364 : memref<1x64xi32, #tpu.memory_space<vmem>> -> memref<64xi32, #tpu.memory_space<vmem>>
    %dma_wait3A_366 = tpu.memref_slice %arg2[%add3A_157] : memref<16384xi32, #tpu.memory_space<hbm>> -> memref<64xi32, #tpu.memory_space<hbm>>
    %dma_wait3A_367 = arith.constant 0 : i32
    %dma_wait3A_368 = tpu.memref_slice %arg7[%dma_wait3A_362, %dma_wait3A_367] : memref<8x64xi32, #tpu.memory_space<vmem>> -> memref<1x64xi32, #tpu.memory_space<vmem>>
    %dma_wait3A_369 = tpu.memref_squeeze %dma_wait3A_368 : memref<1x64xi32, #tpu.memory_space<vmem>> -> memref<64xi32, #tpu.memory_space<vmem>>
    %dma_wait3A_370 = tpu.memref_slice %arg2[%add3A_157] : memref<16384xi32, #tpu.memory_space<hbm>> -> memref<64xi32, #tpu.memory_space<hbm>>
    tpu.wait_dma2 semaphore(%arg12 : memref<!tpu.dma_semaphore, #tpu.memory_space<semaphore_mem>>) src(%dma_wait3A_370 : memref<64xi32, #tpu.memory_space<hbm>>) dst(%dma_wait3A_369 : memref<64xi32, #tpu.memory_space<vmem>>)
    %dma_wait3A_371 = arith.constant 7 : i32
    %dma_wait3A_372 = arith.constant 0 : i32
    %dma_wait3A_373 = tpu.memref_slice %arg8[%dma_wait3A_371, %dma_wait3A_372] : memref<8x64xi32, #tpu.memory_space<vmem>> -> memref<1x64xi32, #tpu.memory_space<vmem>>
    %dma_wait3A_374 = tpu.memref_squeeze %dma_wait3A_373 : memref<1x64xi32, #tpu.memory_space<vmem>> -> memref<64xi32, #tpu.memory_space<vmem>>
    %dma_wait3A_375 = tpu.memref_slice %arg3[%add3A_168] : memref<16384xi32, #tpu.memory_space<hbm>> -> memref<64xi32, #tpu.memory_space<hbm>>
    %dma_wait3A_376 = arith.constant 0 : i32
    %dma_wait3A_377 = tpu.memref_slice %arg8[%dma_wait3A_371, %dma_wait3A_376] : memref<8x64xi32, #tpu.memory_space<vmem>> -> memref<1x64xi32, #tpu.memory_space<vmem>>
    %dma_wait3A_378 = tpu.memref_squeeze %dma_wait3A_377 : memref<1x64xi32, #tpu.memory_space<vmem>> -> memref<64xi32, #tpu.memory_space<vmem>>
    %dma_wait3A_379 = tpu.memref_slice %arg3[%add3A_168] : memref<16384xi32, #tpu.memory_space<hbm>> -> memref<64xi32, #tpu.memory_space<hbm>>
    tpu.wait_dma2 semaphore(%arg12 : memref<!tpu.dma_semaphore, #tpu.memory_space<semaphore_mem>>) src(%dma_wait3A_379 : memref<64xi32, #tpu.memory_space<hbm>>) dst(%dma_wait3A_378 : memref<64xi32, #tpu.memory_space<vmem>>)
    %scan3A = arith.constant 0 : i32
    %scan3A_380 = arith.constant 0 : i32
    %scan3A_381 = arith.constant 4 : i32
    %scan3A_382 = arith.addi %scan3A_380, %scan3A_381 : i32
    %scan3A_383 = arith.constant 1 : i32
    %scan3A_384 = scf.for %scan3A_386 = %scan3A_380 to %scan3A_382 step %scan3A_383 iter_args(%scan3A_387 = %scan3A) -> (i32)  : i32 {
      %mul3A_388 = arith.constant 2 : i32
      %mul3A_389 = arith.muli %scan3A_386, %mul3A_388 : i32
      %jit3A = arith.constant 4 : i32
      %eq3A = arith.constant 0 : i32
      %eq3A_390 = arith.cmpi eq, %jit3A, %eq3A : i32
      %jit3A_391 = arith.constant 1 : i32
      %select_n3A = arith.select %eq3A_390, %jit3A_391, %jit3A : i32
      %rem3A = arith.remsi %mul3A_389, %select_n3A : i32
      %ne3A = arith.constant 0 : i32
      %ne3A_392 = arith.cmpi ne, %rem3A, %ne3A : i32
      %lt3A = arith.constant 0 : i32
      %lt3A_393 = arith.cmpi slt, %rem3A, %lt3A : i32
      %lt3A_394 = arith.constant 0 : i32
      %lt3A_395 = arith.cmpi slt, %select_n3A, %lt3A_394 : i32
      %ne3A_396 = arith.xori %lt3A_393, %lt3A_395 : i1
      %and3A = arith.andi %ne3A_396, %ne3A_392 : i1
      %add3A_397 = arith.addi %rem3A, %select_n3A : i32
      %select_n3A_398 = arith.select %and3A, %add3A_397, %rem3A : i32
      %dma_wait3A_399 = arith.constant 0 : i32
      %dma_wait3A_400 = arith.constant 0 : i32
      %dma_wait3A_401 = tpu.memref_slice %arg9[%select_n3A_398, %dma_wait3A_399, %dma_wait3A_400] : memref<4x64x128xf32, #tpu.memory_space<vmem>> -> memref<1x64x128xf32, #tpu.memory_space<vmem>>
      %dma_wait3A_402 = tpu.memref_squeeze %dma_wait3A_401 : memref<1x64x128xf32, #tpu.memory_space<vmem>> -> memref<64x128xf32, #tpu.memory_space<vmem>>
      %dma_wait3A_403 = arith.constant 0 : i32
      %dma_wait3A_404 = tpu.memref_slice %arg7[%mul3A_389, %dma_wait3A_403] : memref<8x64xi32, #tpu.memory_space<vmem>> -> memref<1x64xi32, #tpu.memory_space<vmem>>
      %dma_wait3A_405 = tpu.memref_squeeze %dma_wait3A_404 : memref<1x64xi32, #tpu.memory_space<vmem>> -> memref<64xi32, #tpu.memory_space<vmem>>
      %dma_wait3A_406 = arith.constant 0 : i32
      %dma_wait3A_407 = arith.constant 0 : i32
      %dma_wait3A_408 = tpu.memref_slice %arg4[%dma_wait3A_406, %dma_wait3A_407] : memref<100000x128xf32, #tpu.memory_space<hbm>> -> memref<100000x128xf32, #tpu.memory_space<hbm>>
      tpu.wait_indirect_dma semaphore(%arg13 : memref<!tpu.dma_semaphore, #tpu.memory_space<semaphore_mem>>) src(%dma_wait3A_408 : memref<100000x128xf32, #tpu.memory_space<hbm>>) dst(%dma_wait3A_402 : memref<64x128xf32, #tpu.memory_space<vmem>>)
      %dma_wait3A_409 = arith.constant 0 : i32
      %dma_wait3A_410 = arith.constant 0 : i32
      %dma_wait3A_411 = tpu.memref_slice %arg10[%select_n3A_398, %dma_wait3A_409, %dma_wait3A_410] : memref<4x64x128xf32, #tpu.memory_space<vmem>> -> memref<1x64x128xf32, #tpu.memory_space<vmem>>
      %dma_wait3A_412 = tpu.memref_squeeze %dma_wait3A_411 : memref<1x64x128xf32, #tpu.memory_space<vmem>> -> memref<64x128xf32, #tpu.memory_space<vmem>>
      %dma_wait3A_413 = arith.constant 0 : i32
      %dma_wait3A_414 = tpu.memref_slice %arg8[%mul3A_389, %dma_wait3A_413] : memref<8x64xi32, #tpu.memory_space<vmem>> -> memref<1x64xi32, #tpu.memory_space<vmem>>
      %dma_wait3A_415 = tpu.memref_squeeze %dma_wait3A_414 : memref<1x64xi32, #tpu.memory_space<vmem>> -> memref<64xi32, #tpu.memory_space<vmem>>
      %dma_wait3A_416 = arith.constant 0 : i32
      %dma_wait3A_417 = arith.constant 0 : i32
      %dma_wait3A_418 = tpu.memref_slice %arg5[%dma_wait3A_416, %dma_wait3A_417] : memref<100000x128xf32, #tpu.memory_space<hbm>> -> memref<100000x128xf32, #tpu.memory_space<hbm>>
      tpu.wait_indirect_dma semaphore(%arg15 : memref<!tpu.dma_semaphore, #tpu.memory_space<semaphore_mem>>) src(%dma_wait3A_418 : memref<100000x128xf32, #tpu.memory_space<hbm>>) dst(%dma_wait3A_412 : memref<64x128xf32, #tpu.memory_space<vmem>>)
      %add3A_419 = arith.constant 2 : i32
      %add3A_420 = arith.addi %mul3A_389, %add3A_419 : i32
      %lt3A_421 = arith.constant 8 : i32
      %lt3A_422 = arith.cmpi slt, %add3A_420, %lt3A_421 : i32
      %convert_element_type3A = arith.extui %lt3A_422 : i1 to i32
      %cond3A = arith.constant 0 : i32
      %cond3A_423 = arith.cmpi ne, %convert_element_type3A, %cond3A : i32
      scf.if %cond3A_423 {
        %add3A_519 = arith.constant 2 : i32
        %add3A_520 = arith.addi %mul3A_389, %add3A_519 : i32
        %jit3A_521 = arith.constant 4 : i32
        %eq3A_522 = arith.constant 0 : i32
        %eq3A_523 = arith.cmpi eq, %jit3A_521, %eq3A_522 : i32
        %jit3A_524 = arith.constant 1 : i32
        %select_n3A_525 = arith.select %eq3A_523, %jit3A_524, %jit3A_521 : i32
        %rem3A_526 = arith.remsi %add3A_520, %select_n3A_525 : i32
        %ne3A_527 = arith.constant 0 : i32
        %ne3A_528 = arith.cmpi ne, %rem3A_526, %ne3A_527 : i32
        %lt3A_529 = arith.constant 0 : i32
        %lt3A_530 = arith.cmpi slt, %rem3A_526, %lt3A_529 : i32
        %lt3A_531 = arith.constant 0 : i32
        %lt3A_532 = arith.cmpi slt, %select_n3A_525, %lt3A_531 : i32
        %ne3A_533 = arith.xori %lt3A_530, %lt3A_532 : i1
        %and3A_534 = arith.andi %ne3A_533, %ne3A_528 : i1
        %add3A_535 = arith.addi %rem3A_526, %select_n3A_525 : i32
        %select_n3A_536 = arith.select %and3A_534, %add3A_535, %rem3A_526 : i32
        %dma_start3A_537 = arith.constant 0 : i32
        %dma_start3A_538 = arith.constant 0 : i32
        %dma_start3A_539 = tpu.memref_slice %arg9[%select_n3A_536, %dma_start3A_537, %dma_start3A_538] : memref<4x64x128xf32, #tpu.memory_space<vmem>> -> memref<1x64x128xf32, #tpu.memory_space<vmem>>
        %dma_start3A_540 = tpu.memref_squeeze %dma_start3A_539 : memref<1x64x128xf32, #tpu.memory_space<vmem>> -> memref<64x128xf32, #tpu.memory_space<vmem>>
        %dma_start3A_541 = arith.constant 0 : i32
        %dma_start3A_542 = tpu.memref_slice %arg7[%add3A_520, %dma_start3A_541] : memref<8x64xi32, #tpu.memory_space<vmem>> -> memref<1x64xi32, #tpu.memory_space<vmem>>
        %dma_start3A_543 = tpu.memref_squeeze %dma_start3A_542 : memref<1x64xi32, #tpu.memory_space<vmem>> -> memref<64xi32, #tpu.memory_space<vmem>>
        %dma_start3A_544 = arith.constant 0 : i32
        %dma_start3A_545 = arith.constant 0 : i32
        %dma_start3A_546 = tpu.memref_slice %arg4[%dma_start3A_544, %dma_start3A_545] : memref<100000x128xf32, #tpu.memory_space<hbm>> -> memref<100000x128xf32, #tpu.memory_space<hbm>>
        tpu.enqueue_indirect_dma source(%dma_start3A_546 : memref<100000x128xf32, #tpu.memory_space<hbm>>) target(%dma_start3A_540 : memref<64x128xf32, #tpu.memory_space<vmem>>) offsets(%dma_start3A_543 : memref<64xi32, #tpu.memory_space<vmem>>) semaphore(%arg13 : memref<!tpu.dma_semaphore, #tpu.memory_space<semaphore_mem>>)
        %dma_start3A_547 = arith.constant 0 : i32
        %dma_start3A_548 = arith.constant 0 : i32
        %dma_start3A_549 = tpu.memref_slice %arg10[%select_n3A_536, %dma_start3A_547, %dma_start3A_548] : memref<4x64x128xf32, #tpu.memory_space<vmem>> -> memref<1x64x128xf32, #tpu.memory_space<vmem>>
        %dma_start3A_550 = tpu.memref_squeeze %dma_start3A_549 : memref<1x64x128xf32, #tpu.memory_space<vmem>> -> memref<64x128xf32, #tpu.memory_space<vmem>>
        %dma_start3A_551 = arith.constant 0 : i32
        %dma_start3A_552 = tpu.memref_slice %arg8[%add3A_520, %dma_start3A_551] : memref<8x64xi32, #tpu.memory_space<vmem>> -> memref<1x64xi32, #tpu.memory_space<vmem>>
        %dma_start3A_553 = tpu.memref_squeeze %dma_start3A_552 : memref<1x64xi32, #tpu.memory_space<vmem>> -> memref<64xi32, #tpu.memory_space<vmem>>
        %dma_start3A_554 = arith.constant 0 : i32
        %dma_start3A_555 = arith.constant 0 : i32
        %dma_start3A_556 = tpu.memref_slice %arg5[%dma_start3A_554, %dma_start3A_555] : memref<100000x128xf32, #tpu.memory_space<hbm>> -> memref<100000x128xf32, #tpu.memory_space<hbm>>
        tpu.enqueue_indirect_dma source(%dma_start3A_556 : memref<100000x128xf32, #tpu.memory_space<hbm>>) target(%dma_start3A_550 : memref<64x128xf32, #tpu.memory_space<vmem>>) offsets(%dma_start3A_553 : memref<64xi32, #tpu.memory_space<vmem>>) semaphore(%arg15 : memref<!tpu.dma_semaphore, #tpu.memory_space<semaphore_mem>>)
      } else {
      }
      %jit3A_424 = arith.constant 4 : i32
      %eq3A_425 = arith.constant 0 : i32
      %eq3A_426 = arith.cmpi eq, %jit3A_424, %eq3A_425 : i32
      %jit3A_427 = arith.constant 1 : i32
      %select_n3A_428 = arith.select %eq3A_426, %jit3A_427, %jit3A_424 : i32
      %rem3A_429 = arith.remsi %mul3A_389, %select_n3A_428 : i32
      %ne3A_430 = arith.constant 0 : i32
      %ne3A_431 = arith.cmpi ne, %rem3A_429, %ne3A_430 : i32
      %lt3A_432 = arith.constant 0 : i32
      %lt3A_433 = arith.cmpi slt, %rem3A_429, %lt3A_432 : i32
      %lt3A_434 = arith.constant 0 : i32
      %lt3A_435 = arith.cmpi slt, %select_n3A_428, %lt3A_434 : i32
      %ne3A_436 = arith.xori %lt3A_433, %lt3A_435 : i1
      %and3A_437 = arith.andi %ne3A_436, %ne3A_431 : i1
      %add3A_438 = arith.addi %rem3A_429, %select_n3A_428 : i32
      %select_n3A_439 = arith.select %and3A_437, %add3A_438, %rem3A_429 : i32
      %broadcast_in_dim3A = arith.constant 0.000000e+00 : f32
      %broadcast_in_dim3A_440 = vector.broadcast %broadcast_in_dim3A : f32 to vector<16xf32>
      %scan3A_441 = arith.constant 0 : i32
      %scan3A_442 = arith.constant 17 : i32
      %scan3A_443 = arith.addi %scan3A_441, %scan3A_442 : i32
      %scan3A_444 = arith.constant 1 : i32
      %scan3A_445:5 = scf.for %scan3A_519 = %scan3A_441 to %scan3A_443 step %scan3A_444 iter_args(%scan3A_520 = %broadcast_in_dim3A_440, %scan3A_521 = %broadcast_in_dim3A_440, %scan3A_522 = %broadcast_in_dim3A_440, %scan3A_523 = %broadcast_in_dim3A_440, %scan3A_524 = %broadcast_in_dim3A_440) -> (vector<16xf32>, vector<16xf32>, vector<16xf32>, vector<16xf32>, vector<16xf32>)  : i32 {
        %sub3A = arith.constant 1 : i32
        %sub3A_525 = arith.subi %scan3A_519, %sub3A : i32
        %jit3A_526 = arith.constant 4 : i32
        %eq3A_527 = arith.constant 0 : i32
        %eq3A_528 = arith.cmpi eq, %jit3A_526, %eq3A_527 : i32
        %jit3A_529 = arith.constant 1 : i32
        %select_n3A_530 = arith.select %eq3A_528, %jit3A_529, %jit3A_526 : i32
        %rem3A_531 = arith.remsi %sub3A_525, %select_n3A_530 : i32
        %ne3A_532 = arith.constant 0 : i32
        %ne3A_533 = arith.cmpi ne, %rem3A_531, %ne3A_532 : i32
        %lt3A_534 = arith.constant 0 : i32
        %lt3A_535 = arith.cmpi slt, %rem3A_531, %lt3A_534 : i32
        %lt3A_536 = arith.constant 0 : i32
        %lt3A_537 = arith.cmpi slt, %select_n3A_530, %lt3A_536 : i32
        %ne3A_538 = arith.xori %lt3A_535, %lt3A_537 : i1
        %and3A_539 = arith.andi %ne3A_538, %ne3A_533 : i1
        %add3A_540 = arith.addi %rem3A_531, %select_n3A_530 : i32
        %select_n3A_541 = arith.select %and3A_539, %add3A_540, %rem3A_531 : i32
        %mul3A_542 = arith.constant 4 : i32
        %mul3A_543 = arith.muli %select_n3A_541, %mul3A_542 : i32
        %broadcast_in_dim3A_544 = vector.shape_cast %xor3A_179 : vector<16xi32> to vector<16x1xi32>
        %gather3A = vector.shape_cast %broadcast_in_dim3A_544 : vector<16x1xi32> to vector<16xi32>
        %gather3A_545 = tpu.dynamic_gather %scan3A_520[%gather3A] in [0] : vector<16xf32>, vector<16xi32> -> vector<16xf32>
        %add3A_546 = arith.addf %scan3A_520, %gather3A_545 : vector<16xf32>
        %broadcast_in_dim3A_547 = vector.shape_cast %xor3A_182 : vector<16xi32> to vector<16x1xi32>
        %gather3A_548 = vector.shape_cast %broadcast_in_dim3A_547 : vector<16x1xi32> to vector<16xi32>
        %gather3A_549 = tpu.dynamic_gather %add3A_546[%gather3A_548] in [0] : vector<16xf32>, vector<16xi32> -> vector<16xf32>
        %add3A_550 = arith.addf %add3A_546, %gather3A_549 : vector<16xf32>
        %broadcast_in_dim3A_551 = vector.shape_cast %xor3A_185 : vector<16xi32> to vector<16x1xi32>
        %gather3A_552 = vector.shape_cast %broadcast_in_dim3A_551 : vector<16x1xi32> to vector<16xi32>
        %gather3A_553 = tpu.dynamic_gather %add3A_550[%gather3A_552] in [0] : vector<16xf32>, vector<16xi32> -> vector<16xf32>
        %add3A_554 = arith.addf %add3A_550, %gather3A_553 : vector<16xf32>
        %broadcast_in_dim3A_555 = vector.shape_cast %xor3A_188 : vector<16xi32> to vector<16x1xi32>
        %gather3A_556 = vector.shape_cast %broadcast_in_dim3A_555 : vector<16x1xi32> to vector<16xi32>
        %gather3A_557 = tpu.dynamic_gather %add3A_554[%gather3A_556] in [0] : vector<16xf32>, vector<16xi32> -> vector<16xf32>
        %add3A_558 = arith.addf %add3A_554, %gather3A_557 : vector<16xf32>
        %add3A_559 = arith.constant 0 : i32
        %add3A_560 = arith.addi %mul3A_543, %add3A_559 : i32
        %eq3A_561 = vector.broadcast %add3A_560 : i32 to vector<16xi32>
        %eq3A_562 = arith.cmpi eq, %iota3A, %eq3A_561 : vector<16xi32>
        %select_n3A_563 = arith.select %eq3A_562, %add3A_558, %scan3A_524 : vector<16xi1>, vector<16xf32>
        %broadcast_in_dim3A_564 = vector.shape_cast %xor3A_179 : vector<16xi32> to vector<16x1xi32>
        %gather3A_565 = vector.shape_cast %broadcast_in_dim3A_564 : vector<16x1xi32> to vector<16xi32>
        %gather3A_566 = tpu.dynamic_gather %scan3A_521[%gather3A_565] in [0] : vector<16xf32>, vector<16xi32> -> vector<16xf32>
        %add3A_567 = arith.addf %scan3A_521, %gather3A_566 : vector<16xf32>
        %broadcast_in_dim3A_568 = vector.shape_cast %xor3A_182 : vector<16xi32> to vector<16x1xi32>
        %gather3A_569 = vector.shape_cast %broadcast_in_dim3A_568 : vector<16x1xi32> to vector<16xi32>
        %gather3A_570 = tpu.dynamic_gather %add3A_567[%gather3A_569] in [0] : vector<16xf32>, vector<16xi32> -> vector<16xf32>
        %add3A_571 = arith.addf %add3A_567, %gather3A_570 : vector<16xf32>
        %broadcast_in_dim3A_572 = vector.shape_cast %xor3A_185 : vector<16xi32> to vector<16x1xi32>
        %gather3A_573 = vector.shape_cast %broadcast_in_dim3A_572 : vector<16x1xi32> to vector<16xi32>
        %gather3A_574 = tpu.dynamic_gather %add3A_571[%gather3A_573] in [0] : vector<16xf32>, vector<16xi32> -> vector<16xf32>
        %add3A_575 = arith.addf %add3A_571, %gather3A_574 : vector<16xf32>
        %broadcast_in_dim3A_576 = vector.shape_cast %xor3A_188 : vector<16xi32> to vector<16x1xi32>
        %gather3A_577 = vector.shape_cast %broadcast_in_dim3A_576 : vector<16x1xi32> to vector<16xi32>
        %gather3A_578 = tpu.dynamic_gather %add3A_575[%gather3A_577] in [0] : vector<16xf32>, vector<16xi32> -> vector<16xf32>
        %add3A_579 = arith.addf %add3A_575, %gather3A_578 : vector<16xf32>
        %add3A_580 = arith.constant 1 : i32
        %add3A_581 = arith.addi %mul3A_543, %add3A_580 : i32
        %eq3A_582 = vector.broadcast %add3A_581 : i32 to vector<16xi32>
        %eq3A_583 = arith.cmpi eq, %iota3A, %eq3A_582 : vector<16xi32>
        %select_n3A_584 = arith.select %eq3A_583, %add3A_579, %select_n3A_563 : vector<16xi1>, vector<16xf32>
        %broadcast_in_dim3A_585 = vector.shape_cast %xor3A_179 : vector<16xi32> to vector<16x1xi32>
        %gather3A_586 = vector.shape_cast %broadcast_in_dim3A_585 : vector<16x1xi32> to vector<16xi32>
        %gather3A_587 = tpu.dynamic_gather %scan3A_522[%gather3A_586] in [0] : vector<16xf32>, vector<16xi32> -> vector<16xf32>
        %add3A_588 = arith.addf %scan3A_522, %gather3A_587 : vector<16xf32>
        %broadcast_in_dim3A_589 = vector.shape_cast %xor3A_182 : vector<16xi32> to vector<16x1xi32>
        %gather3A_590 = vector.shape_cast %broadcast_in_dim3A_589 : vector<16x1xi32> to vector<16xi32>
        %gather3A_591 = tpu.dynamic_gather %add3A_588[%gather3A_590] in [0] : vector<16xf32>, vector<16xi32> -> vector<16xf32>
        %add3A_592 = arith.addf %add3A_588, %gather3A_591 : vector<16xf32>
        %broadcast_in_dim3A_593 = vector.shape_cast %xor3A_185 : vector<16xi32> to vector<16x1xi32>
        %gather3A_594 = vector.shape_cast %broadcast_in_dim3A_593 : vector<16x1xi32> to vector<16xi32>
        %gather3A_595 = tpu.dynamic_gather %add3A_592[%gather3A_594] in [0] : vector<16xf32>, vector<16xi32> -> vector<16xf32>
        %add3A_596 = arith.addf %add3A_592, %gather3A_595 : vector<16xf32>
        %broadcast_in_dim3A_597 = vector.shape_cast %xor3A_188 : vector<16xi32> to vector<16x1xi32>
        %gather3A_598 = vector.shape_cast %broadcast_in_dim3A_597 : vector<16x1xi32> to vector<16xi32>
        %gather3A_599 = tpu.dynamic_gather %add3A_596[%gather3A_598] in [0] : vector<16xf32>, vector<16xi32> -> vector<16xf32>
        %add3A_600 = arith.addf %add3A_596, %gather3A_599 : vector<16xf32>
        %add3A_601 = arith.constant 2 : i32
        %add3A_602 = arith.addi %mul3A_543, %add3A_601 : i32
        %eq3A_603 = vector.broadcast %add3A_602 : i32 to vector<16xi32>
        %eq3A_604 = arith.cmpi eq, %iota3A, %eq3A_603 : vector<16xi32>
        %select_n3A_605 = arith.select %eq3A_604, %add3A_600, %select_n3A_584 : vector<16xi1>, vector<16xf32>
        %broadcast_in_dim3A_606 = vector.shape_cast %xor3A_179 : vector<16xi32> to vector<16x1xi32>
        %gather3A_607 = vector.shape_cast %broadcast_in_dim3A_606 : vector<16x1xi32> to vector<16xi32>
        %gather3A_608 = tpu.dynamic_gather %scan3A_523[%gather3A_607] in [0] : vector<16xf32>, vector<16xi32> -> vector<16xf32>
        %add3A_609 = arith.addf %scan3A_523, %gather3A_608 : vector<16xf32>
        %broadcast_in_dim3A_610 = vector.shape_cast %xor3A_182 : vector<16xi32> to vector<16x1xi32>
        %gather3A_611 = vector.shape_cast %broadcast_in_dim3A_610 : vector<16x1xi32> to vector<16xi32>
        %gather3A_612 = tpu.dynamic_gather %add3A_609[%gather3A_611] in [0] : vector<16xf32>, vector<16xi32> -> vector<16xf32>
        %add3A_613 = arith.addf %add3A_609, %gather3A_612 : vector<16xf32>
        %broadcast_in_dim3A_614 = vector.shape_cast %xor3A_185 : vector<16xi32> to vector<16x1xi32>
        %gather3A_615 = vector.shape_cast %broadcast_in_dim3A_614 : vector<16x1xi32> to vector<16xi32>
        %gather3A_616 = tpu.dynamic_gather %add3A_613[%gather3A_615] in [0] : vector<16xf32>, vector<16xi32> -> vector<16xf32>
        %add3A_617 = arith.addf %add3A_613, %gather3A_616 : vector<16xf32>
        %broadcast_in_dim3A_618 = vector.shape_cast %xor3A_188 : vector<16xi32> to vector<16x1xi32>
        %gather3A_619 = vector.shape_cast %broadcast_in_dim3A_618 : vector<16x1xi32> to vector<16xi32>
        %gather3A_620 = tpu.dynamic_gather %add3A_617[%gather3A_619] in [0] : vector<16xf32>, vector<16xi32> -> vector<16xf32>
        %add3A_621 = arith.addf %add3A_617, %gather3A_620 : vector<16xf32>
        %add3A_622 = arith.constant 3 : i32
        %add3A_623 = arith.addi %mul3A_543, %add3A_622 : i32
        %eq3A_624 = vector.broadcast %add3A_623 : i32 to vector<16xi32>
        %eq3A_625 = arith.cmpi eq, %iota3A, %eq3A_624 : vector<16xi32>
        %select_n3A_626 = arith.select %eq3A_625, %add3A_621, %select_n3A_605 : vector<16xi1>, vector<16xf32>
        %min3A = arith.constant 15 : i32
        %min3A_627 = arith.minsi %scan3A_519, %min3A : i32
        %mul3A_628 = arith.constant 4 : i32
        %mul3A_629 = arith.muli %min3A_627, %mul3A_628 : i32
        %add3A_630 = arith.constant 0 : i32
        %add3A_631 = arith.addi %mul3A_629, %add3A_630 : i32
        %get3A = arith.index_cast %select_n3A_439 : i32 to index
        %get3A_632 = arith.index_cast %add3A_631 : i32 to index
        %get3A_633 = arith.constant 0 : index
        %get3A_634 = tpu.vector_load %arg9[%get3A, %get3A_632, %get3A_633] {strides = array<i32>} : memref<4x64x128xf32, #tpu.memory_space<vmem>>, vector<1x1x16xf32>,
        %get3A_635 = vector.shape_cast %get3A_634 : vector<1x1x16xf32> to vector<16xf32>
        %get3A_636 = arith.index_cast %select_n3A_439 : i32 to index
        %get3A_637 = arith.index_cast %add3A_631 : i32 to index
        %get3A_638 = arith.constant 0 : index
        %get3A_639 = tpu.vector_load %arg10[%get3A_636, %get3A_637, %get3A_638] {strides = array<i32>} : memref<4x64x128xf32, #tpu.memory_space<vmem>>, vector<1x1x16xf32>,
        %get3A_640 = vector.shape_cast %get3A_639 : vector<1x1x16xf32> to vector<16xf32>
        %mul3A_641 = arith.mulf %get3A_635, %get3A_640 : vector<16xf32>
        %get3A_642 = arith.index_cast %select_n3A_439 : i32 to index
        %get3A_643 = arith.index_cast %add3A_631 : i32 to index
        %get3A_644 = arith.constant 16 : index
        %get3A_645 = tpu.vector_load %arg9[%get3A_642, %get3A_643, %get3A_644] {strides = array<i32>} : memref<4x64x128xf32, #tpu.memory_space<vmem>>, vector<1x1x16xf32>,
        %get3A_646 = vector.shape_cast %get3A_645 : vector<1x1x16xf32> to vector<16xf32>
        %get3A_647 = arith.index_cast %select_n3A_439 : i32 to index
        %get3A_648 = arith.index_cast %add3A_631 : i32 to index
        %get3A_649 = arith.constant 16 : index
        %get3A_650 = tpu.vector_load %arg10[%get3A_647, %get3A_648, %get3A_649] {strides = array<i32>} : memref<4x64x128xf32, #tpu.memory_space<vmem>>, vector<1x1x16xf32>,
        %get3A_651 = vector.shape_cast %get3A_650 : vector<1x1x16xf32> to vector<16xf32>
        %mul3A_652 = arith.mulf %get3A_646, %get3A_651 : vector<16xf32>
        %get3A_653 = arith.index_cast %select_n3A_439 : i32 to index
        %get3A_654 = arith.index_cast %add3A_631 : i32 to index
        %get3A_655 = arith.constant 32 : index
        %get3A_656 = tpu.vector_load %arg9[%get3A_653, %get3A_654, %get3A_655] {strides = array<i32>} : memref<4x64x128xf32, #tpu.memory_space<vmem>>, vector<1x1x16xf32>,
        %get3A_657 = vector.shape_cast %get3A_656 : vector<1x1x16xf32> to vector<16xf32>
        %get3A_658 = arith.index_cast %select_n3A_439 : i32 to index
        %get3A_659 = arith.index_cast %add3A_631 : i32 to index
        %get3A_660 = arith.constant 32 : index
        %get3A_661 = tpu.vector_load %arg10[%get3A_658, %get3A_659, %get3A_660] {strides = array<i32>} : memref<4x64x128xf32, #tpu.memory_space<vmem>>, vector<1x1x16xf32>,
        %get3A_662 = vector.shape_cast %get3A_661 : vector<1x1x16xf32> to vector<16xf32>
        %mul3A_663 = arith.mulf %get3A_657, %get3A_662 : vector<16xf32>
        %get3A_664 = arith.index_cast %select_n3A_439 : i32 to index
        %get3A_665 = arith.index_cast %add3A_631 : i32 to index
        %get3A_666 = arith.constant 48 : index
        %get3A_667 = tpu.vector_load %arg9[%get3A_664, %get3A_665, %get3A_666] {strides = array<i32>} : memref<4x64x128xf32, #tpu.memory_space<vmem>>, vector<1x1x16xf32>,
        %get3A_668 = vector.shape_cast %get3A_667 : vector<1x1x16xf32> to vector<16xf32>
        %get3A_669 = arith.index_cast %select_n3A_439 : i32 to index
        %get3A_670 = arith.index_cast %add3A_631 : i32 to index
        %get3A_671 = arith.constant 48 : index
        %get3A_672 = tpu.vector_load %arg10[%get3A_669, %get3A_670, %get3A_671] {strides = array<i32>} : memref<4x64x128xf32, #tpu.memory_space<vmem>>, vector<1x1x16xf32>,
        %get3A_673 = vector.shape_cast %get3A_672 : vector<1x1x16xf32> to vector<16xf32>
        %mul3A_674 = arith.mulf %get3A_668, %get3A_673 : vector<16xf32>
        %get3A_675 = arith.index_cast %select_n3A_439 : i32 to index
        %get3A_676 = arith.index_cast %add3A_631 : i32 to index
        %get3A_677 = arith.constant 64 : index
        %get3A_678 = tpu.vector_load %arg9[%get3A_675, %get3A_676, %get3A_677] {strides = array<i32>} : memref<4x64x128xf32, #tpu.memory_space<vmem>>, vector<1x1x16xf32>,
        %get3A_679 = vector.shape_cast %get3A_678 : vector<1x1x16xf32> to vector<16xf32>
        %get3A_680 = arith.index_cast %select_n3A_439 : i32 to index
        %get3A_681 = arith.index_cast %add3A_631 : i32 to index
        %get3A_682 = arith.constant 64 : index
        %get3A_683 = tpu.vector_load %arg10[%get3A_680, %get3A_681, %get3A_682] {strides = array<i32>} : memref<4x64x128xf32, #tpu.memory_space<vmem>>, vector<1x1x16xf32>,
        %get3A_684 = vector.shape_cast %get3A_683 : vector<1x1x16xf32> to vector<16xf32>
        %mul3A_685 = arith.mulf %get3A_679, %get3A_684 : vector<16xf32>
        %get3A_686 = arith.index_cast %select_n3A_439 : i32 to index
        %get3A_687 = arith.index_cast %add3A_631 : i32 to index
        %get3A_688 = arith.constant 80 : index
        %get3A_689 = tpu.vector_load %arg9[%get3A_686, %get3A_687, %get3A_688] {strides = array<i32>} : memref<4x64x128xf32, #tpu.memory_space<vmem>>, vector<1x1x16xf32>,
        %get3A_690 = vector.shape_cast %get3A_689 : vector<1x1x16xf32> to vector<16xf32>
        %get3A_691 = arith.index_cast %select_n3A_439 : i32 to index
        %get3A_692 = arith.index_cast %add3A_631 : i32 to index
        %get3A_693 = arith.constant 80 : index
        %get3A_694 = tpu.vector_load %arg10[%get3A_691, %get3A_692, %get3A_693] {strides = array<i32>} : memref<4x64x128xf32, #tpu.memory_space<vmem>>, vector<1x1x16xf32>,
        %get3A_695 = vector.shape_cast %get3A_694 : vector<1x1x16xf32> to vector<16xf32>
        %mul3A_696 = arith.mulf %get3A_690, %get3A_695 : vector<16xf32>
        %get3A_697 = arith.index_cast %select_n3A_439 : i32 to index
        %get3A_698 = arith.index_cast %add3A_631 : i32 to index
        %get3A_699 = arith.constant 96 : index
        %get3A_700 = tpu.vector_load %arg9[%get3A_697, %get3A_698, %get3A_699] {strides = array<i32>} : memref<4x64x128xf32, #tpu.memory_space<vmem>>, vector<1x1x16xf32>,
        %get3A_701 = vector.shape_cast %get3A_700 : vector<1x1x16xf32> to vector<16xf32>
        %get3A_702 = arith.index_cast %select_n3A_439 : i32 to index
        %get3A_703 = arith.index_cast %add3A_631 : i32 to index
        %get3A_704 = arith.constant 96 : index
        %get3A_705 = tpu.vector_load %arg10[%get3A_702, %get3A_703, %get3A_704] {strides = array<i32>} : memref<4x64x128xf32, #tpu.memory_space<vmem>>, vector<1x1x16xf32>,
        %get3A_706 = vector.shape_cast %get3A_705 : vector<1x1x16xf32> to vector<16xf32>
        %mul3A_707 = arith.mulf %get3A_701, %get3A_706 : vector<16xf32>
        %get3A_708 = arith.index_cast %select_n3A_439 : i32 to index
        %get3A_709 = arith.index_cast %add3A_631 : i32 to index
        %get3A_710 = arith.constant 112 : index
        %get3A_711 = tpu.vector_load %arg9[%get3A_708, %get3A_709, %get3A_710] {strides = array<i32>} : memref<4x64x128xf32, #tpu.memory_space<vmem>>, vector<1x1x16xf32>,
        %get3A_712 = vector.shape_cast %get3A_711 : vector<1x1x16xf32> to vector<16xf32>
        %get3A_713 = arith.index_cast %select_n3A_439 : i32 to index
        %get3A_714 = arith.index_cast %add3A_631 : i32 to index
        %get3A_715 = arith.constant 112 : index
        %get3A_716 = tpu.vector_load %arg10[%get3A_713, %get3A_714, %get3A_715] {strides = array<i32>} : memref<4x64x128xf32, #tpu.memory_space<vmem>>, vector<1x1x16xf32>,
        %get3A_717 = vector.shape_cast %get3A_716 : vector<1x1x16xf32> to vector<16xf32>
        %mul3A_718 = arith.mulf %get3A_712, %get3A_717 : vector<16xf32>
        %add3A_719 = arith.addf %mul3A_641, %mul3A_652 : vector<16xf32>
        %add3A_720 = arith.addf %mul3A_663, %mul3A_674 : vector<16xf32>
        %add3A_721 = arith.addf %mul3A_685, %mul3A_696 : vector<16xf32>
        %add3A_722 = arith.addf %mul3A_707, %mul3A_718 : vector<16xf32>
        %add3A_723 = arith.addf %add3A_719, %add3A_720 : vector<16xf32>
        %add3A_724 = arith.addf %add3A_721, %add3A_722 : vector<16xf32>
        %add3A_725 = arith.addf %add3A_723, %add3A_724 : vector<16xf32>
        %add3A_726 = arith.constant 1 : i32
        %add3A_727 = arith.addi %mul3A_629, %add3A_726 : i32
        %get3A_728 = arith.index_cast %select_n3A_439 : i32 to index
        %get3A_729 = arith.index_cast %add3A_727 : i32 to index
        %get3A_730 = arith.constant 0 : index
        %get3A_731 = tpu.vector_load %arg9[%get3A_728, %get3A_729, %get3A_730] {strides = array<i32>} : memref<4x64x128xf32, #tpu.memory_space<vmem>>, vector<1x1x16xf32>,
        %get3A_732 = vector.shape_cast %get3A_731 : vector<1x1x16xf32> to vector<16xf32>
        %get3A_733 = arith.index_cast %select_n3A_439 : i32 to index
        %get3A_734 = arith.index_cast %add3A_727 : i32 to index
        %get3A_735 = arith.constant 0 : index
        %get3A_736 = tpu.vector_load %arg10[%get3A_733, %get3A_734, %get3A_735] {strides = array<i32>} : memref<4x64x128xf32, #tpu.memory_space<vmem>>, vector<1x1x16xf32>,
        %get3A_737 = vector.shape_cast %get3A_736 : vector<1x1x16xf32> to vector<16xf32>
        %mul3A_738 = arith.mulf %get3A_732, %get3A_737 : vector<16xf32>
        %get3A_739 = arith.index_cast %select_n3A_439 : i32 to index
        %get3A_740 = arith.index_cast %add3A_727 : i32 to index
        %get3A_741 = arith.constant 16 : index
        %get3A_742 = tpu.vector_load %arg9[%get3A_739, %get3A_740, %get3A_741] {strides = array<i32>} : memref<4x64x128xf32, #tpu.memory_space<vmem>>, vector<1x1x16xf32>,
        %get3A_743 = vector.shape_cast %get3A_742 : vector<1x1x16xf32> to vector<16xf32>
        %get3A_744 = arith.index_cast %select_n3A_439 : i32 to index
        %get3A_745 = arith.index_cast %add3A_727 : i32 to index
        %get3A_746 = arith.constant 16 : index
        %get3A_747 = tpu.vector_load %arg10[%get3A_744, %get3A_745, %get3A_746] {strides = array<i32>} : memref<4x64x128xf32, #tpu.memory_space<vmem>>, vector<1x1x16xf32>,
        %get3A_748 = vector.shape_cast %get3A_747 : vector<1x1x16xf32> to vector<16xf32>
        %mul3A_749 = arith.mulf %get3A_743, %get3A_748 : vector<16xf32>
        %get3A_750 = arith.index_cast %select_n3A_439 : i32 to index
        %get3A_751 = arith.index_cast %add3A_727 : i32 to index
        %get3A_752 = arith.constant 32 : index
        %get3A_753 = tpu.vector_load %arg9[%get3A_750, %get3A_751, %get3A_752] {strides = array<i32>} : memref<4x64x128xf32, #tpu.memory_space<vmem>>, vector<1x1x16xf32>,
        %get3A_754 = vector.shape_cast %get3A_753 : vector<1x1x16xf32> to vector<16xf32>
        %get3A_755 = arith.index_cast %select_n3A_439 : i32 to index
        %get3A_756 = arith.index_cast %add3A_727 : i32 to index
        %get3A_757 = arith.constant 32 : index
        %get3A_758 = tpu.vector_load %arg10[%get3A_755, %get3A_756, %get3A_757] {strides = array<i32>} : memref<4x64x128xf32, #tpu.memory_space<vmem>>, vector<1x1x16xf32>,
        %get3A_759 = vector.shape_cast %get3A_758 : vector<1x1x16xf32> to vector<16xf32>
        %mul3A_760 = arith.mulf %get3A_754, %get3A_759 : vector<16xf32>
        %get3A_761 = arith.index_cast %select_n3A_439 : i32 to index
        %get3A_762 = arith.index_cast %add3A_727 : i32 to index
        %get3A_763 = arith.constant 48 : index
        %get3A_764 = tpu.vector_load %arg9[%get3A_761, %get3A_762, %get3A_763] {strides = array<i32>} : memref<4x64x128xf32, #tpu.memory_space<vmem>>, vector<1x1x16xf32>,
        %get3A_765 = vector.shape_cast %get3A_764 : vector<1x1x16xf32> to vector<16xf32>
        %get3A_766 = arith.index_cast %select_n3A_439 : i32 to index
        %get3A_767 = arith.index_cast %add3A_727 : i32 to index
        %get3A_768 = arith.constant 48 : index
        %get3A_769 = tpu.vector_load %arg10[%get3A_766, %get3A_767, %get3A_768] {strides = array<i32>} : memref<4x64x128xf32, #tpu.memory_space<vmem>>, vector<1x1x16xf32>,
        %get3A_770 = vector.shape_cast %get3A_769 : vector<1x1x16xf32> to vector<16xf32>
        %mul3A_771 = arith.mulf %get3A_765, %get3A_770 : vector<16xf32>
        %get3A_772 = arith.index_cast %select_n3A_439 : i32 to index
        %get3A_773 = arith.index_cast %add3A_727 : i32 to index
        %get3A_774 = arith.constant 64 : index
        %get3A_775 = tpu.vector_load %arg9[%get3A_772, %get3A_773, %get3A_774] {strides = array<i32>} : memref<4x64x128xf32, #tpu.memory_space<vmem>>, vector<1x1x16xf32>,
        %get3A_776 = vector.shape_cast %get3A_775 : vector<1x1x16xf32> to vector<16xf32>
        %get3A_777 = arith.index_cast %select_n3A_439 : i32 to index
        %get3A_778 = arith.index_cast %add3A_727 : i32 to index
        %get3A_779 = arith.constant 64 : index
        %get3A_780 = tpu.vector_load %arg10[%get3A_777, %get3A_778, %get3A_779] {strides = array<i32>} : memref<4x64x128xf32, #tpu.memory_space<vmem>>, vector<1x1x16xf32>,
        %get3A_781 = vector.shape_cast %get3A_780 : vector<1x1x16xf32> to vector<16xf32>
        %mul3A_782 = arith.mulf %get3A_776, %get3A_781 : vector<16xf32>
        %get3A_783 = arith.index_cast %select_n3A_439 : i32 to index
        %get3A_784 = arith.index_cast %add3A_727 : i32 to index
        %get3A_785 = arith.constant 80 : index
        %get3A_786 = tpu.vector_load %arg9[%get3A_783, %get3A_784, %get3A_785] {strides = array<i32>} : memref<4x64x128xf32, #tpu.memory_space<vmem>>, vector<1x1x16xf32>,
        %get3A_787 = vector.shape_cast %get3A_786 : vector<1x1x16xf32> to vector<16xf32>
        %get3A_788 = arith.index_cast %select_n3A_439 : i32 to index
        %get3A_789 = arith.index_cast %add3A_727 : i32 to index
        %get3A_790 = arith.constant 80 : index
        %get3A_791 = tpu.vector_load %arg10[%get3A_788, %get3A_789, %get3A_790] {strides = array<i32>} : memref<4x64x128xf32, #tpu.memory_space<vmem>>, vector<1x1x16xf32>,
        %get3A_792 = vector.shape_cast %get3A_791 : vector<1x1x16xf32> to vector<16xf32>
        %mul3A_793 = arith.mulf %get3A_787, %get3A_792 : vector<16xf32>
        %get3A_794 = arith.index_cast %select_n3A_439 : i32 to index
        %get3A_795 = arith.index_cast %add3A_727 : i32 to index
        %get3A_796 = arith.constant 96 : index
        %get3A_797 = tpu.vector_load %arg9[%get3A_794, %get3A_795, %get3A_796] {strides = array<i32>} : memref<4x64x128xf32, #tpu.memory_space<vmem>>, vector<1x1x16xf32>,
        %get3A_798 = vector.shape_cast %get3A_797 : vector<1x1x16xf32> to vector<16xf32>
        %get3A_799 = arith.index_cast %select_n3A_439 : i32 to index
        %get3A_800 = arith.index_cast %add3A_727 : i32 to index
        %get3A_801 = arith.constant 96 : index
        %get3A_802 = tpu.vector_load %arg10[%get3A_799, %get3A_800, %get3A_801] {strides = array<i32>} : memref<4x64x128xf32, #tpu.memory_space<vmem>>, vector<1x1x16xf32>,
        %get3A_803 = vector.shape_cast %get3A_802 : vector<1x1x16xf32> to vector<16xf32>
        %mul3A_804 = arith.mulf %get3A_798, %get3A_803 : vector<16xf32>
        %get3A_805 = arith.index_cast %select_n3A_439 : i32 to index
        %get3A_806 = arith.index_cast %add3A_727 : i32 to index
        %get3A_807 = arith.constant 112 : index
        %get3A_808 = tpu.vector_load %arg9[%get3A_805, %get3A_806, %get3A_807] {strides = array<i32>} : memref<4x64x128xf32, #tpu.memory_space<vmem>>, vector<1x1x16xf32>,
        %get3A_809 = vector.shape_cast %get3A_808 : vector<1x1x16xf32> to vector<16xf32>
        %get3A_810 = arith.index_cast %select_n3A_439 : i32 to index
        %get3A_811 = arith.index_cast %add3A_727 : i32 to index
        %get3A_812 = arith.constant 112 : index
        %get3A_813 = tpu.vector_load %arg10[%get3A_810, %get3A_811, %get3A_812] {strides = array<i32>} : memref<4x64x128xf32, #tpu.memory_space<vmem>>, vector<1x1x16xf32>,
        %get3A_814 = vector.shape_cast %get3A_813 : vector<1x1x16xf32> to vector<16xf32>
        %mul3A_815 = arith.mulf %get3A_809, %get3A_814 : vector<16xf32>
        %add3A_816 = arith.addf %mul3A_738, %mul3A_749 : vector<16xf32>
        %add3A_817 = arith.addf %mul3A_760, %mul3A_771 : vector<16xf32>
        %add3A_818 = arith.addf %mul3A_782, %mul3A_793 : vector<16xf32>
        %add3A_819 = arith.addf %mul3A_804, %mul3A_815 : vector<16xf32>
        %add3A_820 = arith.addf %add3A_816, %add3A_817 : vector<16xf32>
        %add3A_821 = arith.addf %add3A_818, %add3A_819 : vector<16xf32>
        %add3A_822 = arith.addf %add3A_820, %add3A_821 : vector<16xf32>
        %add3A_823 = arith.constant 2 : i32
        %add3A_824 = arith.addi %mul3A_629, %add3A_823 : i32
        %get3A_825 = arith.index_cast %select_n3A_439 : i32 to index
        %get3A_826 = arith.index_cast %add3A_824 : i32 to index
        %get3A_827 = arith.constant 0 : index
        %get3A_828 = tpu.vector_load %arg9[%get3A_825, %get3A_826, %get3A_827] {strides = array<i32>} : memref<4x64x128xf32, #tpu.memory_space<vmem>>, vector<1x1x16xf32>,
        %get3A_829 = vector.shape_cast %get3A_828 : vector<1x1x16xf32> to vector<16xf32>
        %get3A_830 = arith.index_cast %select_n3A_439 : i32 to index
        %get3A_831 = arith.index_cast %add3A_824 : i32 to index
        %get3A_832 = arith.constant 0 : index
        %get3A_833 = tpu.vector_load %arg10[%get3A_830, %get3A_831, %get3A_832] {strides = array<i32>} : memref<4x64x128xf32, #tpu.memory_space<vmem>>, vector<1x1x16xf32>,
        %get3A_834 = vector.shape_cast %get3A_833 : vector<1x1x16xf32> to vector<16xf32>
        %mul3A_835 = arith.mulf %get3A_829, %get3A_834 : vector<16xf32>
        %get3A_836 = arith.index_cast %select_n3A_439 : i32 to index
        %get3A_837 = arith.index_cast %add3A_824 : i32 to index
        %get3A_838 = arith.constant 16 : index
        %get3A_839 = tpu.vector_load %arg9[%get3A_836, %get3A_837, %get3A_838] {strides = array<i32>} : memref<4x64x128xf32, #tpu.memory_space<vmem>>, vector<1x1x16xf32>,
        %get3A_840 = vector.shape_cast %get3A_839 : vector<1x1x16xf32> to vector<16xf32>
        %get3A_841 = arith.index_cast %select_n3A_439 : i32 to index
        %get3A_842 = arith.index_cast %add3A_824 : i32 to index
        %get3A_843 = arith.constant 16 : index
        %get3A_844 = tpu.vector_load %arg10[%get3A_841, %get3A_842, %get3A_843] {strides = array<i32>} : memref<4x64x128xf32, #tpu.memory_space<vmem>>, vector<1x1x16xf32>,
        %get3A_845 = vector.shape_cast %get3A_844 : vector<1x1x16xf32> to vector<16xf32>
        %mul3A_846 = arith.mulf %get3A_840, %get3A_845 : vector<16xf32>
        %get3A_847 = arith.index_cast %select_n3A_439 : i32 to index
        %get3A_848 = arith.index_cast %add3A_824 : i32 to index
        %get3A_849 = arith.constant 32 : index
        %get3A_850 = tpu.vector_load %arg9[%get3A_847, %get3A_848, %get3A_849] {strides = array<i32>} : memref<4x64x128xf32, #tpu.memory_space<vmem>>, vector<1x1x16xf32>,
        %get3A_851 = vector.shape_cast %get3A_850 : vector<1x1x16xf32> to vector<16xf32>
        %get3A_852 = arith.index_cast %select_n3A_439 : i32 to index
        %get3A_853 = arith.index_cast %add3A_824 : i32 to index
        %get3A_854 = arith.constant 32 : index
        %get3A_855 = tpu.vector_load %arg10[%get3A_852, %get3A_853, %get3A_854] {strides = array<i32>} : memref<4x64x128xf32, #tpu.memory_space<vmem>>, vector<1x1x16xf32>,
        %get3A_856 = vector.shape_cast %get3A_855 : vector<1x1x16xf32> to vector<16xf32>
        %mul3A_857 = arith.mulf %get3A_851, %get3A_856 : vector<16xf32>
        %get3A_858 = arith.index_cast %select_n3A_439 : i32 to index
        %get3A_859 = arith.index_cast %add3A_824 : i32 to index
        %get3A_860 = arith.constant 48 : index
        %get3A_861 = tpu.vector_load %arg9[%get3A_858, %get3A_859, %get3A_860] {strides = array<i32>} : memref<4x64x128xf32, #tpu.memory_space<vmem>>, vector<1x1x16xf32>,
        %get3A_862 = vector.shape_cast %get3A_861 : vector<1x1x16xf32> to vector<16xf32>
        %get3A_863 = arith.index_cast %select_n3A_439 : i32 to index
        %get3A_864 = arith.index_cast %add3A_824 : i32 to index
        %get3A_865 = arith.constant 48 : index
        %get3A_866 = tpu.vector_load %arg10[%get3A_863, %get3A_864, %get3A_865] {strides = array<i32>} : memref<4x64x128xf32, #tpu.memory_space<vmem>>, vector<1x1x16xf32>,
        %get3A_867 = vector.shape_cast %get3A_866 : vector<1x1x16xf32> to vector<16xf32>
        %mul3A_868 = arith.mulf %get3A_862, %get3A_867 : vector<16xf32>
        %get3A_869 = arith.index_cast %select_n3A_439 : i32 to index
        %get3A_870 = arith.index_cast %add3A_824 : i32 to index
        %get3A_871 = arith.constant 64 : index
        %get3A_872 = tpu.vector_load %arg9[%get3A_869, %get3A_870, %get3A_871] {strides = array<i32>} : memref<4x64x128xf32, #tpu.memory_space<vmem>>, vector<1x1x16xf32>,
        %get3A_873 = vector.shape_cast %get3A_872 : vector<1x1x16xf32> to vector<16xf32>
        %get3A_874 = arith.index_cast %select_n3A_439 : i32 to index
        %get3A_875 = arith.index_cast %add3A_824 : i32 to index
        %get3A_876 = arith.constant 64 : index
        %get3A_877 = tpu.vector_load %arg10[%get3A_874, %get3A_875, %get3A_876] {strides = array<i32>} : memref<4x64x128xf32, #tpu.memory_space<vmem>>, vector<1x1x16xf32>,
        %get3A_878 = vector.shape_cast %get3A_877 : vector<1x1x16xf32> to vector<16xf32>
        %mul3A_879 = arith.mulf %get3A_873, %get3A_878 : vector<16xf32>
        %get3A_880 = arith.index_cast %select_n3A_439 : i32 to index
        %get3A_881 = arith.index_cast %add3A_824 : i32 to index
        %get3A_882 = arith.constant 80 : index
        %get3A_883 = tpu.vector_load %arg9[%get3A_880, %get3A_881, %get3A_882] {strides = array<i32>} : memref<4x64x128xf32, #tpu.memory_space<vmem>>, vector<1x1x16xf32>,
        %get3A_884 = vector.shape_cast %get3A_883 : vector<1x1x16xf32> to vector<16xf32>
        %get3A_885 = arith.index_cast %select_n3A_439 : i32 to index
        %get3A_886 = arith.index_cast %add3A_824 : i32 to index
        %get3A_887 = arith.constant 80 : index
        %get3A_888 = tpu.vector_load %arg10[%get3A_885, %get3A_886, %get3A_887] {strides = array<i32>} : memref<4x64x128xf32, #tpu.memory_space<vmem>>, vector<1x1x16xf32>,
        %get3A_889 = vector.shape_cast %get3A_888 : vector<1x1x16xf32> to vector<16xf32>
        %mul3A_890 = arith.mulf %get3A_884, %get3A_889 : vector<16xf32>
        %get3A_891 = arith.index_cast %select_n3A_439 : i32 to index
        %get3A_892 = arith.index_cast %add3A_824 : i32 to index
        %get3A_893 = arith.constant 96 : index
        %get3A_894 = tpu.vector_load %arg9[%get3A_891, %get3A_892, %get3A_893] {strides = array<i32>} : memref<4x64x128xf32, #tpu.memory_space<vmem>>, vector<1x1x16xf32>,
        %get3A_895 = vector.shape_cast %get3A_894 : vector<1x1x16xf32> to vector<16xf32>
        %get3A_896 = arith.index_cast %select_n3A_439 : i32 to index
        %get3A_897 = arith.index_cast %add3A_824 : i32 to index
        %get3A_898 = arith.constant 96 : index
        %get3A_899 = tpu.vector_load %arg10[%get3A_896, %get3A_897, %get3A_898] {strides = array<i32>} : memref<4x64x128xf32, #tpu.memory_space<vmem>>, vector<1x1x16xf32>,
        %get3A_900 = vector.shape_cast %get3A_899 : vector<1x1x16xf32> to vector<16xf32>
        %mul3A_901 = arith.mulf %get3A_895, %get3A_900 : vector<16xf32>
        %get3A_902 = arith.index_cast %select_n3A_439 : i32 to index
        %get3A_903 = arith.index_cast %add3A_824 : i32 to index
        %get3A_904 = arith.constant 112 : index
        %get3A_905 = tpu.vector_load %arg9[%get3A_902, %get3A_903, %get3A_904] {strides = array<i32>} : memref<4x64x128xf32, #tpu.memory_space<vmem>>, vector<1x1x16xf32>,
        %get3A_906 = vector.shape_cast %get3A_905 : vector<1x1x16xf32> to vector<16xf32>
        %get3A_907 = arith.index_cast %select_n3A_439 : i32 to index
        %get3A_908 = arith.index_cast %add3A_824 : i32 to index
        %get3A_909 = arith.constant 112 : index
        %get3A_910 = tpu.vector_load %arg10[%get3A_907, %get3A_908, %get3A_909] {strides = array<i32>} : memref<4x64x128xf32, #tpu.memory_space<vmem>>, vector<1x1x16xf32>,
        %get3A_911 = vector.shape_cast %get3A_910 : vector<1x1x16xf32> to vector<16xf32>
        %mul3A_912 = arith.mulf %get3A_906, %get3A_911 : vector<16xf32>
        %add3A_913 = arith.addf %mul3A_835, %mul3A_846 : vector<16xf32>
        %add3A_914 = arith.addf %mul3A_857, %mul3A_868 : vector<16xf32>
        %add3A_915 = arith.addf %mul3A_879, %mul3A_890 : vector<16xf32>
        %add3A_916 = arith.addf %mul3A_901, %mul3A_912 : vector<16xf32>
        %add3A_917 = arith.addf %add3A_913, %add3A_914 : vector<16xf32>
        %add3A_918 = arith.addf %add3A_915, %add3A_916 : vector<16xf32>
        %add3A_919 = arith.addf %add3A_917, %add3A_918 : vector<16xf32>
        %add3A_920 = arith.constant 3 : i32
        %add3A_921 = arith.addi %mul3A_629, %add3A_920 : i32
        %get3A_922 = arith.index_cast %select_n3A_439 : i32 to index
        %get3A_923 = arith.index_cast %add3A_921 : i32 to index
        %get3A_924 = arith.constant 0 : index
        %get3A_925 = tpu.vector_load %arg9[%get3A_922, %get3A_923, %get3A_924] {strides = array<i32>} : memref<4x64x128xf32, #tpu.memory_space<vmem>>, vector<1x1x16xf32>,
        %get3A_926 = vector.shape_cast %get3A_925 : vector<1x1x16xf32> to vector<16xf32>
        %get3A_927 = arith.index_cast %select_n3A_439 : i32 to index
        %get3A_928 = arith.index_cast %add3A_921 : i32 to index
        %get3A_929 = arith.constant 0 : index
        %get3A_930 = tpu.vector_load %arg10[%get3A_927, %get3A_928, %get3A_929] {strides = array<i32>} : memref<4x64x128xf32, #tpu.memory_space<vmem>>, vector<1x1x16xf32>,
        %get3A_931 = vector.shape_cast %get3A_930 : vector<1x1x16xf32> to vector<16xf32>
        %mul3A_932 = arith.mulf %get3A_926, %get3A_931 : vector<16xf32>
        %get3A_933 = arith.index_cast %select_n3A_439 : i32 to index
        %get3A_934 = arith.index_cast %add3A_921 : i32 to index
        %get3A_935 = arith.constant 16 : index
        %get3A_936 = tpu.vector_load %arg9[%get3A_933, %get3A_934, %get3A_935] {strides = array<i32>} : memref<4x64x128xf32, #tpu.memory_space<vmem>>, vector<1x1x16xf32>,
        %get3A_937 = vector.shape_cast %get3A_936 : vector<1x1x16xf32> to vector<16xf32>
        %get3A_938 = arith.index_cast %select_n3A_439 : i32 to index
        %get3A_939 = arith.index_cast %add3A_921 : i32 to index
        %get3A_940 = arith.constant 16 : index
        %get3A_941 = tpu.vector_load %arg10[%get3A_938, %get3A_939, %get3A_940] {strides = array<i32>} : memref<4x64x128xf32, #tpu.memory_space<vmem>>, vector<1x1x16xf32>,
        %get3A_942 = vector.shape_cast %get3A_941 : vector<1x1x16xf32> to vector<16xf32>
        %mul3A_943 = arith.mulf %get3A_937, %get3A_942 : vector<16xf32>
        %get3A_944 = arith.index_cast %select_n3A_439 : i32 to index
        %get3A_945 = arith.index_cast %add3A_921 : i32 to index
        %get3A_946 = arith.constant 32 : index
        %get3A_947 = tpu.vector_load %arg9[%get3A_944, %get3A_945, %get3A_946] {strides = array<i32>} : memref<4x64x128xf32, #tpu.memory_space<vmem>>, vector<1x1x16xf32>,
        %get3A_948 = vector.shape_cast %get3A_947 : vector<1x1x16xf32> to vector<16xf32>
        %get3A_949 = arith.index_cast %select_n3A_439 : i32 to index
        %get3A_950 = arith.index_cast %add3A_921 : i32 to index
        %get3A_951 = arith.constant 32 : index
        %get3A_952 = tpu.vector_load %arg10[%get3A_949, %get3A_950, %get3A_951] {strides = array<i32>} : memref<4x64x128xf32, #tpu.memory_space<vmem>>, vector<1x1x16xf32>,
        %get3A_953 = vector.shape_cast %get3A_952 : vector<1x1x16xf32> to vector<16xf32>
        %mul3A_954 = arith.mulf %get3A_948, %get3A_953 : vector<16xf32>
        %get3A_955 = arith.index_cast %select_n3A_439 : i32 to index
        %get3A_956 = arith.index_cast %add3A_921 : i32 to index
        %get3A_957 = arith.constant 48 : index
        %get3A_958 = tpu.vector_load %arg9[%get3A_955, %get3A_956, %get3A_957] {strides = array<i32>} : memref<4x64x128xf32, #tpu.memory_space<vmem>>, vector<1x1x16xf32>,
        %get3A_959 = vector.shape_cast %get3A_958 : vector<1x1x16xf32> to vector<16xf32>
        %get3A_960 = arith.index_cast %select_n3A_439 : i32 to index
        %get3A_961 = arith.index_cast %add3A_921 : i32 to index
        %get3A_962 = arith.constant 48 : index
        %get3A_963 = tpu.vector_load %arg10[%get3A_960, %get3A_961, %get3A_962] {strides = array<i32>} : memref<4x64x128xf32, #tpu.memory_space<vmem>>, vector<1x1x16xf32>,
        %get3A_964 = vector.shape_cast %get3A_963 : vector<1x1x16xf32> to vector<16xf32>
        %mul3A_965 = arith.mulf %get3A_959, %get3A_964 : vector<16xf32>
        %get3A_966 = arith.index_cast %select_n3A_439 : i32 to index
        %get3A_967 = arith.index_cast %add3A_921 : i32 to index
        %get3A_968 = arith.constant 64 : index
        %get3A_969 = tpu.vector_load %arg9[%get3A_966, %get3A_967, %get3A_968] {strides = array<i32>} : memref<4x64x128xf32, #tpu.memory_space<vmem>>, vector<1x1x16xf32>,
        %get3A_970 = vector.shape_cast %get3A_969 : vector<1x1x16xf32> to vector<16xf32>
        %get3A_971 = arith.index_cast %select_n3A_439 : i32 to index
        %get3A_972 = arith.index_cast %add3A_921 : i32 to index
        %get3A_973 = arith.constant 64 : index
        %get3A_974 = tpu.vector_load %arg10[%get3A_971, %get3A_972, %get3A_973] {strides = array<i32>} : memref<4x64x128xf32, #tpu.memory_space<vmem>>, vector<1x1x16xf32>,
        %get3A_975 = vector.shape_cast %get3A_974 : vector<1x1x16xf32> to vector<16xf32>
        %mul3A_976 = arith.mulf %get3A_970, %get3A_975 : vector<16xf32>
        %get3A_977 = arith.index_cast %select_n3A_439 : i32 to index
        %get3A_978 = arith.index_cast %add3A_921 : i32 to index
        %get3A_979 = arith.constant 80 : index
        %get3A_980 = tpu.vector_load %arg9[%get3A_977, %get3A_978, %get3A_979] {strides = array<i32>} : memref<4x64x128xf32, #tpu.memory_space<vmem>>, vector<1x1x16xf32>,
        %get3A_981 = vector.shape_cast %get3A_980 : vector<1x1x16xf32> to vector<16xf32>
        %get3A_982 = arith.index_cast %select_n3A_439 : i32 to index
        %get3A_983 = arith.index_cast %add3A_921 : i32 to index
        %get3A_984 = arith.constant 80 : index
        %get3A_985 = tpu.vector_load %arg10[%get3A_982, %get3A_983, %get3A_984] {strides = array<i32>} : memref<4x64x128xf32, #tpu.memory_space<vmem>>, vector<1x1x16xf32>,
        %get3A_986 = vector.shape_cast %get3A_985 : vector<1x1x16xf32> to vector<16xf32>
        %mul3A_987 = arith.mulf %get3A_981, %get3A_986 : vector<16xf32>
        %get3A_988 = arith.index_cast %select_n3A_439 : i32 to index
        %get3A_989 = arith.index_cast %add3A_921 : i32 to index
        %get3A_990 = arith.constant 96 : index
        %get3A_991 = tpu.vector_load %arg9[%get3A_988, %get3A_989, %get3A_990] {strides = array<i32>} : memref<4x64x128xf32, #tpu.memory_space<vmem>>, vector<1x1x16xf32>,
        %get3A_992 = vector.shape_cast %get3A_991 : vector<1x1x16xf32> to vector<16xf32>
        %get3A_993 = arith.index_cast %select_n3A_439 : i32 to index
        %get3A_994 = arith.index_cast %add3A_921 : i32 to index
        %get3A_995 = arith.constant 96 : index
        %get3A_996 = tpu.vector_load %arg10[%get3A_993, %get3A_994, %get3A_995] {strides = array<i32>} : memref<4x64x128xf32, #tpu.memory_space<vmem>>, vector<1x1x16xf32>,
        %get3A_997 = vector.shape_cast %get3A_996 : vector<1x1x16xf32> to vector<16xf32>
        %mul3A_998 = arith.mulf %get3A_992, %get3A_997 : vector<16xf32>
        %get3A_999 = arith.index_cast %select_n3A_439 : i32 to index
        %get3A_1000 = arith.index_cast %add3A_921 : i32 to index
        %get3A_1001 = arith.constant 112 : index
        %get3A_1002 = tpu.vector_load %arg9[%get3A_999, %get3A_1000, %get3A_1001] {strides = array<i32>} : memref<4x64x128xf32, #tpu.memory_space<vmem>>, vector<1x1x16xf32>,
        %get3A_1003 = vector.shape_cast %get3A_1002 : vector<1x1x16xf32> to vector<16xf32>
        %get3A_1004 = arith.index_cast %select_n3A_439 : i32 to index
        %get3A_1005 = arith.index_cast %add3A_921 : i32 to index
        %get3A_1006 = arith.constant 112 : index
        %get3A_1007 = tpu.vector_load %arg10[%get3A_1004, %get3A_1005, %get3A_1006] {strides = array<i32>} : memref<4x64x128xf32, #tpu.memory_space<vmem>>, vector<1x1x16xf32>,
        %get3A_1008 = vector.shape_cast %get3A_1007 : vector<1x1x16xf32> to vector<16xf32>
        %mul3A_1009 = arith.mulf %get3A_1003, %get3A_1008 : vector<16xf32>
        %add3A_1010 = arith.addf %mul3A_932, %mul3A_943 : vector<16xf32>
        %add3A_1011 = arith.addf %mul3A_954, %mul3A_965 : vector<16xf32>
        %add3A_1012 = arith.addf %mul3A_976, %mul3A_987 : vector<16xf32>
        %add3A_1013 = arith.addf %mul3A_998, %mul3A_1009 : vector<16xf32>
        %add3A_1014 = arith.addf %add3A_1010, %add3A_1011 : vector<16xf32>
        %add3A_1015 = arith.addf %add3A_1012, %add3A_1013 : vector<16xf32>
        %add3A_1016 = arith.addf %add3A_1014, %add3A_1015 : vector<16xf32>
        %max3A = arith.constant 1 : i32
        %max3A_1017 = arith.maxsi %scan3A_519, %max3A : i32
        %sub3A_1018 = arith.constant 1 : i32
        %sub3A_1019 = arith.subi %max3A_1017, %sub3A_1018 : i32
        %jit3A_1020 = arith.constant 4 : i32
        %div3A = arith.divsi %sub3A_1019, %jit3A_1020 : i32
        %sign3A = arith.constant 0 : i32
        %sign3A_1021 = arith.cmpi sgt, %sub3A_1019, %sign3A : i32
        %sign3A_1022 = arith.extui %sign3A_1021 : i1 to i32
        %sign3A_1023 = arith.constant 0 : i32
        %sign3A_1024 = arith.cmpi slt, %sub3A_1019, %sign3A_1023 : i32
        %sign3A_1025 = arith.extui %sign3A_1024 : i1 to i32
        %sign3A_1026 = arith.subi %sign3A_1022, %sign3A_1025 : i32
        %sign3A_1027 = arith.constant 0 : i32
        %sign3A_1028 = arith.cmpi sgt, %jit3A_1020, %sign3A_1027 : i32
        %sign3A_1029 = arith.extui %sign3A_1028 : i1 to i32
        %sign3A_1030 = arith.constant 0 : i32
        %sign3A_1031 = arith.cmpi slt, %jit3A_1020, %sign3A_1030 : i32
        %sign3A_1032 = arith.extui %sign3A_1031 : i1 to i32
        %sign3A_1033 = arith.subi %sign3A_1029, %sign3A_1032 : i32
        %ne3A_1034 = arith.cmpi ne, %sign3A_1026, %sign3A_1033 : i32
        %rem3A_1035 = arith.remsi %sub3A_1019, %jit3A_1020 : i32
        %ne3A_1036 = arith.constant 0 : i32
        %ne3A_1037 = arith.cmpi ne, %rem3A_1035, %ne3A_1036 : i32
        %and3A_1038 = arith.andi %ne3A_1034, %ne3A_1037 : i1
        %sub3A_1039 = arith.constant 1 : i32
        %sub3A_1040 = arith.subi %div3A, %sub3A_1039 : i32
        %select_n3A_1041 = arith.select %and3A_1038, %sub3A_1040, %div3A : i32
        %mul3A_1042 = arith.constant 16 : i32
        %mul3A_1043 = arith.muli %select_n3A_1041, %mul3A_1042 : i32
        %mul3A_1044 = arith.constant 64 : i32
        %mul3A_1045 = arith.muli %mul3A_389, %mul3A_1044 : i32
        %add3A_1046 = arith.addi %mul3A_1045, %mul3A_1043 : i32
        %swap3A = arith.index_cast %add3A_1046 : i32 to index
        %swap3A_1047 = tpu.vector_load %arg11[%swap3A] {strides = array<i32>} : memref<512xf32, #tpu.memory_space<vmem>>, vector<16xf32>,
        %swap3A_1048 = vector.shape_cast %swap3A_1047 : vector<16xf32> to vector<16xf32>
        %swap3A_1049 = vector.shape_cast %select_n3A_626 : vector<16xf32> to vector<16xf32>
        tpu.vector_store %arg11[%swap3A], %swap3A_1049 {strides = array<i32>} : memref<512xf32, #tpu.memory_space<vmem>>, vector<16xf32>,
        scf.yield %add3A_725, %add3A_822, %add3A_919, %add3A_1016, %select_n3A_626 : vector<16xf32>, vector<16xf32>, vector<16xf32>, vector<16xf32>, vector<16xf32>
      }
      %scan3A_446 = arith.constant 17 : i32
      %add3A_447 = arith.constant 1 : i32
      %add3A_448 = arith.addi %mul3A_389, %add3A_447 : i32
      %jit3A_449 = arith.constant 4 : i32
      %eq3A_450 = arith.constant 0 : i32
      %eq3A_451 = arith.cmpi eq, %jit3A_449, %eq3A_450 : i32
      %jit3A_452 = arith.constant 1 : i32
      %select_n3A_453 = arith.select %eq3A_451, %jit3A_452, %jit3A_449 : i32
      %rem3A_454 = arith.remsi %add3A_448, %select_n3A_453 : i32
      %ne3A_455 = arith.constant 0 : i32
      %ne3A_456 = arith.cmpi ne, %rem3A_454, %ne3A_455 : i32
      %lt3A_457 = arith.constant 0 : i32
      %lt3A_458 = arith.cmpi slt, %rem3A_454, %lt3A_457 : i32
      %lt3A_459 = arith.constant 0 : i32
      %lt3A_460 = arith.cmpi slt, %select_n3A_453, %lt3A_459 : i32
      %ne3A_461 = arith.xori %lt3A_458, %lt3A_460 : i1
      %and3A_462 = arith.andi %ne3A_461, %ne3A_456 : i1
      %add3A_463 = arith.addi %rem3A_454, %select_n3A_453 : i32
      %select_n3A_464 = arith.select %and3A_462, %add3A_463, %rem3A_454 : i32
      %dma_wait3A_465 = arith.constant 0 : i32
      %dma_wait3A_466 = arith.constant 0 : i32
      %dma_wait3A_467 = tpu.memref_slice %arg9[%select_n3A_464, %dma_wait3A_465, %dma_wait3A_466] : memref<4x64x128xf32, #tpu.memory_space<vmem>> -> memref<1x64x128xf32, #tpu.memory_space<vmem>>
      %dma_wait3A_468 = tpu.memref_squeeze %dma_wait3A_467 : memref<1x64x128xf32, #tpu.memory_space<vmem>> -> memref<64x128xf32, #tpu.memory_space<vmem>>
      %dma_wait3A_469 = arith.constant 0 : i32
      %dma_wait3A_470 = tpu.memref_slice %arg7[%add3A_448, %dma_wait3A_469] : memref<8x64xi32, #tpu.memory_space<vmem>> -> memref<1x64xi32, #tpu.memory_space<vmem>>
      %dma_wait3A_471 = tpu.memref_squeeze %dma_wait3A_470 : memref<1x64xi32, #tpu.memory_space<vmem>> -> memref<64xi32, #tpu.memory_space<vmem>>
      %dma_wait3A_472 = arith.constant 0 : i32
      %dma_wait3A_473 = arith.constant 0 : i32
      %dma_wait3A_474 = tpu.memref_slice %arg4[%dma_wait3A_472, %dma_wait3A_473] : memref<100000x128xf32, #tpu.memory_space<hbm>> -> memref<100000x128xf32, #tpu.memory_space<hbm>>
      tpu.wait_indirect_dma semaphore(%arg14 : memref<!tpu.dma_semaphore, #tpu.memory_space<semaphore_mem>>) src(%dma_wait3A_474 : memref<100000x128xf32, #tpu.memory_space<hbm>>) dst(%dma_wait3A_468 : memref<64x128xf32, #tpu.memory_space<vmem>>)
      %dma_wait3A_475 = arith.constant 0 : i32
      %dma_wait3A_476 = arith.constant 0 : i32
      %dma_wait3A_477 = tpu.memref_slice %arg10[%select_n3A_464, %dma_wait3A_475, %dma_wait3A_476] : memref<4x64x128xf32, #tpu.memory_space<vmem>> -> memref<1x64x128xf32, #tpu.memory_space<vmem>>
      %dma_wait3A_478 = tpu.memref_squeeze %dma_wait3A_477 : memref<1x64x128xf32, #tpu.memory_space<vmem>> -> memref<64x128xf32, #tpu.memory_space<vmem>>
      %dma_wait3A_479 = arith.constant 0 : i32
      %dma_wait3A_480 = tpu.memref_slice %arg8[%add3A_448, %dma_wait3A_479] : memref<8x64xi32, #tpu.memory_space<vmem>> -> memref<1x64xi32, #tpu.memory_space<vmem>>
      %dma_wait3A_481 = tpu.memref_squeeze %dma_wait3A_480 : memref<1x64xi32, #tpu.memory_space<vmem>> -> memref<64xi32, #tpu.memory_space<vmem>>
      %dma_wait3A_482 = arith.constant 0 : i32
      %dma_wait3A_483 = arith.constant 0 : i32
      %dma_wait3A_484 = tpu.memref_slice %arg5[%dma_wait3A_482, %dma_wait3A_483] : memref<100000x128xf32, #tpu.memory_space<hbm>> -> memref<100000x128xf32, #tpu.memory_space<hbm>>
      tpu.wait_indirect_dma semaphore(%arg16 : memref<!tpu.dma_semaphore, #tpu.memory_space<semaphore_mem>>) src(%dma_wait3A_484 : memref<100000x128xf32, #tpu.memory_space<hbm>>) dst(%dma_wait3A_478 : memref<64x128xf32, #tpu.memory_space<vmem>>)
      %add3A_485 = arith.constant 3 : i32
      %add3A_486 = arith.addi %mul3A_389, %add3A_485 : i32
      %lt3A_487 = arith.constant 8 : i32
      %lt3A_488 = arith.cmpi slt, %add3A_486, %lt3A_487 : i32
      %convert_element_type3A_489 = arith.extui %lt3A_488 : i1 to i32
      %cond3A_490 = arith.constant 0 : i32
      %cond3A_491 = arith.cmpi ne, %convert_element_type3A_489, %cond3A_490 : i32
      scf.if %cond3A_491 {
        %add3A_519 = arith.constant 3 : i32
        %add3A_520 = arith.addi %mul3A_389, %add3A_519 : i32
        %jit3A_521 = arith.constant 4 : i32
        %eq3A_522 = arith.constant 0 : i32
        %eq3A_523 = arith.cmpi eq, %jit3A_521, %eq3A_522 : i32
        %jit3A_524 = arith.constant 1 : i32
        %select_n3A_525 = arith.select %eq3A_523, %jit3A_524, %jit3A_521 : i32
        %rem3A_526 = arith.remsi %add3A_520, %select_n3A_525 : i32
        %ne3A_527 = arith.constant 0 : i32
        %ne3A_528 = arith.cmpi ne, %rem3A_526, %ne3A_527 : i32
        %lt3A_529 = arith.constant 0 : i32
        %lt3A_530 = arith.cmpi slt, %rem3A_526, %lt3A_529 : i32
        %lt3A_531 = arith.constant 0 : i32
        %lt3A_532 = arith.cmpi slt, %select_n3A_525, %lt3A_531 : i32
        %ne3A_533 = arith.xori %lt3A_530, %lt3A_532 : i1
        %and3A_534 = arith.andi %ne3A_533, %ne3A_528 : i1
        %add3A_535 = arith.addi %rem3A_526, %select_n3A_525 : i32
        %select_n3A_536 = arith.select %and3A_534, %add3A_535, %rem3A_526 : i32
        %dma_start3A_537 = arith.constant 0 : i32
        %dma_start3A_538 = arith.constant 0 : i32
        %dma_start3A_539 = tpu.memref_slice %arg9[%select_n3A_536, %dma_start3A_537, %dma_start3A_538] : memref<4x64x128xf32, #tpu.memory_space<vmem>> -> memref<1x64x128xf32, #tpu.memory_space<vmem>>
        %dma_start3A_540 = tpu.memref_squeeze %dma_start3A_539 : memref<1x64x128xf32, #tpu.memory_space<vmem>> -> memref<64x128xf32, #tpu.memory_space<vmem>>
        %dma_start3A_541 = arith.constant 0 : i32
        %dma_start3A_542 = tpu.memref_slice %arg7[%add3A_520, %dma_start3A_541] : memref<8x64xi32, #tpu.memory_space<vmem>> -> memref<1x64xi32, #tpu.memory_space<vmem>>
        %dma_start3A_543 = tpu.memref_squeeze %dma_start3A_542 : memref<1x64xi32, #tpu.memory_space<vmem>> -> memref<64xi32, #tpu.memory_space<vmem>>
        %dma_start3A_544 = arith.constant 0 : i32
        %dma_start3A_545 = arith.constant 0 : i32
        %dma_start3A_546 = tpu.memref_slice %arg4[%dma_start3A_544, %dma_start3A_545] : memref<100000x128xf32, #tpu.memory_space<hbm>> -> memref<100000x128xf32, #tpu.memory_space<hbm>>
        tpu.enqueue_indirect_dma source(%dma_start3A_546 : memref<100000x128xf32, #tpu.memory_space<hbm>>) target(%dma_start3A_540 : memref<64x128xf32, #tpu.memory_space<vmem>>) offsets(%dma_start3A_543 : memref<64xi32, #tpu.memory_space<vmem>>) semaphore(%arg14 : memref<!tpu.dma_semaphore, #tpu.memory_space<semaphore_mem>>)
        %dma_start3A_547 = arith.constant 0 : i32
        %dma_start3A_548 = arith.constant 0 : i32
        %dma_start3A_549 = tpu.memref_slice %arg10[%select_n3A_536, %dma_start3A_547, %dma_start3A_548] : memref<4x64x128xf32, #tpu.memory_space<vmem>> -> memref<1x64x128xf32, #tpu.memory_space<vmem>>
        %dma_start3A_550 = tpu.memref_squeeze %dma_start3A_549 : memref<1x64x128xf32, #tpu.memory_space<vmem>> -> memref<64x128xf32, #tpu.memory_space<vmem>>
        %dma_start3A_551 = arith.constant 0 : i32
        %dma_start3A_552 = tpu.memref_slice %arg8[%add3A_520, %dma_start3A_551] : memref<8x64xi32, #tpu.memory_space<vmem>> -> memref<1x64xi32, #tpu.memory_space<vmem>>
        %dma_start3A_553 = tpu.memref_squeeze %dma_start3A_552 : memref<1x64xi32, #tpu.memory_space<vmem>> -> memref<64xi32, #tpu.memory_space<vmem>>
        %dma_start3A_554 = arith.constant 0 : i32
        %dma_start3A_555 = arith.constant 0 : i32
        %dma_start3A_556 = tpu.memref_slice %arg5[%dma_start3A_554, %dma_start3A_555] : memref<100000x128xf32, #tpu.memory_space<hbm>> -> memref<100000x128xf32, #tpu.memory_space<hbm>>
        tpu.enqueue_indirect_dma source(%dma_start3A_556 : memref<100000x128xf32, #tpu.memory_space<hbm>>) target(%dma_start3A_550 : memref<64x128xf32, #tpu.memory_space<vmem>>) offsets(%dma_start3A_553 : memref<64xi32, #tpu.memory_space<vmem>>) semaphore(%arg16 : memref<!tpu.dma_semaphore, #tpu.memory_space<semaphore_mem>>)
      } else {
      }
      %add3A_492 = arith.constant 1 : i32
      %add3A_493 = arith.addi %mul3A_389, %add3A_492 : i32
      %jit3A_494 = arith.constant 4 : i32
      %eq3A_495 = arith.constant 0 : i32
      %eq3A_496 = arith.cmpi eq, %jit3A_494, %eq3A_495 : i32
      %jit3A_497 = arith.constant 1 : i32
      %select_n3A_498 = arith.select %eq3A_496, %jit3A_497, %jit3A_494 : i32
      %rem3A_499 = arith.remsi %add3A_493, %select_n3A_498 : i32
      %ne3A_500 = arith.constant 0 : i32
      %ne3A_501 = arith.cmpi ne, %rem3A_499, %ne3A_500 : i32
      %lt3A_502 = arith.constant 0 : i32
      %lt3A_503 = arith.cmpi slt, %rem3A_499, %lt3A_502 : i32
      %lt3A_504 = arith.constant 0 : i32
      %lt3A_505 = arith.cmpi slt, %select_n3A_498, %lt3A_504 : i32
      %ne3A_506 = arith.xori %lt3A_503, %lt3A_505 : i1
      %and3A_507 = arith.andi %ne3A_506, %ne3A_501 : i1
      %add3A_508 = arith.addi %rem3A_499, %select_n3A_498 : i32
      %select_n3A_509 = arith.select %and3A_507, %add3A_508, %rem3A_499 : i32
      %broadcast_in_dim3A_510 = arith.constant 0.000000e+00 : f32
      %broadcast_in_dim3A_511 = vector.broadcast %broadcast_in_dim3A_510 : f32 to vector<16xf32>
      %scan3A_512 = arith.constant 0 : i32
      %scan3A_513 = arith.constant 17 : i32
      %scan3A_514 = arith.addi %scan3A_512, %scan3A_513 : i32
      %scan3A_515 = arith.constant 1 : i32
      %scan3A_516:5 = scf.for %scan3A_519 = %scan3A_512 to %scan3A_514 step %scan3A_515 iter_args(%scan3A_520 = %broadcast_in_dim3A_511, %scan3A_521 = %broadcast_in_dim3A_511, %scan3A_522 = %broadcast_in_dim3A_511, %scan3A_523 = %broadcast_in_dim3A_511, %scan3A_524 = %broadcast_in_dim3A_511) -> (vector<16xf32>, vector<16xf32>, vector<16xf32>, vector<16xf32>, vector<16xf32>)  : i32 {
        %sub3A = arith.constant 1 : i32
        %sub3A_525 = arith.subi %scan3A_519, %sub3A : i32
        %jit3A_526 = arith.constant 4 : i32
        %eq3A_527 = arith.constant 0 : i32
        %eq3A_528 = arith.cmpi eq, %jit3A_526, %eq3A_527 : i32
        %jit3A_529 = arith.constant 1 : i32
        %select_n3A_530 = arith.select %eq3A_528, %jit3A_529, %jit3A_526 : i32
        %rem3A_531 = arith.remsi %sub3A_525, %select_n3A_530 : i32
        %ne3A_532 = arith.constant 0 : i32
        %ne3A_533 = arith.cmpi ne, %rem3A_531, %ne3A_532 : i32
        %lt3A_534 = arith.constant 0 : i32
        %lt3A_535 = arith.cmpi slt, %rem3A_531, %lt3A_534 : i32
        %lt3A_536 = arith.constant 0 : i32
        %lt3A_537 = arith.cmpi slt, %select_n3A_530, %lt3A_536 : i32
        %ne3A_538 = arith.xori %lt3A_535, %lt3A_537 : i1
        %and3A_539 = arith.andi %ne3A_538, %ne3A_533 : i1
        %add3A_540 = arith.addi %rem3A_531, %select_n3A_530 : i32
        %select_n3A_541 = arith.select %and3A_539, %add3A_540, %rem3A_531 : i32
        %mul3A_542 = arith.constant 4 : i32
        %mul3A_543 = arith.muli %select_n3A_541, %mul3A_542 : i32
        %broadcast_in_dim3A_544 = vector.shape_cast %xor3A_179 : vector<16xi32> to vector<16x1xi32>
        %gather3A = vector.shape_cast %broadcast_in_dim3A_544 : vector<16x1xi32> to vector<16xi32>
        %gather3A_545 = tpu.dynamic_gather %scan3A_520[%gather3A] in [0] : vector<16xf32>, vector<16xi32> -> vector<16xf32>
        %add3A_546 = arith.addf %scan3A_520, %gather3A_545 : vector<16xf32>
        %broadcast_in_dim3A_547 = vector.shape_cast %xor3A_182 : vector<16xi32> to vector<16x1xi32>
        %gather3A_548 = vector.shape_cast %broadcast_in_dim3A_547 : vector<16x1xi32> to vector<16xi32>
        %gather3A_549 = tpu.dynamic_gather %add3A_546[%gather3A_548] in [0] : vector<16xf32>, vector<16xi32> -> vector<16xf32>
        %add3A_550 = arith.addf %add3A_546, %gather3A_549 : vector<16xf32>
        %broadcast_in_dim3A_551 = vector.shape_cast %xor3A_185 : vector<16xi32> to vector<16x1xi32>
        %gather3A_552 = vector.shape_cast %broadcast_in_dim3A_551 : vector<16x1xi32> to vector<16xi32>
        %gather3A_553 = tpu.dynamic_gather %add3A_550[%gather3A_552] in [0] : vector<16xf32>, vector<16xi32> -> vector<16xf32>
        %add3A_554 = arith.addf %add3A_550, %gather3A_553 : vector<16xf32>
        %broadcast_in_dim3A_555 = vector.shape_cast %xor3A_188 : vector<16xi32> to vector<16x1xi32>
        %gather3A_556 = vector.shape_cast %broadcast_in_dim3A_555 : vector<16x1xi32> to vector<16xi32>
        %gather3A_557 = tpu.dynamic_gather %add3A_554[%gather3A_556] in [0] : vector<16xf32>, vector<16xi32> -> vector<16xf32>
        %add3A_558 = arith.addf %add3A_554, %gather3A_557 : vector<16xf32>
        %add3A_559 = arith.constant 0 : i32
        %add3A_560 = arith.addi %mul3A_543, %add3A_559 : i32
        %eq3A_561 = vector.broadcast %add3A_560 : i32 to vector<16xi32>
        %eq3A_562 = arith.cmpi eq, %iota3A, %eq3A_561 : vector<16xi32>
        %select_n3A_563 = arith.select %eq3A_562, %add3A_558, %scan3A_524 : vector<16xi1>, vector<16xf32>
        %broadcast_in_dim3A_564 = vector.shape_cast %xor3A_179 : vector<16xi32> to vector<16x1xi32>
        %gather3A_565 = vector.shape_cast %broadcast_in_dim3A_564 : vector<16x1xi32> to vector<16xi32>
        %gather3A_566 = tpu.dynamic_gather %scan3A_521[%gather3A_565] in [0] : vector<16xf32>, vector<16xi32> -> vector<16xf32>
        %add3A_567 = arith.addf %scan3A_521, %gather3A_566 : vector<16xf32>
        %broadcast_in_dim3A_568 = vector.shape_cast %xor3A_182 : vector<16xi32> to vector<16x1xi32>
        %gather3A_569 = vector.shape_cast %broadcast_in_dim3A_568 : vector<16x1xi32> to vector<16xi32>
        %gather3A_570 = tpu.dynamic_gather %add3A_567[%gather3A_569] in [0] : vector<16xf32>, vector<16xi32> -> vector<16xf32>
        %add3A_571 = arith.addf %add3A_567, %gather3A_570 : vector<16xf32>
        %broadcast_in_dim3A_572 = vector.shape_cast %xor3A_185 : vector<16xi32> to vector<16x1xi32>
        %gather3A_573 = vector.shape_cast %broadcast_in_dim3A_572 : vector<16x1xi32> to vector<16xi32>
        %gather3A_574 = tpu.dynamic_gather %add3A_571[%gather3A_573] in [0] : vector<16xf32>, vector<16xi32> -> vector<16xf32>
        %add3A_575 = arith.addf %add3A_571, %gather3A_574 : vector<16xf32>
        %broadcast_in_dim3A_576 = vector.shape_cast %xor3A_188 : vector<16xi32> to vector<16x1xi32>
        %gather3A_577 = vector.shape_cast %broadcast_in_dim3A_576 : vector<16x1xi32> to vector<16xi32>
        %gather3A_578 = tpu.dynamic_gather %add3A_575[%gather3A_577] in [0] : vector<16xf32>, vector<16xi32> -> vector<16xf32>
        %add3A_579 = arith.addf %add3A_575, %gather3A_578 : vector<16xf32>
        %add3A_580 = arith.constant 1 : i32
        %add3A_581 = arith.addi %mul3A_543, %add3A_580 : i32
        %eq3A_582 = vector.broadcast %add3A_581 : i32 to vector<16xi32>
        %eq3A_583 = arith.cmpi eq, %iota3A, %eq3A_582 : vector<16xi32>
        %select_n3A_584 = arith.select %eq3A_583, %add3A_579, %select_n3A_563 : vector<16xi1>, vector<16xf32>
        %broadcast_in_dim3A_585 = vector.shape_cast %xor3A_179 : vector<16xi32> to vector<16x1xi32>
        %gather3A_586 = vector.shape_cast %broadcast_in_dim3A_585 : vector<16x1xi32> to vector<16xi32>
        %gather3A_587 = tpu.dynamic_gather %scan3A_522[%gather3A_586] in [0] : vector<16xf32>, vector<16xi32> -> vector<16xf32>
        %add3A_588 = arith.addf %scan3A_522, %gather3A_587 : vector<16xf32>
        %broadcast_in_dim3A_589 = vector.shape_cast %xor3A_182 : vector<16xi32> to vector<16x1xi32>
        %gather3A_590 = vector.shape_cast %broadcast_in_dim3A_589 : vector<16x1xi32> to vector<16xi32>
        %gather3A_591 = tpu.dynamic_gather %add3A_588[%gather3A_590] in [0] : vector<16xf32>, vector<16xi32> -> vector<16xf32>
        %add3A_592 = arith.addf %add3A_588, %gather3A_591 : vector<16xf32>
        %broadcast_in_dim3A_593 = vector.shape_cast %xor3A_185 : vector<16xi32> to vector<16x1xi32>
        %gather3A_594 = vector.shape_cast %broadcast_in_dim3A_593 : vector<16x1xi32> to vector<16xi32>
        %gather3A_595 = tpu.dynamic_gather %add3A_592[%gather3A_594] in [0] : vector<16xf32>, vector<16xi32> -> vector<16xf32>
        %add3A_596 = arith.addf %add3A_592, %gather3A_595 : vector<16xf32>
        %broadcast_in_dim3A_597 = vector.shape_cast %xor3A_188 : vector<16xi32> to vector<16x1xi32>
        %gather3A_598 = vector.shape_cast %broadcast_in_dim3A_597 : vector<16x1xi32> to vector<16xi32>
        %gather3A_599 = tpu.dynamic_gather %add3A_596[%gather3A_598] in [0] : vector<16xf32>, vector<16xi32> -> vector<16xf32>
        %add3A_600 = arith.addf %add3A_596, %gather3A_599 : vector<16xf32>
        %add3A_601 = arith.constant 2 : i32
        %add3A_602 = arith.addi %mul3A_543, %add3A_601 : i32
        %eq3A_603 = vector.broadcast %add3A_602 : i32 to vector<16xi32>
        %eq3A_604 = arith.cmpi eq, %iota3A, %eq3A_603 : vector<16xi32>
        %select_n3A_605 = arith.select %eq3A_604, %add3A_600, %select_n3A_584 : vector<16xi1>, vector<16xf32>
        %broadcast_in_dim3A_606 = vector.shape_cast %xor3A_179 : vector<16xi32> to vector<16x1xi32>
        %gather3A_607 = vector.shape_cast %broadcast_in_dim3A_606 : vector<16x1xi32> to vector<16xi32>
        %gather3A_608 = tpu.dynamic_gather %scan3A_523[%gather3A_607] in [0] : vector<16xf32>, vector<16xi32> -> vector<16xf32>
        %add3A_609 = arith.addf %scan3A_523, %gather3A_608 : vector<16xf32>
        %broadcast_in_dim3A_610 = vector.shape_cast %xor3A_182 : vector<16xi32> to vector<16x1xi32>
        %gather3A_611 = vector.shape_cast %broadcast_in_dim3A_610 : vector<16x1xi32> to vector<16xi32>
        %gather3A_612 = tpu.dynamic_gather %add3A_609[%gather3A_611] in [0] : vector<16xf32>, vector<16xi32> -> vector<16xf32>
        %add3A_613 = arith.addf %add3A_609, %gather3A_612 : vector<16xf32>
        %broadcast_in_dim3A_614 = vector.shape_cast %xor3A_185 : vector<16xi32> to vector<16x1xi32>
        %gather3A_615 = vector.shape_cast %broadcast_in_dim3A_614 : vector<16x1xi32> to vector<16xi32>
        %gather3A_616 = tpu.dynamic_gather %add3A_613[%gather3A_615] in [0] : vector<16xf32>, vector<16xi32> -> vector<16xf32>
        %add3A_617 = arith.addf %add3A_613, %gather3A_616 : vector<16xf32>
        %broadcast_in_dim3A_618 = vector.shape_cast %xor3A_188 : vector<16xi32> to vector<16x1xi32>
        %gather3A_619 = vector.shape_cast %broadcast_in_dim3A_618 : vector<16x1xi32> to vector<16xi32>
        %gather3A_620 = tpu.dynamic_gather %add3A_617[%gather3A_619] in [0] : vector<16xf32>, vector<16xi32> -> vector<16xf32>
        %add3A_621 = arith.addf %add3A_617, %gather3A_620 : vector<16xf32>
        %add3A_622 = arith.constant 3 : i32
        %add3A_623 = arith.addi %mul3A_543, %add3A_622 : i32
        %eq3A_624 = vector.broadcast %add3A_623 : i32 to vector<16xi32>
        %eq3A_625 = arith.cmpi eq, %iota3A, %eq3A_624 : vector<16xi32>
        %select_n3A_626 = arith.select %eq3A_625, %add3A_621, %select_n3A_605 : vector<16xi1>, vector<16xf32>
        %min3A = arith.constant 15 : i32
        %min3A_627 = arith.minsi %scan3A_519, %min3A : i32
        %mul3A_628 = arith.constant 4 : i32
        %mul3A_629 = arith.muli %min3A_627, %mul3A_628 : i32
        %add3A_630 = arith.constant 0 : i32
        %add3A_631 = arith.addi %mul3A_629, %add3A_630 : i32
        %get3A = arith.index_cast %select_n3A_509 : i32 to index
        %get3A_632 = arith.index_cast %add3A_631 : i32 to index
        %get3A_633 = arith.constant 0 : index
        %get3A_634 = tpu.vector_load %arg9[%get3A, %get3A_632, %get3A_633] {strides = array<i32>} : memref<4x64x128xf32, #tpu.memory_space<vmem>>, vector<1x1x16xf32>,
        %get3A_635 = vector.shape_cast %get3A_634 : vector<1x1x16xf32> to vector<16xf32>
        %get3A_636 = arith.index_cast %select_n3A_509 : i32 to index
        %get3A_637 = arith.index_cast %add3A_631 : i32 to index
        %get3A_638 = arith.constant 0 : index
        %get3A_639 = tpu.vector_load %arg10[%get3A_636, %get3A_637, %get3A_638] {strides = array<i32>} : memref<4x64x128xf32, #tpu.memory_space<vmem>>, vector<1x1x16xf32>,
        %get3A_640 = vector.shape_cast %get3A_639 : vector<1x1x16xf32> to vector<16xf32>
        %mul3A_641 = arith.mulf %get3A_635, %get3A_640 : vector<16xf32>
        %get3A_642 = arith.index_cast %select_n3A_509 : i32 to index
        %get3A_643 = arith.index_cast %add3A_631 : i32 to index
        %get3A_644 = arith.constant 16 : index
        %get3A_645 = tpu.vector_load %arg9[%get3A_642, %get3A_643, %get3A_644] {strides = array<i32>} : memref<4x64x128xf32, #tpu.memory_space<vmem>>, vector<1x1x16xf32>,
        %get3A_646 = vector.shape_cast %get3A_645 : vector<1x1x16xf32> to vector<16xf32>
        %get3A_647 = arith.index_cast %select_n3A_509 : i32 to index
        %get3A_648 = arith.index_cast %add3A_631 : i32 to index
        %get3A_649 = arith.constant 16 : index
        %get3A_650 = tpu.vector_load %arg10[%get3A_647, %get3A_648, %get3A_649] {strides = array<i32>} : memref<4x64x128xf32, #tpu.memory_space<vmem>>, vector<1x1x16xf32>,
        %get3A_651 = vector.shape_cast %get3A_650 : vector<1x1x16xf32> to vector<16xf32>
        %mul3A_652 = arith.mulf %get3A_646, %get3A_651 : vector<16xf32>
        %get3A_653 = arith.index_cast %select_n3A_509 : i32 to index
        %get3A_654 = arith.index_cast %add3A_631 : i32 to index
        %get3A_655 = arith.constant 32 : index
        %get3A_656 = tpu.vector_load %arg9[%get3A_653, %get3A_654, %get3A_655] {strides = array<i32>} : memref<4x64x128xf32, #tpu.memory_space<vmem>>, vector<1x1x16xf32>,
        %get3A_657 = vector.shape_cast %get3A_656 : vector<1x1x16xf32> to vector<16xf32>
        %get3A_658 = arith.index_cast %select_n3A_509 : i32 to index
        %get3A_659 = arith.index_cast %add3A_631 : i32 to index
        %get3A_660 = arith.constant 32 : index
        %get3A_661 = tpu.vector_load %arg10[%get3A_658, %get3A_659, %get3A_660] {strides = array<i32>} : memref<4x64x128xf32, #tpu.memory_space<vmem>>, vector<1x1x16xf32>,
        %get3A_662 = vector.shape_cast %get3A_661 : vector<1x1x16xf32> to vector<16xf32>
        %mul3A_663 = arith.mulf %get3A_657, %get3A_662 : vector<16xf32>
        %get3A_664 = arith.index_cast %select_n3A_509 : i32 to index
        %get3A_665 = arith.index_cast %add3A_631 : i32 to index
        %get3A_666 = arith.constant 48 : index
        %get3A_667 = tpu.vector_load %arg9[%get3A_664, %get3A_665, %get3A_666] {strides = array<i32>} : memref<4x64x128xf32, #tpu.memory_space<vmem>>, vector<1x1x16xf32>,
        %get3A_668 = vector.shape_cast %get3A_667 : vector<1x1x16xf32> to vector<16xf32>
        %get3A_669 = arith.index_cast %select_n3A_509 : i32 to index
        %get3A_670 = arith.index_cast %add3A_631 : i32 to index
        %get3A_671 = arith.constant 48 : index
        %get3A_672 = tpu.vector_load %arg10[%get3A_669, %get3A_670, %get3A_671] {strides = array<i32>} : memref<4x64x128xf32, #tpu.memory_space<vmem>>, vector<1x1x16xf32>,
        %get3A_673 = vector.shape_cast %get3A_672 : vector<1x1x16xf32> to vector<16xf32>
        %mul3A_674 = arith.mulf %get3A_668, %get3A_673 : vector<16xf32>
        %get3A_675 = arith.index_cast %select_n3A_509 : i32 to index
        %get3A_676 = arith.index_cast %add3A_631 : i32 to index
        %get3A_677 = arith.constant 64 : index
        %get3A_678 = tpu.vector_load %arg9[%get3A_675, %get3A_676, %get3A_677] {strides = array<i32>} : memref<4x64x128xf32, #tpu.memory_space<vmem>>, vector<1x1x16xf32>,
        %get3A_679 = vector.shape_cast %get3A_678 : vector<1x1x16xf32> to vector<16xf32>
        %get3A_680 = arith.index_cast %select_n3A_509 : i32 to index
        %get3A_681 = arith.index_cast %add3A_631 : i32 to index
        %get3A_682 = arith.constant 64 : index
        %get3A_683 = tpu.vector_load %arg10[%get3A_680, %get3A_681, %get3A_682] {strides = array<i32>} : memref<4x64x128xf32, #tpu.memory_space<vmem>>, vector<1x1x16xf32>,
        %get3A_684 = vector.shape_cast %get3A_683 : vector<1x1x16xf32> to vector<16xf32>
        %mul3A_685 = arith.mulf %get3A_679, %get3A_684 : vector<16xf32>
        %get3A_686 = arith.index_cast %select_n3A_509 : i32 to index
        %get3A_687 = arith.index_cast %add3A_631 : i32 to index
        %get3A_688 = arith.constant 80 : index
        %get3A_689 = tpu.vector_load %arg9[%get3A_686, %get3A_687, %get3A_688] {strides = array<i32>} : memref<4x64x128xf32, #tpu.memory_space<vmem>>, vector<1x1x16xf32>,
        %get3A_690 = vector.shape_cast %get3A_689 : vector<1x1x16xf32> to vector<16xf32>
        %get3A_691 = arith.index_cast %select_n3A_509 : i32 to index
        %get3A_692 = arith.index_cast %add3A_631 : i32 to index
        %get3A_693 = arith.constant 80 : index
        %get3A_694 = tpu.vector_load %arg10[%get3A_691, %get3A_692, %get3A_693] {strides = array<i32>} : memref<4x64x128xf32, #tpu.memory_space<vmem>>, vector<1x1x16xf32>,
        %get3A_695 = vector.shape_cast %get3A_694 : vector<1x1x16xf32> to vector<16xf32>
        %mul3A_696 = arith.mulf %get3A_690, %get3A_695 : vector<16xf32>
        %get3A_697 = arith.index_cast %select_n3A_509 : i32 to index
        %get3A_698 = arith.index_cast %add3A_631 : i32 to index
        %get3A_699 = arith.constant 96 : index
        %get3A_700 = tpu.vector_load %arg9[%get3A_697, %get3A_698, %get3A_699] {strides = array<i32>} : memref<4x64x128xf32, #tpu.memory_space<vmem>>, vector<1x1x16xf32>,
        %get3A_701 = vector.shape_cast %get3A_700 : vector<1x1x16xf32> to vector<16xf32>
        %get3A_702 = arith.index_cast %select_n3A_509 : i32 to index
        %get3A_703 = arith.index_cast %add3A_631 : i32 to index
        %get3A_704 = arith.constant 96 : index
        %get3A_705 = tpu.vector_load %arg10[%get3A_702, %get3A_703, %get3A_704] {strides = array<i32>} : memref<4x64x128xf32, #tpu.memory_space<vmem>>, vector<1x1x16xf32>,
        %get3A_706 = vector.shape_cast %get3A_705 : vector<1x1x16xf32> to vector<16xf32>
        %mul3A_707 = arith.mulf %get3A_701, %get3A_706 : vector<16xf32>
        %get3A_708 = arith.index_cast %select_n3A_509 : i32 to index
        %get3A_709 = arith.index_cast %add3A_631 : i32 to index
        %get3A_710 = arith.constant 112 : index
        %get3A_711 = tpu.vector_load %arg9[%get3A_708, %get3A_709, %get3A_710] {strides = array<i32>} : memref<4x64x128xf32, #tpu.memory_space<vmem>>, vector<1x1x16xf32>,
        %get3A_712 = vector.shape_cast %get3A_711 : vector<1x1x16xf32> to vector<16xf32>
        %get3A_713 = arith.index_cast %select_n3A_509 : i32 to index
        %get3A_714 = arith.index_cast %add3A_631 : i32 to index
        %get3A_715 = arith.constant 112 : index
        %get3A_716 = tpu.vector_load %arg10[%get3A_713, %get3A_714, %get3A_715] {strides = array<i32>} : memref<4x64x128xf32, #tpu.memory_space<vmem>>, vector<1x1x16xf32>,
        %get3A_717 = vector.shape_cast %get3A_716 : vector<1x1x16xf32> to vector<16xf32>
        %mul3A_718 = arith.mulf %get3A_712, %get3A_717 : vector<16xf32>
        %add3A_719 = arith.addf %mul3A_641, %mul3A_652 : vector<16xf32>
        %add3A_720 = arith.addf %mul3A_663, %mul3A_674 : vector<16xf32>
        %add3A_721 = arith.addf %mul3A_685, %mul3A_696 : vector<16xf32>
        %add3A_722 = arith.addf %mul3A_707, %mul3A_718 : vector<16xf32>
        %add3A_723 = arith.addf %add3A_719, %add3A_720 : vector<16xf32>
        %add3A_724 = arith.addf %add3A_721, %add3A_722 : vector<16xf32>
        %add3A_725 = arith.addf %add3A_723, %add3A_724 : vector<16xf32>
        %add3A_726 = arith.constant 1 : i32
        %add3A_727 = arith.addi %mul3A_629, %add3A_726 : i32
        %get3A_728 = arith.index_cast %select_n3A_509 : i32 to index
        %get3A_729 = arith.index_cast %add3A_727 : i32 to index
        %get3A_730 = arith.constant 0 : index
        %get3A_731 = tpu.vector_load %arg9[%get3A_728, %get3A_729, %get3A_730] {strides = array<i32>} : memref<4x64x128xf32, #tpu.memory_space<vmem>>, vector<1x1x16xf32>,
        %get3A_732 = vector.shape_cast %get3A_731 : vector<1x1x16xf32> to vector<16xf32>
        %get3A_733 = arith.index_cast %select_n3A_509 : i32 to index
        %get3A_734 = arith.index_cast %add3A_727 : i32 to index
        %get3A_735 = arith.constant 0 : index
        %get3A_736 = tpu.vector_load %arg10[%get3A_733, %get3A_734, %get3A_735] {strides = array<i32>} : memref<4x64x128xf32, #tpu.memory_space<vmem>>, vector<1x1x16xf32>,
        %get3A_737 = vector.shape_cast %get3A_736 : vector<1x1x16xf32> to vector<16xf32>
        %mul3A_738 = arith.mulf %get3A_732, %get3A_737 : vector<16xf32>
        %get3A_739 = arith.index_cast %select_n3A_509 : i32 to index
        %get3A_740 = arith.index_cast %add3A_727 : i32 to index
        %get3A_741 = arith.constant 16 : index
        %get3A_742 = tpu.vector_load %arg9[%get3A_739, %get3A_740, %get3A_741] {strides = array<i32>} : memref<4x64x128xf32, #tpu.memory_space<vmem>>, vector<1x1x16xf32>,
        %get3A_743 = vector.shape_cast %get3A_742 : vector<1x1x16xf32> to vector<16xf32>
        %get3A_744 = arith.index_cast %select_n3A_509 : i32 to index
        %get3A_745 = arith.index_cast %add3A_727 : i32 to index
        %get3A_746 = arith.constant 16 : index
        %get3A_747 = tpu.vector_load %arg10[%get3A_744, %get3A_745, %get3A_746] {strides = array<i32>} : memref<4x64x128xf32, #tpu.memory_space<vmem>>, vector<1x1x16xf32>,
        %get3A_748 = vector.shape_cast %get3A_747 : vector<1x1x16xf32> to vector<16xf32>
        %mul3A_749 = arith.mulf %get3A_743, %get3A_748 : vector<16xf32>
        %get3A_750 = arith.index_cast %select_n3A_509 : i32 to index
        %get3A_751 = arith.index_cast %add3A_727 : i32 to index
        %get3A_752 = arith.constant 32 : index
        %get3A_753 = tpu.vector_load %arg9[%get3A_750, %get3A_751, %get3A_752] {strides = array<i32>} : memref<4x64x128xf32, #tpu.memory_space<vmem>>, vector<1x1x16xf32>,
        %get3A_754 = vector.shape_cast %get3A_753 : vector<1x1x16xf32> to vector<16xf32>
        %get3A_755 = arith.index_cast %select_n3A_509 : i32 to index
        %get3A_756 = arith.index_cast %add3A_727 : i32 to index
        %get3A_757 = arith.constant 32 : index
        %get3A_758 = tpu.vector_load %arg10[%get3A_755, %get3A_756, %get3A_757] {strides = array<i32>} : memref<4x64x128xf32, #tpu.memory_space<vmem>>, vector<1x1x16xf32>,
        %get3A_759 = vector.shape_cast %get3A_758 : vector<1x1x16xf32> to vector<16xf32>
        %mul3A_760 = arith.mulf %get3A_754, %get3A_759 : vector<16xf32>
        %get3A_761 = arith.index_cast %select_n3A_509 : i32 to index
        %get3A_762 = arith.index_cast %add3A_727 : i32 to index
        %get3A_763 = arith.constant 48 : index
        %get3A_764 = tpu.vector_load %arg9[%get3A_761, %get3A_762, %get3A_763] {strides = array<i32>} : memref<4x64x128xf32, #tpu.memory_space<vmem>>, vector<1x1x16xf32>,
        %get3A_765 = vector.shape_cast %get3A_764 : vector<1x1x16xf32> to vector<16xf32>
        %get3A_766 = arith.index_cast %select_n3A_509 : i32 to index
        %get3A_767 = arith.index_cast %add3A_727 : i32 to index
        %get3A_768 = arith.constant 48 : index
        %get3A_769 = tpu.vector_load %arg10[%get3A_766, %get3A_767, %get3A_768] {strides = array<i32>} : memref<4x64x128xf32, #tpu.memory_space<vmem>>, vector<1x1x16xf32>,
        %get3A_770 = vector.shape_cast %get3A_769 : vector<1x1x16xf32> to vector<16xf32>
        %mul3A_771 = arith.mulf %get3A_765, %get3A_770 : vector<16xf32>
        %get3A_772 = arith.index_cast %select_n3A_509 : i32 to index
        %get3A_773 = arith.index_cast %add3A_727 : i32 to index
        %get3A_774 = arith.constant 64 : index
        %get3A_775 = tpu.vector_load %arg9[%get3A_772, %get3A_773, %get3A_774] {strides = array<i32>} : memref<4x64x128xf32, #tpu.memory_space<vmem>>, vector<1x1x16xf32>,
        %get3A_776 = vector.shape_cast %get3A_775 : vector<1x1x16xf32> to vector<16xf32>
        %get3A_777 = arith.index_cast %select_n3A_509 : i32 to index
        %get3A_778 = arith.index_cast %add3A_727 : i32 to index
        %get3A_779 = arith.constant 64 : index
        %get3A_780 = tpu.vector_load %arg10[%get3A_777, %get3A_778, %get3A_779] {strides = array<i32>} : memref<4x64x128xf32, #tpu.memory_space<vmem>>, vector<1x1x16xf32>,
        %get3A_781 = vector.shape_cast %get3A_780 : vector<1x1x16xf32> to vector<16xf32>
        %mul3A_782 = arith.mulf %get3A_776, %get3A_781 : vector<16xf32>
        %get3A_783 = arith.index_cast %select_n3A_509 : i32 to index
        %get3A_784 = arith.index_cast %add3A_727 : i32 to index
        %get3A_785 = arith.constant 80 : index
        %get3A_786 = tpu.vector_load %arg9[%get3A_783, %get3A_784, %get3A_785] {strides = array<i32>} : memref<4x64x128xf32, #tpu.memory_space<vmem>>, vector<1x1x16xf32>,
        %get3A_787 = vector.shape_cast %get3A_786 : vector<1x1x16xf32> to vector<16xf32>
        %get3A_788 = arith.index_cast %select_n3A_509 : i32 to index
        %get3A_789 = arith.index_cast %add3A_727 : i32 to index
        %get3A_790 = arith.constant 80 : index
        %get3A_791 = tpu.vector_load %arg10[%get3A_788, %get3A_789, %get3A_790] {strides = array<i32>} : memref<4x64x128xf32, #tpu.memory_space<vmem>>, vector<1x1x16xf32>,
        %get3A_792 = vector.shape_cast %get3A_791 : vector<1x1x16xf32> to vector<16xf32>
        %mul3A_793 = arith.mulf %get3A_787, %get3A_792 : vector<16xf32>
        %get3A_794 = arith.index_cast %select_n3A_509 : i32 to index
        %get3A_795 = arith.index_cast %add3A_727 : i32 to index
        %get3A_796 = arith.constant 96 : index
        %get3A_797 = tpu.vector_load %arg9[%get3A_794, %get3A_795, %get3A_796] {strides = array<i32>} : memref<4x64x128xf32, #tpu.memory_space<vmem>>, vector<1x1x16xf32>,
        %get3A_798 = vector.shape_cast %get3A_797 : vector<1x1x16xf32> to vector<16xf32>
        %get3A_799 = arith.index_cast %select_n3A_509 : i32 to index
        %get3A_800 = arith.index_cast %add3A_727 : i32 to index
        %get3A_801 = arith.constant 96 : index
        %get3A_802 = tpu.vector_load %arg10[%get3A_799, %get3A_800, %get3A_801] {strides = array<i32>} : memref<4x64x128xf32, #tpu.memory_space<vmem>>, vector<1x1x16xf32>,
        %get3A_803 = vector.shape_cast %get3A_802 : vector<1x1x16xf32> to vector<16xf32>
        %mul3A_804 = arith.mulf %get3A_798, %get3A_803 : vector<16xf32>
        %get3A_805 = arith.index_cast %select_n3A_509 : i32 to index
        %get3A_806 = arith.index_cast %add3A_727 : i32 to index
        %get3A_807 = arith.constant 112 : index
        %get3A_808 = tpu.vector_load %arg9[%get3A_805, %get3A_806, %get3A_807] {strides = array<i32>} : memref<4x64x128xf32, #tpu.memory_space<vmem>>, vector<1x1x16xf32>,
        %get3A_809 = vector.shape_cast %get3A_808 : vector<1x1x16xf32> to vector<16xf32>
        %get3A_810 = arith.index_cast %select_n3A_509 : i32 to index
        %get3A_811 = arith.index_cast %add3A_727 : i32 to index
        %get3A_812 = arith.constant 112 : index
        %get3A_813 = tpu.vector_load %arg10[%get3A_810, %get3A_811, %get3A_812] {strides = array<i32>} : memref<4x64x128xf32, #tpu.memory_space<vmem>>, vector<1x1x16xf32>,
        %get3A_814 = vector.shape_cast %get3A_813 : vector<1x1x16xf32> to vector<16xf32>
        %mul3A_815 = arith.mulf %get3A_809, %get3A_814 : vector<16xf32>
        %add3A_816 = arith.addf %mul3A_738, %mul3A_749 : vector<16xf32>
        %add3A_817 = arith.addf %mul3A_760, %mul3A_771 : vector<16xf32>
        %add3A_818 = arith.addf %mul3A_782, %mul3A_793 : vector<16xf32>
        %add3A_819 = arith.addf %mul3A_804, %mul3A_815 : vector<16xf32>
        %add3A_820 = arith.addf %add3A_816, %add3A_817 : vector<16xf32>
        %add3A_821 = arith.addf %add3A_818, %add3A_819 : vector<16xf32>
        %add3A_822 = arith.addf %add3A_820, %add3A_821 : vector<16xf32>
        %add3A_823 = arith.constant 2 : i32
        %add3A_824 = arith.addi %mul3A_629, %add3A_823 : i32
        %get3A_825 = arith.index_cast %select_n3A_509 : i32 to index
        %get3A_826 = arith.index_cast %add3A_824 : i32 to index
        %get3A_827 = arith.constant 0 : index
        %get3A_828 = tpu.vector_load %arg9[%get3A_825, %get3A_826, %get3A_827] {strides = array<i32>} : memref<4x64x128xf32, #tpu.memory_space<vmem>>, vector<1x1x16xf32>,
        %get3A_829 = vector.shape_cast %get3A_828 : vector<1x1x16xf32> to vector<16xf32>
        %get3A_830 = arith.index_cast %select_n3A_509 : i32 to index
        %get3A_831 = arith.index_cast %add3A_824 : i32 to index
        %get3A_832 = arith.constant 0 : index
        %get3A_833 = tpu.vector_load %arg10[%get3A_830, %get3A_831, %get3A_832] {strides = array<i32>} : memref<4x64x128xf32, #tpu.memory_space<vmem>>, vector<1x1x16xf32>,
        %get3A_834 = vector.shape_cast %get3A_833 : vector<1x1x16xf32> to vector<16xf32>
        %mul3A_835 = arith.mulf %get3A_829, %get3A_834 : vector<16xf32>
        %get3A_836 = arith.index_cast %select_n3A_509 : i32 to index
        %get3A_837 = arith.index_cast %add3A_824 : i32 to index
        %get3A_838 = arith.constant 16 : index
        %get3A_839 = tpu.vector_load %arg9[%get3A_836, %get3A_837, %get3A_838] {strides = array<i32>} : memref<4x64x128xf32, #tpu.memory_space<vmem>>, vector<1x1x16xf32>,
        %get3A_840 = vector.shape_cast %get3A_839 : vector<1x1x16xf32> to vector<16xf32>
        %get3A_841 = arith.index_cast %select_n3A_509 : i32 to index
        %get3A_842 = arith.index_cast %add3A_824 : i32 to index
        %get3A_843 = arith.constant 16 : index
        %get3A_844 = tpu.vector_load %arg10[%get3A_841, %get3A_842, %get3A_843] {strides = array<i32>} : memref<4x64x128xf32, #tpu.memory_space<vmem>>, vector<1x1x16xf32>,
        %get3A_845 = vector.shape_cast %get3A_844 : vector<1x1x16xf32> to vector<16xf32>
        %mul3A_846 = arith.mulf %get3A_840, %get3A_845 : vector<16xf32>
        %get3A_847 = arith.index_cast %select_n3A_509 : i32 to index
        %get3A_848 = arith.index_cast %add3A_824 : i32 to index
        %get3A_849 = arith.constant 32 : index
        %get3A_850 = tpu.vector_load %arg9[%get3A_847, %get3A_848, %get3A_849] {strides = array<i32>} : memref<4x64x128xf32, #tpu.memory_space<vmem>>, vector<1x1x16xf32>,
        %get3A_851 = vector.shape_cast %get3A_850 : vector<1x1x16xf32> to vector<16xf32>
        %get3A_852 = arith.index_cast %select_n3A_509 : i32 to index
        %get3A_853 = arith.index_cast %add3A_824 : i32 to index
        %get3A_854 = arith.constant 32 : index
        %get3A_855 = tpu.vector_load %arg10[%get3A_852, %get3A_853, %get3A_854] {strides = array<i32>} : memref<4x64x128xf32, #tpu.memory_space<vmem>>, vector<1x1x16xf32>,
        %get3A_856 = vector.shape_cast %get3A_855 : vector<1x1x16xf32> to vector<16xf32>
        %mul3A_857 = arith.mulf %get3A_851, %get3A_856 : vector<16xf32>
        %get3A_858 = arith.index_cast %select_n3A_509 : i32 to index
        %get3A_859 = arith.index_cast %add3A_824 : i32 to index
        %get3A_860 = arith.constant 48 : index
        %get3A_861 = tpu.vector_load %arg9[%get3A_858, %get3A_859, %get3A_860] {strides = array<i32>} : memref<4x64x128xf32, #tpu.memory_space<vmem>>, vector<1x1x16xf32>,
        %get3A_862 = vector.shape_cast %get3A_861 : vector<1x1x16xf32> to vector<16xf32>
        %get3A_863 = arith.index_cast %select_n3A_509 : i32 to index
        %get3A_864 = arith.index_cast %add3A_824 : i32 to index
        %get3A_865 = arith.constant 48 : index
        %get3A_866 = tpu.vector_load %arg10[%get3A_863, %get3A_864, %get3A_865] {strides = array<i32>} : memref<4x64x128xf32, #tpu.memory_space<vmem>>, vector<1x1x16xf32>,
        %get3A_867 = vector.shape_cast %get3A_866 : vector<1x1x16xf32> to vector<16xf32>
        %mul3A_868 = arith.mulf %get3A_862, %get3A_867 : vector<16xf32>
        %get3A_869 = arith.index_cast %select_n3A_509 : i32 to index
        %get3A_870 = arith.index_cast %add3A_824 : i32 to index
        %get3A_871 = arith.constant 64 : index
        %get3A_872 = tpu.vector_load %arg9[%get3A_869, %get3A_870, %get3A_871] {strides = array<i32>} : memref<4x64x128xf32, #tpu.memory_space<vmem>>, vector<1x1x16xf32>,
        %get3A_873 = vector.shape_cast %get3A_872 : vector<1x1x16xf32> to vector<16xf32>
        %get3A_874 = arith.index_cast %select_n3A_509 : i32 to index
        %get3A_875 = arith.index_cast %add3A_824 : i32 to index
        %get3A_876 = arith.constant 64 : index
        %get3A_877 = tpu.vector_load %arg10[%get3A_874, %get3A_875, %get3A_876] {strides = array<i32>} : memref<4x64x128xf32, #tpu.memory_space<vmem>>, vector<1x1x16xf32>,
        %get3A_878 = vector.shape_cast %get3A_877 : vector<1x1x16xf32> to vector<16xf32>
        %mul3A_879 = arith.mulf %get3A_873, %get3A_878 : vector<16xf32>
        %get3A_880 = arith.index_cast %select_n3A_509 : i32 to index
        %get3A_881 = arith.index_cast %add3A_824 : i32 to index
        %get3A_882 = arith.constant 80 : index
        %get3A_883 = tpu.vector_load %arg9[%get3A_880, %get3A_881, %get3A_882] {strides = array<i32>} : memref<4x64x128xf32, #tpu.memory_space<vmem>>, vector<1x1x16xf32>,
        %get3A_884 = vector.shape_cast %get3A_883 : vector<1x1x16xf32> to vector<16xf32>
        %get3A_885 = arith.index_cast %select_n3A_509 : i32 to index
        %get3A_886 = arith.index_cast %add3A_824 : i32 to index
        %get3A_887 = arith.constant 80 : index
        %get3A_888 = tpu.vector_load %arg10[%get3A_885, %get3A_886, %get3A_887] {strides = array<i32>} : memref<4x64x128xf32, #tpu.memory_space<vmem>>, vector<1x1x16xf32>,
        %get3A_889 = vector.shape_cast %get3A_888 : vector<1x1x16xf32> to vector<16xf32>
        %mul3A_890 = arith.mulf %get3A_884, %get3A_889 : vector<16xf32>
        %get3A_891 = arith.index_cast %select_n3A_509 : i32 to index
        %get3A_892 = arith.index_cast %add3A_824 : i32 to index
        %get3A_893 = arith.constant 96 : index
        %get3A_894 = tpu.vector_load %arg9[%get3A_891, %get3A_892, %get3A_893] {strides = array<i32>} : memref<4x64x128xf32, #tpu.memory_space<vmem>>, vector<1x1x16xf32>,
        %get3A_895 = vector.shape_cast %get3A_894 : vector<1x1x16xf32> to vector<16xf32>
        %get3A_896 = arith.index_cast %select_n3A_509 : i32 to index
        %get3A_897 = arith.index_cast %add3A_824 : i32 to index
        %get3A_898 = arith.constant 96 : index
        %get3A_899 = tpu.vector_load %arg10[%get3A_896, %get3A_897, %get3A_898] {strides = array<i32>} : memref<4x64x128xf32, #tpu.memory_space<vmem>>, vector<1x1x16xf32>,
        %get3A_900 = vector.shape_cast %get3A_899 : vector<1x1x16xf32> to vector<16xf32>
        %mul3A_901 = arith.mulf %get3A_895, %get3A_900 : vector<16xf32>
        %get3A_902 = arith.index_cast %select_n3A_509 : i32 to index
        %get3A_903 = arith.index_cast %add3A_824 : i32 to index
        %get3A_904 = arith.constant 112 : index
        %get3A_905 = tpu.vector_load %arg9[%get3A_902, %get3A_903, %get3A_904] {strides = array<i32>} : memref<4x64x128xf32, #tpu.memory_space<vmem>>, vector<1x1x16xf32>,
        %get3A_906 = vector.shape_cast %get3A_905 : vector<1x1x16xf32> to vector<16xf32>
        %get3A_907 = arith.index_cast %select_n3A_509 : i32 to index
        %get3A_908 = arith.index_cast %add3A_824 : i32 to index
        %get3A_909 = arith.constant 112 : index
        %get3A_910 = tpu.vector_load %arg10[%get3A_907, %get3A_908, %get3A_909] {strides = array<i32>} : memref<4x64x128xf32, #tpu.memory_space<vmem>>, vector<1x1x16xf32>,
        %get3A_911 = vector.shape_cast %get3A_910 : vector<1x1x16xf32> to vector<16xf32>
        %mul3A_912 = arith.mulf %get3A_906, %get3A_911 : vector<16xf32>
        %add3A_913 = arith.addf %mul3A_835, %mul3A_846 : vector<16xf32>
        %add3A_914 = arith.addf %mul3A_857, %mul3A_868 : vector<16xf32>
        %add3A_915 = arith.addf %mul3A_879, %mul3A_890 : vector<16xf32>
        %add3A_916 = arith.addf %mul3A_901, %mul3A_912 : vector<16xf32>
        %add3A_917 = arith.addf %add3A_913, %add3A_914 : vector<16xf32>
        %add3A_918 = arith.addf %add3A_915, %add3A_916 : vector<16xf32>
        %add3A_919 = arith.addf %add3A_917, %add3A_918 : vector<16xf32>
        %add3A_920 = arith.constant 3 : i32
        %add3A_921 = arith.addi %mul3A_629, %add3A_920 : i32
        %get3A_922 = arith.index_cast %select_n3A_509 : i32 to index
        %get3A_923 = arith.index_cast %add3A_921 : i32 to index
        %get3A_924 = arith.constant 0 : index
        %get3A_925 = tpu.vector_load %arg9[%get3A_922, %get3A_923, %get3A_924] {strides = array<i32>} : memref<4x64x128xf32, #tpu.memory_space<vmem>>, vector<1x1x16xf32>,
        %get3A_926 = vector.shape_cast %get3A_925 : vector<1x1x16xf32> to vector<16xf32>
        %get3A_927 = arith.index_cast %select_n3A_509 : i32 to index
        %get3A_928 = arith.index_cast %add3A_921 : i32 to index
        %get3A_929 = arith.constant 0 : index
        %get3A_930 = tpu.vector_load %arg10[%get3A_927, %get3A_928, %get3A_929] {strides = array<i32>} : memref<4x64x128xf32, #tpu.memory_space<vmem>>, vector<1x1x16xf32>,
        %get3A_931 = vector.shape_cast %get3A_930 : vector<1x1x16xf32> to vector<16xf32>
        %mul3A_932 = arith.mulf %get3A_926, %get3A_931 : vector<16xf32>
        %get3A_933 = arith.index_cast %select_n3A_509 : i32 to index
        %get3A_934 = arith.index_cast %add3A_921 : i32 to index
        %get3A_935 = arith.constant 16 : index
        %get3A_936 = tpu.vector_load %arg9[%get3A_933, %get3A_934, %get3A_935] {strides = array<i32>} : memref<4x64x128xf32, #tpu.memory_space<vmem>>, vector<1x1x16xf32>,
        %get3A_937 = vector.shape_cast %get3A_936 : vector<1x1x16xf32> to vector<16xf32>
        %get3A_938 = arith.index_cast %select_n3A_509 : i32 to index
        %get3A_939 = arith.index_cast %add3A_921 : i32 to index
        %get3A_940 = arith.constant 16 : index
        %get3A_941 = tpu.vector_load %arg10[%get3A_938, %get3A_939, %get3A_940] {strides = array<i32>} : memref<4x64x128xf32, #tpu.memory_space<vmem>>, vector<1x1x16xf32>,
        %get3A_942 = vector.shape_cast %get3A_941 : vector<1x1x16xf32> to vector<16xf32>
        %mul3A_943 = arith.mulf %get3A_937, %get3A_942 : vector<16xf32>
        %get3A_944 = arith.index_cast %select_n3A_509 : i32 to index
        %get3A_945 = arith.index_cast %add3A_921 : i32 to index
        %get3A_946 = arith.constant 32 : index
        %get3A_947 = tpu.vector_load %arg9[%get3A_944, %get3A_945, %get3A_946] {strides = array<i32>} : memref<4x64x128xf32, #tpu.memory_space<vmem>>, vector<1x1x16xf32>,
        %get3A_948 = vector.shape_cast %get3A_947 : vector<1x1x16xf32> to vector<16xf32>
        %get3A_949 = arith.index_cast %select_n3A_509 : i32 to index
        %get3A_950 = arith.index_cast %add3A_921 : i32 to index
        %get3A_951 = arith.constant 32 : index
        %get3A_952 = tpu.vector_load %arg10[%get3A_949, %get3A_950, %get3A_951] {strides = array<i32>} : memref<4x64x128xf32, #tpu.memory_space<vmem>>, vector<1x1x16xf32>,
        %get3A_953 = vector.shape_cast %get3A_952 : vector<1x1x16xf32> to vector<16xf32>
        %mul3A_954 = arith.mulf %get3A_948, %get3A_953 : vector<16xf32>
        %get3A_955 = arith.index_cast %select_n3A_509 : i32 to index
        %get3A_956 = arith.index_cast %add3A_921 : i32 to index
        %get3A_957 = arith.constant 48 : index
        %get3A_958 = tpu.vector_load %arg9[%get3A_955, %get3A_956, %get3A_957] {strides = array<i32>} : memref<4x64x128xf32, #tpu.memory_space<vmem>>, vector<1x1x16xf32>,
        %get3A_959 = vector.shape_cast %get3A_958 : vector<1x1x16xf32> to vector<16xf32>
        %get3A_960 = arith.index_cast %select_n3A_509 : i32 to index
        %get3A_961 = arith.index_cast %add3A_921 : i32 to index
        %get3A_962 = arith.constant 48 : index
        %get3A_963 = tpu.vector_load %arg10[%get3A_960, %get3A_961, %get3A_962] {strides = array<i32>} : memref<4x64x128xf32, #tpu.memory_space<vmem>>, vector<1x1x16xf32>,
        %get3A_964 = vector.shape_cast %get3A_963 : vector<1x1x16xf32> to vector<16xf32>
        %mul3A_965 = arith.mulf %get3A_959, %get3A_964 : vector<16xf32>
        %get3A_966 = arith.index_cast %select_n3A_509 : i32 to index
        %get3A_967 = arith.index_cast %add3A_921 : i32 to index
        %get3A_968 = arith.constant 64 : index
        %get3A_969 = tpu.vector_load %arg9[%get3A_966, %get3A_967, %get3A_968] {strides = array<i32>} : memref<4x64x128xf32, #tpu.memory_space<vmem>>, vector<1x1x16xf32>,
        %get3A_970 = vector.shape_cast %get3A_969 : vector<1x1x16xf32> to vector<16xf32>
        %get3A_971 = arith.index_cast %select_n3A_509 : i32 to index
        %get3A_972 = arith.index_cast %add3A_921 : i32 to index
        %get3A_973 = arith.constant 64 : index
        %get3A_974 = tpu.vector_load %arg10[%get3A_971, %get3A_972, %get3A_973] {strides = array<i32>} : memref<4x64x128xf32, #tpu.memory_space<vmem>>, vector<1x1x16xf32>,
        %get3A_975 = vector.shape_cast %get3A_974 : vector<1x1x16xf32> to vector<16xf32>
        %mul3A_976 = arith.mulf %get3A_970, %get3A_975 : vector<16xf32>
        %get3A_977 = arith.index_cast %select_n3A_509 : i32 to index
        %get3A_978 = arith.index_cast %add3A_921 : i32 to index
        %get3A_979 = arith.constant 80 : index
        %get3A_980 = tpu.vector_load %arg9[%get3A_977, %get3A_978, %get3A_979] {strides = array<i32>} : memref<4x64x128xf32, #tpu.memory_space<vmem>>, vector<1x1x16xf32>,
        %get3A_981 = vector.shape_cast %get3A_980 : vector<1x1x16xf32> to vector<16xf32>
        %get3A_982 = arith.index_cast %select_n3A_509 : i32 to index
        %get3A_983 = arith.index_cast %add3A_921 : i32 to index
        %get3A_984 = arith.constant 80 : index
        %get3A_985 = tpu.vector_load %arg10[%get3A_982, %get3A_983, %get3A_984] {strides = array<i32>} : memref<4x64x128xf32, #tpu.memory_space<vmem>>, vector<1x1x16xf32>,
        %get3A_986 = vector.shape_cast %get3A_985 : vector<1x1x16xf32> to vector<16xf32>
        %mul3A_987 = arith.mulf %get3A_981, %get3A_986 : vector<16xf32>
        %get3A_988 = arith.index_cast %select_n3A_509 : i32 to index
        %get3A_989 = arith.index_cast %add3A_921 : i32 to index
        %get3A_990 = arith.constant 96 : index
        %get3A_991 = tpu.vector_load %arg9[%get3A_988, %get3A_989, %get3A_990] {strides = array<i32>} : memref<4x64x128xf32, #tpu.memory_space<vmem>>, vector<1x1x16xf32>,
        %get3A_992 = vector.shape_cast %get3A_991 : vector<1x1x16xf32> to vector<16xf32>
        %get3A_993 = arith.index_cast %select_n3A_509 : i32 to index
        %get3A_994 = arith.index_cast %add3A_921 : i32 to index
        %get3A_995 = arith.constant 96 : index
        %get3A_996 = tpu.vector_load %arg10[%get3A_993, %get3A_994, %get3A_995] {strides = array<i32>} : memref<4x64x128xf32, #tpu.memory_space<vmem>>, vector<1x1x16xf32>,
        %get3A_997 = vector.shape_cast %get3A_996 : vector<1x1x16xf32> to vector<16xf32>
        %mul3A_998 = arith.mulf %get3A_992, %get3A_997 : vector<16xf32>
        %get3A_999 = arith.index_cast %select_n3A_509 : i32 to index
        %get3A_1000 = arith.index_cast %add3A_921 : i32 to index
        %get3A_1001 = arith.constant 112 : index
        %get3A_1002 = tpu.vector_load %arg9[%get3A_999, %get3A_1000, %get3A_1001] {strides = array<i32>} : memref<4x64x128xf32, #tpu.memory_space<vmem>>, vector<1x1x16xf32>,
        %get3A_1003 = vector.shape_cast %get3A_1002 : vector<1x1x16xf32> to vector<16xf32>
        %get3A_1004 = arith.index_cast %select_n3A_509 : i32 to index
        %get3A_1005 = arith.index_cast %add3A_921 : i32 to index
        %get3A_1006 = arith.constant 112 : index
        %get3A_1007 = tpu.vector_load %arg10[%get3A_1004, %get3A_1005, %get3A_1006] {strides = array<i32>} : memref<4x64x128xf32, #tpu.memory_space<vmem>>, vector<1x1x16xf32>,
        %get3A_1008 = vector.shape_cast %get3A_1007 : vector<1x1x16xf32> to vector<16xf32>
        %mul3A_1009 = arith.mulf %get3A_1003, %get3A_1008 : vector<16xf32>
        %add3A_1010 = arith.addf %mul3A_932, %mul3A_943 : vector<16xf32>
        %add3A_1011 = arith.addf %mul3A_954, %mul3A_965 : vector<16xf32>
        %add3A_1012 = arith.addf %mul3A_976, %mul3A_987 : vector<16xf32>
        %add3A_1013 = arith.addf %mul3A_998, %mul3A_1009 : vector<16xf32>
        %add3A_1014 = arith.addf %add3A_1010, %add3A_1011 : vector<16xf32>
        %add3A_1015 = arith.addf %add3A_1012, %add3A_1013 : vector<16xf32>
        %add3A_1016 = arith.addf %add3A_1014, %add3A_1015 : vector<16xf32>
        %max3A = arith.constant 1 : i32
        %max3A_1017 = arith.maxsi %scan3A_519, %max3A : i32
        %sub3A_1018 = arith.constant 1 : i32
        %sub3A_1019 = arith.subi %max3A_1017, %sub3A_1018 : i32
        %jit3A_1020 = arith.constant 4 : i32
        %div3A = arith.divsi %sub3A_1019, %jit3A_1020 : i32
        %sign3A = arith.constant 0 : i32
        %sign3A_1021 = arith.cmpi sgt, %sub3A_1019, %sign3A : i32
        %sign3A_1022 = arith.extui %sign3A_1021 : i1 to i32
        %sign3A_1023 = arith.constant 0 : i32
        %sign3A_1024 = arith.cmpi slt, %sub3A_1019, %sign3A_1023 : i32
        %sign3A_1025 = arith.extui %sign3A_1024 : i1 to i32
        %sign3A_1026 = arith.subi %sign3A_1022, %sign3A_1025 : i32
        %sign3A_1027 = arith.constant 0 : i32
        %sign3A_1028 = arith.cmpi sgt, %jit3A_1020, %sign3A_1027 : i32
        %sign3A_1029 = arith.extui %sign3A_1028 : i1 to i32
        %sign3A_1030 = arith.constant 0 : i32
        %sign3A_1031 = arith.cmpi slt, %jit3A_1020, %sign3A_1030 : i32
        %sign3A_1032 = arith.extui %sign3A_1031 : i1 to i32
        %sign3A_1033 = arith.subi %sign3A_1029, %sign3A_1032 : i32
        %ne3A_1034 = arith.cmpi ne, %sign3A_1026, %sign3A_1033 : i32
        %rem3A_1035 = arith.remsi %sub3A_1019, %jit3A_1020 : i32
        %ne3A_1036 = arith.constant 0 : i32
        %ne3A_1037 = arith.cmpi ne, %rem3A_1035, %ne3A_1036 : i32
        %and3A_1038 = arith.andi %ne3A_1034, %ne3A_1037 : i1
        %sub3A_1039 = arith.constant 1 : i32
        %sub3A_1040 = arith.subi %div3A, %sub3A_1039 : i32
        %select_n3A_1041 = arith.select %and3A_1038, %sub3A_1040, %div3A : i32
        %mul3A_1042 = arith.constant 16 : i32
        %mul3A_1043 = arith.muli %select_n3A_1041, %mul3A_1042 : i32
        %mul3A_1044 = arith.constant 64 : i32
        %mul3A_1045 = arith.muli %add3A_493, %mul3A_1044 : i32
        %add3A_1046 = arith.addi %mul3A_1045, %mul3A_1043 : i32
        %swap3A = arith.index_cast %add3A_1046 : i32 to index
        %swap3A_1047 = tpu.vector_load %arg11[%swap3A] {strides = array<i32>} : memref<512xf32, #tpu.memory_space<vmem>>, vector<16xf32>,
        %swap3A_1048 = vector.shape_cast %swap3A_1047 : vector<16xf32> to vector<16xf32>
        %swap3A_1049 = vector.shape_cast %select_n3A_626 : vector<16xf32> to vector<16xf32>
        tpu.vector_store %arg11[%swap3A], %swap3A_1049 {strides = array<i32>} : memref<512xf32, #tpu.memory_space<vmem>>, vector<16xf32>,
        scf.yield %add3A_725, %add3A_822, %add3A_919, %add3A_1016, %select_n3A_626 : vector<16xf32>, vector<16xf32>, vector<16xf32>, vector<16xf32>, vector<16xf32>
      }
      %scan3A_517 = arith.constant 17 : i32
      %scan3A_518 = arith.constant 0 : i32
      scf.yield %scan3A_518 : i32
    }
    %scan3A_385 = arith.constant 4 : i32
    "tpu.region"() ({
      %run_scoped3A = tpu.sem_alloc : memref<!tpu.dma_semaphore, #tpu.memory_space<semaphore_mem>>
      %dma_start3A_386 = tpu.memref_slice %arg6[%mul3A_2] : memref<16384xf32, #tpu.memory_space<hbm>> -> memref<512xf32, #tpu.memory_space<hbm>>
      %dma_start3A_387 = tpu.memref_slice %arg6[%mul3A_2] : memref<16384xf32, #tpu.memory_space<hbm>> -> memref<512xf32, #tpu.memory_space<hbm>>
      tpu.enqueue_dma source(%arg11 : memref<512xf32, #tpu.memory_space<vmem>>) target(%dma_start3A_387 : memref<512xf32, #tpu.memory_space<hbm>>) target_semaphore(%run_scoped3A : memref<!tpu.dma_semaphore, #tpu.memory_space<semaphore_mem>>)
      %dma_wait3A_388 = tpu.memref_slice %arg6[%mul3A_2] : memref<16384xf32, #tpu.memory_space<hbm>> -> memref<512xf32, #tpu.memory_space<hbm>>
      %dma_wait3A_389 = tpu.memref_slice %arg6[%mul3A_2] : memref<16384xf32, #tpu.memory_space<hbm>> -> memref<512xf32, #tpu.memory_space<hbm>>
      tpu.wait_dma2 semaphore(%run_scoped3A : memref<!tpu.dma_semaphore, #tpu.memory_space<semaphore_mem>>) src(%arg11 : memref<512xf32, #tpu.memory_space<vmem>>) dst(%dma_wait3A_389 : memref<512xf32, #tpu.memory_space<hbm>>)
      tpu.yield
    }) : () -> ()
    return
  }
}

</mosaic_0001>

<sc_bundles>
// kernel: _run.3.cloned.1.call-start
scs
__scs_entry_jumppad:
0x0: {  	(pc) =	sbr.rel $0x88, $3  }
0x1: {  	(tag) =	ssettag $0x0;
	lr =	simm.s32 $0x1  }
0x2: {  	[smem:$0x3F9D] =	sst lr;
	_ =	strace $0xD0000000  }
0x3: {  	_ = 	snop  }
0x4: {  	_ = 	snop  }
0x5: {  	_ = 	snop  }
0x6: {  	_ = 	snop  }
0x7: {  	_ = 	snop  }
__scs_overlays_trampoline_lowered:
0x8: {  	[smem:$0x3FAC] =	sst s0  }
0x9: {  	[smem:$0x3FAD] =	sst s1  }
0xa: {  	[smem:$0x3FAE] =	sst s2  }
0xb: {  	[smem:$0x3FAF] =	sst s3  }
0xc: {  	[smem:$0x3FB0] =	sst s4  }
0xd: {  	[smem:$0x3FB1] =	sst s5  }
0xe: {  	[smem:$0x3FB2] =	sst s6  }
0xf: {  	[smem:$0x3FB3] =	sst s7  }
0x10: {  	[smem:$0x3FB4] =	sst s8  }
0x11: {  	[smem:$0x3FB5] =	sst s9;
	s0 =	simm.s32 @!p0 $0x0  }
0x12: {  	s1 =	sld [smem:$0x3F9B];
	s0 =	simm.s32 @p0 $0x1  }
0x13: {  	[smem:$0x3FB6] =	sst s0;
	s0 =	simm.s32 @!p1 $0x0  }
0x14: {  	s2 =	sld [smem:$0x3F9A];
	s0 =	simm.s32 @p1 $0x1  }
0x15: {  	[smem:$0x3FB7] =	sst s0;
	s0 =	simm.s32 @!p2 $0x0  }
0x16: {  	s3 =	sld [smem:$0x3FDB];
	s0 =	simm.s32 @p2 $0x1  }
0x17: {  	s4 =	simm.s32 $0x1BF5;
	[smem:$0x3FB9] =	sst s0  }
0x18: {  	s0 =	sld [smem:$0x3F9C];
	_ =	swait.ge [sflag:s4], $0x0  }
0x19: {  	s7 =	sld [smem:$0x3F9D]  }
0x1a: {  	s8 =	sadd.s32 $0xFFFFE003, lr  }
0x1b: {  	s9 =	sadd.s32 $0xFFFFFEF7, lr;
	s5 =	simm.s32 $0xFFFFFFFF;
	p2 =	slt.u32 s8, $0xFFFFF086  }
0x1c: {  	p1 =	slt.u32 s9, $0xF7A;
	s5 =	simm.s32 @!p2 $0x0  }
0x1d: {  	s5 =	simm.s32 @p1 $0x1;
	p0 =	seq.s32 s7, s2  }
0x1e: {  	s7 =	smul.u32 @!p0 $0xF7A, s2;
	p2 =	seq.s32 @!p0 s5, $0x0  }
0x1f: {  	s9 =	smul.u32 $0xF7A, s1;
	s8 =	simm.s32 @!p0 $0x1BF5;
	p2 =	por !p2, p0  }
0x20: {  	[sflag:s8] =	ssyncset.s32 @!p0 $0xFFFFF086;
	s6 =	sadd.s32 @!p0 s3, s7;
	s7 =	simm.s32 @!p0 $0x108  }
0x21: {  	s3 =	sadd.s32 s3, s9;
	s6 =	sadd.s32 @!p0 $0x88, s6;
	s7 =	simm.s32 @p2 $0x1082  }
0x22: {  	[simem:s7], [sflag:s8] =	dma.local @!p0 [hbm:s6], $0xF7A  }
0x23: {  	s9 =	sor.u32 $0xD0000000, s2;
	s6 =	simm.s32 $0x108;
	_ =	swait.ge @!p0 [sflag:s8], $0x0  }
0x24: {  	s3 =	sadd.s32 $0x88, s3;
	s6 =	simm.s32 @!p1 $0x1082;
	[sflag:s4] =	ssyncset.s32 $0xFFFFF086  }
0x25: {  	[simem:s6], [sflag:s4] =	dma.local [hbm:s3], $0xF7A  }
0x26: {  	[smem:$0x3F9D] =	sst s1;
	(tag) =	ssettag s2;
	_ =	strace s9  }
0x27: {  	s1 =	sld [smem:$0x3FAD]  }
0x28: {  	s2 =	sld [smem:$0x3FAE]  }
0x29: {  	s4 =	sld [smem:$0x3FB0]  }
0x2a: {  	p0 =	seq.s32 s5, $0x0;
	s5 =	sld [smem:$0x3FB1]  }
0x2b: {  	s6 =	sld [smem:$0x3FB2]  }
0x2c: {  	s7 =	sld [smem:$0x3FB3]  }
0x2d: {  	s3 =	simm.s32 $0x108;
	s8 =	sld [smem:$0x3FB4]  }
0x2e: {  	s3 =	simm.s32 @!p0 $0x1082;
	s9 =	sld [smem:$0x3FB5]  }
0x2f: {  	lr =	sadd.s32 s0, s3;
	s0 =	sld [smem:$0x3FAC]  }
0x30: {  	s3 =	sld [smem:$0x3FAF]  }
0x31: {  	[smem:$0x3FB8] =	sst s10  }
0x32: {  	s10 =	sld [smem:$0x3FB6];
	_ =	sdelay $0x3  }
0x33: {  	p0 =	seq.s32 s10, $0x1;
	s10 =	sld [smem:$0x3FB8];
	_ =	sdelay $0x3  }
0x34: {  	[smem:$0x3FB8] =	sst s10  }
0x35: {  	s10 =	sld [smem:$0x3FB7];
	_ =	sdelay $0x3  }
0x36: {  	p1 =	seq.s32 s10, $0x1;
	s10 =	sld [smem:$0x3FB8];
	_ =	sdelay $0x3  }
0x37: {  	[smem:$0x3FB8] =	sst s10  }
0x38: {  	s10 =	sld [smem:$0x3FB9]  }
0x39: {  	_ = 	snop;
	(pc) =	sbr.ind lr, $3  }
0x3a: {  	_ = 	snop  }
0x3b: {  	_ = 	snop  }
0x3c: {  	p2 =	seq.s32 s10, $0x1;
	s10 =	sld [smem:$0x3FB8]  }
0x3d: {  	_ =	shalt  }
0x3e: {  	_ =	shalt  }
0x3f: {  	_ =	shalt  }
0x40: {  	_ =	shalt  }
0x41: {  	_ =	shalt  }
0x42: {  	_ =	shalt  }
0x43: {  	_ =	shalt  }
0x44: {  	_ =	shalt  }
0x45: {  	_ =	shalt  }
0x46: {  	_ =	shalt  }
0x47: {  	_ =	shalt  }
0x48: {  	_ =	shalt  }
0x49: {  	_ =	shalt  }
0x4a: {  	_ =	shalt  }
0x4b: {  	_ =	shalt  }
0x4c: {  	_ =	shalt  }
0x4d: {  	_ =	shalt  }
0x4e: {  	_ =	shalt  }
0x4f: {  	_ =	shalt  }
0x50: {  	_ =	shalt  }
0x51: {  	_ =	shalt  }
0x52: {  	_ =	shalt  }
0x53: {  	_ =	shalt  }
0x54: {  	_ =	shalt  }
0x55: {  	_ =	shalt  }
0x56: {  	_ =	shalt  }
0x57: {  	_ =	shalt  }
0x58: {  	_ =	shalt  }
0x59: {  	_ =	shalt  }
0x5a: {  	_ =	shalt  }
0x5b: {  	_ =	shalt  }
0x5c: {  	_ =	shalt  }
0x5d: {  	_ =	shalt  }
0x5e: {  	_ =	shalt  }
0x5f: {  	_ =	shalt  }
0x60: {  	_ =	shalt  }
0x61: {  	_ =	shalt  }
0x62: {  	_ =	shalt  }
0x63: {  	_ =	shalt  }
0x64: {  	_ =	shalt  }
0x65: {  	_ =	shalt  }
0x66: {  	_ =	shalt  }
0x67: {  	_ =	shalt  }
0x68: {  	_ =	shalt  }
0x69: {  	_ =	shalt  }
0x6a: {  	_ =	shalt  }
0x6b: {  	_ =	shalt  }
0x6c: {  	_ =	shalt  }
0x6d: {  	_ =	shalt  }
0x6e: {  	_ =	shalt  }
0x6f: {  	_ =	shalt  }
0x70: {  	_ =	shalt  }
0x71: {  	_ =	shalt  }
0x72: {  	_ =	shalt  }
0x73: {  	_ =	shalt  }
0x74: {  	_ =	shalt  }
0x75: {  	_ =	shalt  }
0x76: {  	_ =	shalt  }
0x77: {  	_ =	shalt  }
0x78: {  	_ =	shalt  }
0x79: {  	_ =	shalt  }
0x7a: {  	_ =	shalt  }
0x7b: {  	_ =	shalt  }
0x7c: {  	_ =	shalt  }
0x7d: {  	_ =	shalt  }
0x7e: {  	_ =	shalt  }
0x7f: {  	_ =	shalt  }
0x80: {  	_ =	shalt  }
0x81: {  	_ =	shalt  }
0x82: {  	_ =	shalt  }
0x83: {  	_ =	shalt  }
0x84: {  	_ =	shalt  }
0x85: {  	_ =	shalt  }
0x86: {  	_ =	shalt  }
0x87: {  	_ =	shalt  }
.Lfunc_end0:
.L_simem_size_0:
called_computation_lowered:
.L_overlay_start_0:
0x88: {  	s2 =	sld [smem:$0x3FD9]  }
0x89: {  	s3 =	sld [smem:$0x3FFE];
	_ =	sdelay $0x1  }
0x8a: {  	s1 =	srdreg.scid  }
0x8b: {  	s0 =	sand.u32 $0x1, s1  }
0x8c: {  	s18 =	sshll.u32 s0, $0xA;
	s2 =	sadd.s32 s3, s2  }
0x8d: {  	s2 =	sadd.s32 s2, s18  }
0x8e: {  	[smem:$0x3FC4] =	sst s2  }
0x8f: {  	_ = 	snop  }
0x90: {  	s2 =	sld [smem:$0x3FC9]  }
0x91: {  	s19 =	sld [smem:$0x3FC8]  }
0x92: {  	s4 =	sld [smem:$0x3FC7]  }
0x93: {  	s5 =	sld [smem:$0x3FC6]  }
0x94: {  	s6 =	sld [smem:$0x3FD0];
	(tm) =	ssettm $0x1  }
0x95: {  	s7 =	sld [smem:$0x3FFB];
	_ =	sdelay $0x3  }
0x96: {  	_ =	strace s7  }
0x97: {  	s7 =	sld [smem:$0x3FFC];
	_ =	sdelay $0x3  }
0x98: {  	_ =	strace s7  }
0x99: {  	s7 =	sld [smem:$0x3FFD];
	_ =	sdelay $0x3  }
0x9a: {  	_ =	strace s7  }
0x9b: {  	_ =	strace $0x8FFFFFFF  }
0x9c: {  	s20 =	sld [smem:$0x3FDB];
	_ =	sdelay $0x1  }
0x9d: {  	s8 =	simm.s32 $_scs_section_size  }
0x9e: {  	s9 =	simm.s32 $_size__tile_overlayer_lowered;
	s10 =	simm.s32 $_tile_overlayer_lowered  }
0x9f: {  	s23 =	simm.s32 $0x1BFF;
	s22 =	sshll.u32 s10, $0x1;
	s7 =	sadd.s32 s8, s20  }
0xa0: {  	s11 =	simm.s32 $0x0;
	s21 =	sshll.u32 s9, $0x1;
	s9 =	sadd.s32 s22, s7  }
0xa1: {  	[timem:s11], [sflag:s23] =	dma.local [hbm:s9], s21  }
0xa2: {  	_ =	swait.ge [sflag:s23], s21  }
0xa3: {  	s8 =	ssub.s32 $0x0, s21;
	[sflag:s23] =	ssyncset.done $0x0  }
0xa4: {  	[sflag:s23] =	ssyncadd.s32 s8;
	_ =	sdelay $0x1  }
0xa5: {  	s24 =	simm.s32 $0x1B8B  }
0xa6: {  	_ =	swait.ge [sflag:s24], $0x1  }
0xa7: {  	[sflag:s24] =	ssyncset.done $0x0  }
0xa8: {  	s25 =	simm.s32 $0x1B8E;
	[sflag:s24] =	ssyncadd.s32 $0xFFFFFFFF  }
0xa9: {  	s26 =	simm.s32 $execute0_lowered;
	[smem:$0x3FD2] =	sst s25  }
0xaa: {  	s8 =	sshll.u32 s26, $0x1;
	_ =	strace $0x80000046;
	[dreg:$0x1] =	wrdreg $0xFFFFFFFF  }
0xab: {  	s28 =	simm.s32 $_size_execute0_lowered;
	s7 =	sadd.s32 s7, s8;
	[dreg:$0x0] =	wrdreg $0x0  }
0xac: {  	s8 =	sshll.u32 s28, $0x1;
	[dreg:$0x2] =	wrdreg s7  }
0xad: {  	[dreg:$0x3] =	wrdreg s8  }
0xae: {  	[dreg:$0x4] =	wrdreg $0xC0  }
0xaf: {  	_ =	task [dreg:s11], $0x5FFFF  }
0xb0: {  	[dreg:$0x1] =	wrdreg $0xFFFFFFFF  }
0xb1: {  	[dreg:$0x0] =	wrdreg $0x60  }
0xb2: {  	[dreg:$0x2] =	wrdreg s2  }
0xb3: {  	[dreg:$0x3] =	wrdreg s19  }
0xb4: {  	[dreg:$0x4] =	wrdreg s4  }
0xb5: {  	[dreg:$0x5] =	wrdreg s5  }
0xb6: {  	[dreg:$0x6] =	wrdreg s6  }
0xb7: {  	[dreg:$0x7] =	wrdreg $0x9  }
0xb8: {  	_ =	task.clear_ibuf [dreg:s11], $0x8FFFF;
	_ =	strace $0x90000046  }
0xb9: {  	s29 =	simm.s32 $0x9;
	_ =	strace $0x80000048  }
0xba: {  	_ =	swait.ge [sflag:s29], $0x1  }
0xbb: {  	[sflag:s29] =	ssyncadd.s32 $0xFFFFFFFF  }
0xbc: {  	_ =	strace $0x90000048  }
0xbd: {  	_ =	sfence  }
0xbe: {  	s30 =	sld [smem:$0x0];
	_ =	sdelay $0x2  }
0xbf: {  	s31 =	sshll.u32 s1, $0xD;
	s1 =	sshrl.u32 s1, $0x2  }
0xc0: {  	s3 =	sand.u32 $0x4000, s31;
	s1 =	sadd.s32 s1, s30  }
0xc1: {  	s0 =	sor.u32 s3, s0;
	s1 =	sshll.u32 s1, $0x11  }
0xc2: {  	s0 =	sor.u32 s1, s0  }
0xc3: {  	s0 =	sadd.s32 $0x8F2B, s0  }
0xc4: {  	[sflag:s0] =	ssyncadd.remote.s32 $0x1  }
0xc5: {  	_ =	sfence.sel $0xFFFF  }
0xc6: {  	[dreg:$0x0] =	wrdreg $0xFFFFFFFF;
	(pc) =	sbr.abs _section_cstart, $3  }
0xc7: {  	[dreg:$0x1] =	wrdreg $0xFFFFFFFF  }
0xc8: {  	_ =	task.clear_ibuf [dreg:s11], $0x2FFFF;
	_ =	strace $0x9FFFFFFF  }
0xc9: {  	(tm) =	ssettm $0x7FFFFFFF  }
tec
execute0_lowered:
.L_overlay_start_1:
0x0: {  	(tag) =	ssettag $0x1  }
0x1: {  	s0 =	rddreg [dreg:$0x0]  }
0x2: {  	s3 =	rddreg [dreg:$0x1]  }
0x3: {  	s1 =	rddreg [dreg:$0x2]  }
0x4: {  	s2 =	rddreg [dreg:$0x3]  }
0x5: {  	s5 =	rddreg [dreg:$0x4];
	s4 =	simm.s32 $0x0  }
0x6: {  	s6 =	srdreg.scid;
	s8 =	stileid.u32;
	s30 =	simm.s32 $0x3  }
0x7: {  	s31 =	simm.s32 $0x5;
	s28 =	simm.s32 $0x1;
	s6 =	sand.u32 $0x1, s6  }
0x8: {  	s29 =	simm.s32 $0x6;
	[smem:$0x7FF] =	sst s4;
	s7 =	ssub.s32 $0x2, s6  }
0x9: {  	s8 =	sshll.u32 s8, $0x7;
	s6 =	sshll.u32 s6, $0x6;
	s9 =	sshrl.u32 s7, $0x1  }
0xa: {  	_ =	strace $0x80000047;
	s6 =	sor.u32 s6, s8;
	s7 =	ssub.s32 s7, s9  }
0xb: {  	s8 =	sadd.s32 s0, s6;
	s14 =	sor.u32 $0x8, s6;
	s15 =	sadd.s32 s3, s6  }
0xc: {  	s17 =	sor.u32 $0x10, s6;
	s19 =	sor.u32 $0x18, s6;
	[dreg:$0x7] =	wrdreg s8  }
0xd: {  	v0 =	vimm.s32 $0xFEDCBA98;
	v1 =	vimm.s32 $0x76543210;
	v2 =	vimm.s32 $0xBA98FEDC;
	s21 =	sor.u32 $0x20, s6;
	[dreg:$0x8] =	wrdreg s15;
	s16 =	sadd.s32 s0, s14  }
0xe: {  	v3 =	vimm.s32 $0x32107654;
	v4 =	vimm.s32 $0xDCFE98BA;
	s23 =	sor.u32 $0x28, s6;
	s8 =	sadd.s32 s3, s14;
	[dreg:$0x9] =	wrdreg s16  }
0xf: {  	v5 =	vimm.s32 $0x54761032;
	v6 =	vimm.s32 $0xEFCDAB89;
	v7 =	vimm.s32 $0x67452301;
	s25 =	sor.u32 $0x30, s6;
	s18 =	sadd.s32 s0, s17;
	[dreg:$0xa] =	wrdreg s8  }
0x10: {  	v0 =	vunpack.c.l.s4.s8 v0;
	v1 =	vunpack.c.l.s4.s8 v1;
	v2 =	vunpack.c.l.s4.s8 v2;
	s26 =	sor.u32 $0x38, s6;
	s9 =	sadd.s32 s3, s17;
	[dreg:$0xb] =	wrdreg s18  }
0x11: {  	v3 =	vunpack.c.l.s4.s8 v3;
	v4 =	vunpack.c.l.s4.s8 v4;
	v5 =	vunpack.c.l.s4.s8 v5;
	s20 =	sadd.s32 s0, s19;
	s22 =	sadd.s32 s0, s21;
	[dreg:$0xc] =	wrdreg s9  }
0x12: {  	v6 =	vunpack.c.l.s4.s8 v6;
	v7 =	vunpack.c.l.s4.s8 v7;
	v0 =	vunpack.c.0.s8.s32 v0;
	s24 =	sadd.s32 s0, s23;
	s17 =	sadd.s32 s0, s25;
	[dreg:$0xd] =	wrdreg s20  }
0x13: {  	v2 =	vunpack.c.0.s8.s32 v2;
	v3 =	vunpack.c.0.s8.s32 v3;
	v4 =	vunpack.c.0.s8.s32 v4;
	s8 =	sadd.s32 s3, s19;
	[dreg:$0xf] =	wrdreg s22;
	s9 =	sadd.s32 s3, s21  }
0x14: {  	v5 =	vunpack.c.0.s8.s32 v5;
	v6 =	vunpack.c.0.s8.s32 v6;
	v7 =	vunpack.c.0.s8.s32 v7;
	[dreg:$0x11] =	wrdreg s24;
	s18 =	sadd.s32 s3, s25;
	s19 =	sadd.s32 s0, s26  }
0x15: {  	v1 =	vunpack.c.0.s8.s32 v1;
	v2 =	vcombine.low v3, v2;
	s20 =	sadd.s32 s3, s26;
	s21 =	sadd.s32 s5, s6;
	s24 =	smax.u32 s7, $0x1  }
0x16: {  	v3 =	vcombine.low v5, v4;
	v4 =	vcombine.low v7, v6;
	v0 =	vand.u32 $0xF, v0;
	s25 =	simm.s32 $0x80;
	s0 =	simm.s32 $0x2;
	[dreg:$0xe] =	wrdreg s8  }
0x17: {  	s26 =	simm.s32 $0x40;
	v0 =	vcombine.low v0, v1;
	[dreg:$0x10] =	wrdreg s9;
	s8 =	sadd.s32 s3, s23;
	v1 =	vand.u32 $0xF, v2  }
0x18: {  	s5 =	simm.s32 $0x0;
	s3 =	simm.s32 $0x4;
	v2 =	vand.u32 $0xF, v3;
	v3 =	vand.u32 $0xF, v4;
	v4 =	vlaneseq.u32;
	[dreg:$0x12] =	wrdreg s8  }
.LBB2_1:
0x19: {  	s6 =	rddreg [dreg:$0x7]  }
0x1a: {  	[tilespmem:s4], [sflag:$0x2] =	stream.linear.gather [hbm4b:s6+s4], $0x40, $0x38;
	[tilespmem:$0x10A00] =	vst v63  }
0x1b: {  	s13 =	rddreg [dreg:$0x8];
	s7 =	simm.s32 $0x400  }
0x1c: {  	[tilespmem:s7], [sflag:$0x4] =	stream.linear.gather [hbm4b:s13+s4], $0x40, $0x38;
	[tilespmem:$0x10A00] =	vst v63  }
0x1d: {  	s14 =	rddreg [dreg:$0x9]  }
0x1e: {  	[tilespmem:s25], [sflag:$0x3] =	stream.linear.gather [hbm4b:s14+s4], $0x40, $0x38;
	[tilespmem:$0x10A00] =	vst v63  }
0x1f: {  	s15 =	rddreg [dreg:$0xa];
	s8 =	simm.s32 $0x480  }
0x20: {  	[tilespmem:s8], [sflag:$0x5] =	stream.linear.gather [hbm4b:s15+s4], $0x40, $0x38;
	[tilespmem:$0x10A00] =	vst v63  }
0x21: {  	s16 =	rddreg [dreg:$0xb];
	s9 =	simm.s32 $0x100  }
0x22: {  	[tilespmem:s9], [sflag:$0x1] =	stream.linear.gather [hbm4b:s16+s4], $0x40, $0x38;
	[tilespmem:$0x10A00] =	vst v63  }
0x23: {  	s22 =	rddreg [dreg:$0xc];
	s23 =	simm.s32 $0x500  }
0x24: {  	[tilespmem:s23], [sflag:$0x1] =	stream.linear.gather [hbm4b:s22+s4], $0x40, $0x38;
	[tilespmem:$0x10A00] =	vst v63  }
0x25: {  	s10 =	simm.s32 $0x180;
	s9 =	rddreg [dreg:$0xd]  }
0x26: {  	[tilespmem:s10], [sflag:$0x1] =	stream.linear.gather [hbm4b:s9+s4], $0x40, $0x38;
	[tilespmem:$0x10A00] =	vst v63  }
0x27: {  	s11 =	rddreg [dreg:$0xe];
	s12 =	simm.s32 $0x580  }
0x28: {  	[tilespmem:s12], [sflag:$0x1] =	stream.linear.gather [hbm4b:s11+s4], $0x40, $0x38;
	[tilespmem:$0x10A00] =	vst v63  }
0x29: {  	s13 =	rddreg [dreg:$0xf];
	s14 =	simm.s32 $0x200  }
0x2a: {  	[tilespmem:s14], [sflag:$0x1] =	stream.linear.gather [hbm4b:s13+s4], $0x40, $0x38;
	[tilespmem:$0x10A00] =	vst v63  }
0x2b: {  	s15 =	rddreg [dreg:$0x10];
	s16 =	simm.s32 $0x600  }
0x2c: {  	[tilespmem:s16], [sflag:$0x1] =	stream.linear.gather [hbm4b:s15+s4], $0x40, $0x38;
	[tilespmem:$0x10A00] =	vst v63  }
0x2d: {  	s22 =	rddreg [dreg:$0x11];
	s23 =	simm.s32 $0x280  }
0x2e: {  	[tilespmem:s23], [sflag:$0x1] =	stream.linear.gather [hbm4b:s22+s4], $0x40, $0x38;
	[tilespmem:$0x10A00] =	vst v63  }
0x2f: {  	s9 =	rddreg [dreg:$0x12];
	s10 =	simm.s32 $0x680  }
0x30: {  	[tilespmem:s10], [sflag:$0x1] =	stream.linear.gather [hbm4b:s9+s4], $0x40, $0x38;
	[tilespmem:$0x10A00] =	vst v63  }
0x31: {  	s11 =	simm.s32 $0x300  }
0x32: {  	[tilespmem:s11], [sflag:$0x1] =	stream.linear.gather [hbm4b:s17+s4], $0x40, $0x38;
	[tilespmem:$0x10A00] =	vst v63  }
0x33: {  	s12 =	simm.s32 $0x700  }
0x34: {  	[tilespmem:s12], [sflag:$0x1] =	stream.linear.gather [hbm4b:s18+s4], $0x40, $0x38;
	[tilespmem:$0x10A00] =	vst v63  }
0x35: {  	s13 =	simm.s32 $0x380  }
0x36: {  	[tilespmem:s13], [sflag:$0x1] =	stream.linear.gather [hbm4b:s19+s4], $0x40, $0x38;
	[tilespmem:$0x10A00] =	vst v63  }
0x37: {  	s14 =	simm.s32 $0x780  }
0x38: {  	[tilespmem:s14], [sflag:$0x1] =	stream.linear.gather [hbm4b:s20+s4], $0x40, $0x38;
	[tilespmem:$0x10A00] =	vst v63  }
0x39: {  	_ =	swait.ge [sflag:s0], $0x40  }
0x3a: {  	[sflag:s0] =	ssyncset.done $0x0  }
0x3b: {  	[sflag:s0] =	ssyncadd.s32 $0xFFFFFFC0  }
0x3c: {  	_ =	swait.ge [sflag:s3], $0x40  }
0x3d: {  	[sflag:s3] =	ssyncset.done $0x0  }
0x3e: {  	s15 =	simm.s32 $0x800;
	[sflag:s3] =	ssyncadd.s32 $0xFFFFFFC0  }
0x3f: {  	[tilespmem:s15], [sflag:$0x2] =	stream.indirect.gather [hbm4b:s1+s26], $0x80, s4, s26, $0xb8;
	[tilespmem:$0x10A00] =	vst v63  }
0x40: {  	s16 =	simm.s32 $0x8800  }
0x41: {  	[tilespmem:s16], [sflag:$0x4] =	stream.indirect.gather [hbm4b:s2+s26], $0x80, s7, s26, $0xb8;
	[tilespmem:$0x10A00] =	vst v63  }
0x42: {  	_ =	swait.ge [sflag:s30], $0x40  }
0x43: {  	[sflag:s30] =	ssyncset.done $0x0  }
0x44: {  	[sflag:s30] =	ssyncadd.s32 $0xFFFFFFC0  }
0x45: {  	_ =	swait.ge [sflag:s31], $0x40  }
0x46: {  	[sflag:s31] =	ssyncset.done $0x0  }
0x47: {  	s22 =	simm.s32 $0x2800;
	[sflag:s31] =	ssyncadd.s32 $0xFFFFFFC0  }
0x48: {  	[tilespmem:s22], [sflag:$0x3] =	stream.indirect.gather [hbm4b:s1+s26], $0x80, s25, s26, $0xb8;
	[tilespmem:$0x10A00] =	vst v63  }
0x49: {  	s23 =	simm.s32 $0xA800  }
0x4a: {  	[tilespmem:s23], [sflag:$0x5] =	stream.indirect.gather [hbm4b:s2+s26], $0x80, s8, s26, $0xb8;
	[tilespmem:$0x10A00] =	vst v63  }
0x4b: {  	_ =	swait.ge [sflag:s28], $0x40  }
0x4c: {  	[sflag:s28] =	ssyncset.done $0x0  }
0x4d: {  	[sflag:s28] =	ssyncadd.s32 $0xFFFFFFC0  }
0x4e: {  	_ =	swait.ge [sflag:s28], $0x40  }
0x4f: {  	[sflag:s28] =	ssyncset.done $0x0  }
0x50: {  	[sflag:s28] =	ssyncadd.s32 $0xFFFFFFC0  }
0x51: {  	_ =	swait.ge [sflag:s28], $0x40  }
0x52: {  	[sflag:s28] =	ssyncset.done $0x0  }
0x53: {  	[sflag:s28] =	ssyncadd.s32 $0xFFFFFFC0  }
0x54: {  	_ =	swait.ge [sflag:s28], $0x40  }
0x55: {  	[sflag:s28] =	ssyncset.done $0x0  }
0x56: {  	[sflag:s28] =	ssyncadd.s32 $0xFFFFFFC0  }
0x57: {  	_ =	swait.ge [sflag:s28], $0x40  }
0x58: {  	[sflag:s28] =	ssyncset.done $0x0  }
0x59: {  	[sflag:s28] =	ssyncadd.s32 $0xFFFFFFC0  }
0x5a: {  	_ =	swait.ge [sflag:s28], $0x40  }
0x5b: {  	[sflag:s28] =	ssyncset.done $0x0  }
0x5c: {  	[sflag:s28] =	ssyncadd.s32 $0xFFFFFFC0  }
0x5d: {  	_ =	swait.ge [sflag:s28], $0x40  }
0x5e: {  	[sflag:s28] =	ssyncset.done $0x0  }
0x5f: {  	[sflag:s28] =	ssyncadd.s32 $0xFFFFFFC0  }
0x60: {  	_ =	swait.ge [sflag:s28], $0x40  }
0x61: {  	[sflag:s28] =	ssyncset.done $0x0  }
0x62: {  	[sflag:s28] =	ssyncadd.s32 $0xFFFFFFC0  }
0x63: {  	_ =	swait.ge [sflag:s28], $0x40  }
0x64: {  	[sflag:s28] =	ssyncset.done $0x0  }
0x65: {  	[sflag:s28] =	ssyncadd.s32 $0xFFFFFFC0  }
0x66: {  	_ =	swait.ge [sflag:s28], $0x40  }
0x67: {  	[sflag:s28] =	ssyncset.done $0x0  }
0x68: {  	[sflag:s28] =	ssyncadd.s32 $0xFFFFFFC0  }
0x69: {  	_ =	swait.ge [sflag:s28], $0x40  }
0x6a: {  	[sflag:s28] =	ssyncset.done $0x0  }
0x6b: {  	[sflag:s28] =	ssyncadd.s32 $0xFFFFFFC0  }
0x6c: {  	_ =	swait.ge [sflag:s28], $0x40  }
0x6d: {  	[sflag:s28] =	ssyncset.done $0x0  }
0x6e: {  	s6 =	simm.s32 $0x0;
	[sflag:s28] =	ssyncadd.s32 $0xFFFFFFC0  }
.LBB2_2:
0x6f: {  	_ =	swait.ge [sflag:s0], $0x2000  }
0x70: {  	s7 =	sshll.u32 s6, $0x1;
	p0 =	seq.s32 s6, $0x3;
	[sflag:s0] =	ssyncset.done $0x0  }
0x71: {  	s8 =	sadd.s32 @!p0 $0x2, s7;
	[sflag:s0] =	ssyncadd.s32 $0xFFFFE000  }
0x72: {  	s9 =	sshll.u32 @!p0 s8, $0xD;
	_ =	swait.ge [sflag:s3], $0x2000  }
0x73: {  	s11 =	simm.s32 @!p0 $0x40;
	s9 =	sand.u32 @!p0 $0x4000, s9;
	[sflag:s3] =	ssyncset.done $0x0  }
0x74: {  	s8 =	sshll.u32 @!p0 s8, $0x7;
	s10 =	sor.u32 @!p0 $0x800, s9;
	[sflag:s3] =	ssyncadd.s32 $0xFFFFE000  }
0x75: {  	[tilespmem:s10], [sflag:$0x2] =	stream.indirect.gather @!p0 [hbm4b:s1+s11], $0x80, s8, s11, $0xb8;
	[tilespmem:$0x10A00] =	vst v63  }
0x76: {  	s9 =	sor.u32 @!p0 $0x8800, s9;
	s8 =	sadd.s32 @!p0 $0x400, s8  }
0x77: {  	[tilespmem:s9], [sflag:$0x4] =	stream.indirect.gather @!p0 [hbm4b:s2+s11], $0x80, s8, s11, $0xb8;
	[tilespmem:$0x10A00] =	vst v63  }
0x78: {  	s13 =	sshll.u32 s6, $0xE;
	s8 =	simm.s32 $0x0  }
0x79: {  	s9 =	sand.u32 $0x4000, s13;
	s14 =	smin.u32 s8, $0xF  }
0x7a: {  	s10 =	sor.u32 $0x180, s9;
	s22 =	sshll.u32 s14, $0x9  }
0x7b: {  	s12 =	sor.u32 s10, s22  }
0x7c: {  	v5 =	vld [tilespmem:s12+$0x8800]  }
0x7d: {  	v6 =	vld [tilespmem:s12+$0x800]  }
0x7e: {  	v7 =	vld [tilespmem:s12+$0x8810]  }
0x7f: {  	v8 =	vld [tilespmem:s12+$0x810]  }
0x80: {  	v9 =	vld [tilespmem:s12+$0x8820]  }
0x81: {  	v10 =	vld [tilespmem:s12+$0x820]  }
0x82: {  	v11 =	vld [tilespmem:s12+$0x8830]  }
0x83: {  	v12 =	vld [tilespmem:s12+$0x830]  }
0x84: {  	v13 =	vld [tilespmem:s12+$0x8840]  }
0x85: {  	v14 =	vld [tilespmem:s12+$0x840]  }
0x86: {  	v15 =	vld [tilespmem:s12+$0x8850]  }
0x87: {  	v16 =	vld [tilespmem:s12+$0x850]  }
0x88: {  	v17 =	vld [tilespmem:s12+$0x8860]  }
0x89: {  	v18 =	vld [tilespmem:s12+$0x860]  }
0x8a: {  	s11 =	sor.u32 $0x100, s9;
	v19 =	vld [tilespmem:s12+$0x8870]  }
0x8b: {  	s13 =	sor.u32 s11, s22;
	v20 =	vld [tilespmem:s12+$0x870]  }
0x8c: {  	v21 =	vld [tilespmem:s13+$0x8800]  }
0x8d: {  	v22 =	vld [tilespmem:s13+$0x800]  }
0x8e: {  	v23 =	vld [tilespmem:s13+$0x8810]  }
0x8f: {  	v24 =	vld [tilespmem:s13+$0x810]  }
0x90: {  	v25 =	vld [tilespmem:s13+$0x8820]  }
0x91: {  	v26 =	vld [tilespmem:s13+$0x820]  }
0x92: {  	v27 =	vld [tilespmem:s13+$0x8830]  }
0x93: {  	v28 =	vld [tilespmem:s13+$0x830]  }
0x94: {  	v29 =	vld [tilespmem:s13+$0x8840]  }
0x95: {  	v30 =	vld [tilespmem:s13+$0x840]  }
0x96: {  	v31 =	vld [tilespmem:s13+$0x8850]  }
0x97: {  	v32 =	vld [tilespmem:s13+$0x850]  }
0x98: {  	s15 =	sor.u32 $0x80, s9;
	v33 =	vld [tilespmem:s13+$0x8870]  }
0x99: {  	[dreg:$0x6] =	wrdreg s15;
	v5 =	vmul.f32 v5, v6;
	v6 =	vld [tilespmem:s13+$0x8860];
	v7 =	vmul.f32 v7, v8  }
0x9a: {  	s12 =	rddreg [dreg:$0x6];
	v8 =	vmul.f32 v9, v10;
	v9 =	vld [tilespmem:s13+$0x860];
	v10 =	vmul.f32 v11, v12  }
0x9b: {  	s23 =	sor.u32 s12, s22;
	v11 =	vmul.f32 v13, v14;
	v12 =	vmul.f32 v15, v16;
	v15 =	vld [tilespmem:s13+$0x870]  }
0x9c: {  	v13 =	vmul.f32 v17, v18;
	v5 =	vadd.f32 v7, v5;
	v7 =	vadd.f32 v10, v8;
	v10 =	vld [tilespmem:s23+$0x8800]  }
0x9d: {  	v14 =	vmul.f32 v19, v20;
	v17 =	vmul.f32 v21, v22;
	v16 =	vadd.f32 v12, v11;
	v11 =	vld [tilespmem:s23+$0x800]  }
0x9e: {  	v19 =	vmul.f32 v25, v26;
	v20 =	vmul.f32 v27, v28;
	v12 =	vld [tilespmem:s23+$0x8810]  }
0x9f: {  	v18 =	vmul.f32 v23, v24;
	v22 =	vmul.f32 v29, v30;
	v21 =	vadd.f32 v14, v13;
	v13 =	vld [tilespmem:s23+$0x810]  }
0xa0: {  	v24 =	vmul.f32 v31, v32;
	v8 =	vimm.f32 $0.0e+00;
	v14 =	vld [tilespmem:s23+$0x8820];
	v20 =	vadd.f32 v20, v19  }
0xa1: {  	v19 =	vld [tilespmem:s23+$0x830];
	v5 =	vadd.f32 v7, v5;
	v6 =	vmul.f32 v6, v9;
	v7 =	vmul.f32 v33, v15  }
0xa2: {  	v22 =	vadd.f32 v24, v22;
	v23 =	vperm.xlane v8, v0;
	v16 =	vadd.f32 v21, v16;
	v21 =	vld [tilespmem:s23+$0x8850]  }
0xa3: {  	v15 =	vld [tilespmem:s23+$0x820];
	v9 =	vadd.f32 v18, v17;
	v6 =	vadd.f32 v7, v6  }
0xa4: {  	v17 =	vld [tilespmem:s23+$0x8830];
	v7 =	vadd.f32 v23, v8  }
0xa5: {  	v26 =	vperm.xlane v8, v0;
	v18 =	vld [tilespmem:s23+$0x8840];
	v9 =	vadd.f32 v20, v9;
	v6 =	vadd.f32 v6, v22  }
0xa6: {  	s16 =	simm.s32 $0xC;
	v16 =	vadd.f32 v16, v5;
	v5 =	vimm.f32 $0.0e+00;
	v20 =	vld [tilespmem:s23+$0x840];
	v24 =	vperm.xlane v7, v1  }
0xa7: {  	s14 =	sand.u32 $0xC, s16;
	s12 =	sshll.u32 s6, $0x7;
	s13 =	simm.s32 $0x10;
	v22 =	vld [tilespmem:s23+$0x850];
	v25 =	vadd.f32 v6, v9;
	v6 =	vimm.f32 $0.0e+00;
	v9 =	vimm.f32 $0.0e+00  }
.LBB2_3:
0xa8: {  	v27 =	vperm.xlane v8, v0;
	v23 =	vadd.f32 v23, v6  }
0xa9: {  	v28 =	vld [tilespmem:s23+$0x8860];
	v24 =	vadd.f32 v24, v7;
	v9 =	vadd.f32 v26, v9  }
0xaa: {  	s15 =	sor.u32 $0x3, s14;
	v29 =	vld [tilespmem:s23+$0x860];
	v7 =	vmovc v16;
	v16 =	vmov s14;
	v6 =	vmovc v25;
	v8 =	vadd.f32 v27, v8;
	v25 =	vperm.xlane v23, v1  }
0xab: {  	s16 =	sor.u32 $0x2, s14;
	v30 =	vld [tilespmem:s23+$0x8870];
	v26 =	vmov s15;
	s15 =	sor.u32 s9, s22;
	v27 =	vperm.xlane v24, v2;
	v31 =	vperm.xlane v9, v1  }
0xac: {  	v32 =	vmov s16;
	v60 =	vld [tilespmem:s15+$0x8820];
	v10 =	vmul.f32 v10, v11;
	v33 =	vperm.xlane v8, v1  }
0xad: {  	vm0 =	veq.s32 v16, v4;
	v61 =	vld [tilespmem:s15+$0x8850];
	v12 =	vmul.f32 v12, v13;
	v14 =	vmul.f32 v14, v15  }
0xae: {  	v11 =	vld [tilespmem:s23+$0x870];
	v15 =	vmul.f32 v17, v19;
	v18 =	vmul.f32 v18, v20;
	v9 =	vadd.f32 v31, v9  }
0xaf: {  	v13 =	vld [tilespmem:s15+$0x800];
	v19 =	vmul.f32 v21, v22;
	v23 =	vadd.f32 v25, v23;
	v8 =	vadd.f32 v33, v8  }
0xb0: {  	v17 =	vld [tilespmem:s15+$0x8810];
	s23 =	smax.u32 s8, $0x1;
	v22 =	vmul.f32 v28, v29;
	v10 =	vadd.f32 v12, v10;
	v20 =	vperm.xlane v9, v2  }
0xb1: {  	v21 =	vld [tilespmem:s15+$0x810];
	s22 =	sadd.s32 $0xFFFFFFFF, s23;
	v14 =	vadd.f32 v15, v14;
	v18 =	vadd.f32 v19, v18;
	v12 =	vperm.xlane v8, v2  }
0xb2: {  	v25 =	vld [tilespmem:s15+$0x8800];
	s16 =	sand.u32 $0x3, s22;
	v19 =	vadd.f32 v27, v24;
	v15 =	vperm.xlane v23, v2;
	v9 =	vadd.f32 v20, v9  }
0xb3: {  	p2 =	slt.u32 s8, $0x2;
	v24 =	vld [tilespmem:s15+$0x8840];
	p3 =	sne.s32 s16, $0x0;
	s16 =	sor.u32 $0x1, s14;
	v10 =	vadd.f32 v14, v10;
	v11 =	vmul.f32 v30, v11;
	v8 =	vadd.f32 v12, v8  }
0xb4: {  	p2 =	por !p2, !p3;
	v14 =	vmov s16;
	v20 =	vld [tilespmem:s15+$0x820];
	v15 =	vadd.f32 v15, v23;
	v16 =	vperm.xlane v9, v3  }
0xb5: {  	s23 =	sshrl.u32 s22, $0x2;
	s22 =	simm.s32 $0x1;
	p2 =	por !p2, !p2;
	vm13 =	veq.s32 v14, v4;
	v14 =	vld [tilespmem:s15+$0x8860];
	v11 =	vadd.f32 v11, v22;
	v23 =	vperm.xlane v8, v3  }
0xb6: {  	v12 =	vld [tilespmem:s15+$0x8830];
	s22 =	simm.s32 @!p2 $0x0;
	v9 =	vadd.f32 v16, v9;
	v16 =	vperm.xlane v15, v3  }
0xb7: {  	v27 =	vperm.xlane v19, v3;
	v22 =	vld [tilespmem:s15+$0x830];
	s14 =	ssub.s32 s23, s22;
	v11 =	vadd.f32 v11, v18;
	v23 =	vadd.f32 v23, v8  }
0xb8: {  	vm14 =	veq.s32 v32, v4;
	s14 =	sshll.u32 s14, $0x4;
	v18 =	vld [tilespmem:s15+$0x840];
	v5 =	vsel vm0, v9, v5;
	v9 =	vadd.f32 v16, v15  }
0xb9: {  	s8 =	sadd.s32 $0x1, s8;
	s16 =	sadd.s32 s12, s14;
	v8 =	vadd.f32 v11, v10;
	v10 =	vld [tilespmem:s15+$0x850];
	v11 =	vadd.f32 v27, v19;
	v5 =	vsel vm13, v23, v5  }
0xba: {  	vm15 =	veq.s32 v26, v4;
	s23 =	smin.u32 s8, $0xF;
	s14 =	sand.u32 $0x70, s14;
	s16 =	sand.u32 $0xFFFFFF80, s16;
	v15 =	vld [tilespmem:s15+$0x870];
	v5 =	vsel vm14, v9, v5  }
0xbb: {  	s22 =	sshll.u32 s23, $0x9;
	s14 =	sor.u32 s14, s16;
	v9 =	vld [tilespmem:s15+$0x860];
	v5 =	vsel vm15, v11, v5  }
0xbc: {  	s23 =	sor.u32 s10, s22;
	v11 =	vld [tilespmem:s15+$0x8870];
	[tilespmem:s14+$0x10800] =	vst v5  }
0xbd: {  	v16 =	vld [tilespmem:s23+$0x8800]  }
0xbe: {  	v17 =	vmul.f32 v17, v21;
	v13 =	vmul.f32 v25, v13;
	v19 =	vld [tilespmem:s23+$0x800]  }
0xbf: {  	v20 =	vmul.f32 v60, v20;
	v12 =	vmul.f32 v12, v22;
	v21 =	vld [tilespmem:s23+$0x8810]  }
0xc0: {  	v22 =	vld [tilespmem:s23+$0x810]  }
0xc1: {  	v13 =	vadd.f32 v17, v13;
	v12 =	vadd.f32 v12, v20;
	v23 =	vld [tilespmem:s23+$0x8820]  }
0xc2: {  	v17 =	vld [tilespmem:s23+$0x8840]  }
0xc3: {  	v12 =	vadd.f32 v12, v13;
	v13 =	vld [tilespmem:s23+$0x8850]  }
0xc4: {  	v20 =	vld [tilespmem:s23+$0x860]  }
0xc5: {  	v18 =	vmul.f32 v24, v18;
	v24 =	vld [tilespmem:s23+$0x8870]  }
0xc6: {  	s14 =	sor.u32 s11, s22;
	v25 =	vld [tilespmem:s23+$0x870]  }
0xc7: {  	v26 =	vld [tilespmem:s14+$0x8800]  }
0xc8: {  	v27 =	vld [tilespmem:s14+$0x800]  }
0xc9: {  	v62 =	vld [tilespmem:s14+$0x8870]  }
0xca: {  	v10 =	vmul.f32 v61, v10;
	v63 =	vld [tilespmem:s14+$0x870]  }
0xcb: {  	v9 =	vmul.f32 v14, v9;
	v14 =	vld [tilespmem:s23+$0x820]  }
0xcc: {  	v10 =	vadd.f32 v10, v18;
	v18 =	vld [tilespmem:s23+$0x8860];
	v11 =	vmul.f32 v11, v15  }
0xcd: {  	v15 =	vld [tilespmem:s23+$0x8830]  }
0xce: {  	v9 =	vadd.f32 v11, v9;
	v11 =	vld [tilespmem:s23+$0x830]  }
0xcf: {  	v16 =	vmul.f32 v16, v19;
	v19 =	vmul.f32 v21, v22;
	v21 =	vld [tilespmem:s14+$0x8810]  }
0xd0: {  	v22 =	vld [tilespmem:s14+$0x8850]  }
0xd1: {  	v9 =	vadd.f32 v9, v10;
	v10 =	vld [tilespmem:s23+$0x840]  }
0xd2: {  	v16 =	vadd.f32 v19, v16;
	v19 =	vld [tilespmem:s14+$0x840]  }
0xd3: {  	v14 =	vmul.f32 v23, v14;
	v23 =	vld [tilespmem:s14+$0x850]  }
0xd4: {  	v9 =	vadd.f32 v9, v12;
	v12 =	vld [tilespmem:s23+$0x850]  }
0xd5: {  	v11 =	vmul.f32 v15, v11;
	v15 =	vld [tilespmem:s14+$0x810]  }
0xd6: {  	v10 =	vmul.f32 v17, v10;
	v17 =	vmul.f32 v18, v20;
	v20 =	vld [tilespmem:s14+$0x820]  }
0xd7: {  	v11 =	vadd.f32 v11, v14;
	v14 =	vld [tilespmem:s14+$0x8830]  }
0xd8: {  	v18 =	vmul.f32 v24, v25;
	v24 =	vld [tilespmem:s14+$0x8860]  }
0xd9: {  	v25 =	vld [tilespmem:s14+$0x860];
	v12 =	vmul.f32 v13, v12  }
0xda: {  	v13 =	vld [tilespmem:s14+$0x8820]  }
0xdb: {  	s23 =	rddreg [dreg:$0x6];
	v10 =	vadd.f32 v12, v10;
	v12 =	vadd.f32 v18, v17;
	v17 =	vld [tilespmem:s14+$0x830]  }
0xdc: {  	s23 =	sor.u32 s23, s22;
	v18 =	vld [tilespmem:s14+$0x8840]  }
0xdd: {  	v21 =	vmul.f32 v21, v15;
	v15 =	vld [tilespmem:s23+$0x820]  }
0xde: {  	v11 =	vadd.f32 v11, v16;
	v10 =	vadd.f32 v12, v10;
	v12 =	vld [tilespmem:s23+$0x8810]  }
0xdf: {  	v20 =	vmul.f32 v13, v20;
	v13 =	vld [tilespmem:s23+$0x810]  }
0xe0: {  	v26 =	vmul.f32 v26, v27;
	v16 =	vadd.f32 v10, v11;
	v10 =	vld [tilespmem:s23+$0x8800];
	v17 =	vmul.f32 v14, v17  }
0xe1: {  	v11 =	vld [tilespmem:s23+$0x800];
	v18 =	vmul.f32 v18, v19;
	v19 =	vmul.f32 v22, v23  }
0xe2: {  	v14 =	vld [tilespmem:s23+$0x8820];
	v22 =	vmul.f32 v24, v25;
	v23 =	vmul.f32 v62, v63  }
0xe3: {  	p1 =	sne.s32 s13, $0x4C;
	v21 =	vadd.f32 v21, v26;
	v24 =	vperm.xlane v7, v0;
	v20 =	vadd.f32 v17, v20;
	v17 =	vld [tilespmem:s23+$0x8830]  }
.Ltmp0:
0xe4: {  	v25 =	vadd.f32 v19, v18;
	v22 =	vadd.f32 v23, v22;
	v19 =	vld [tilespmem:s23+$0x830];
	(pc) =	sbr.rel @p1 .LBB2_3-.Ltmp0, $4  }
0xe5: {  	v7 =	vadd.f32 v24, v7;
	v18 =	vld [tilespmem:s23+$0x8840]  }
0xe6: {  	v26 =	vadd.f32 v20, v21;
	v22 =	vadd.f32 v22, v25;
	v20 =	vld [tilespmem:s23+$0x840]  }
0xe7: {  	v23 =	vperm.xlane v6, v0;
	v21 =	vld [tilespmem:s23+$0x8850]  }
0xe8: {  	s14 =	sand.u32 $0xC, s13;
	s13 =	sadd.s32 $0x4, s13;
	v24 =	vperm.xlane v7, v1;
	v25 =	vadd.f32 v22, v26;
	v26 =	vperm.xlane v9, v0;
	v22 =	vld [tilespmem:s23+$0x850]  }
0xe9: {  	v10 =	vperm.xlane v8, v0  }
0xea: {  	v9 =	vadd.f32 v26, v9  }
0xeb: {  	v8 =	vadd.f32 v10, v8  }
0xec: {  	v6 =	vadd.f32 v23, v6;
	v10 =	vperm.xlane v9, v1  }
0xed: {  	v11 =	vperm.xlane v8, v1  }
0xee: {  	v12 =	vperm.xlane v6, v1;
	v9 =	vadd.f32 v10, v9  }
0xef: {  	v8 =	vadd.f32 v11, v8  }
0xf0: {  	s9 =	smax.u32 s8, $0x1;
	v7 =	vadd.f32 v24, v7;
	v6 =	vadd.f32 v12, v6;
	v10 =	vperm.xlane v9, v2  }
0xf1: {  	s9 =	sadd.s32 $0xFFFFFFFF, s9;
	v11 =	vperm.xlane v8, v2  }
0xf2: {  	s10 =	sand.u32 $0x3, s9;
	v13 =	vperm.xlane v7, v2;
	v9 =	vadd.f32 v10, v9;
	v10 =	vperm.xlane v6, v2  }
0xf3: {  	p1 =	slt.u32 s8, $0x2;
	p2 =	sne.s32 s10, $0x0;
	v12 =	vmov s14;
	v8 =	vadd.f32 v11, v8  }
0xf4: {  	s11 =	sor.u32 $0x3, s14;
	p1 =	por !p1, !p2;
	v7 =	vadd.f32 v13, v7;
	v14 =	vperm.xlane v9, v3;
	v6 =	vadd.f32 v10, v6  }
0xf5: {  	s22 =	sor.u32 $0x2, s14;
	s8 =	simm.s32 $0x1;
	p1 =	por !p1, !p1;
	vm0 =	veq.s32 v12, v4;
	v11 =	vmov s11;
	v13 =	vperm.xlane v8, v3  }
0xf6: {  	s23 =	sor.u32 $0x1, s14;
	s9 =	sshrl.u32 s9, $0x2;
	s8 =	simm.s32 @!p1 $0x0;
	v10 =	vmov s22;
	v9 =	vadd.f32 v14, v9;
	v12 =	vperm.xlane v6, v3  }
0xf7: {  	s8 =	ssub.s32 s9, s8;
	v14 =	vmov s23;
	v8 =	vadd.f32 v13, v8;
	v13 =	vperm.xlane v7, v3  }
0xf8: {  	s8 =	sshll.u32 s8, $0x4;
	vm13 =	veq.s32 v14, v4;
	v5 =	vsel vm0, v9, v5;
	v6 =	vadd.f32 v12, v6  }
0xf9: {  	s11 =	sadd.s32 s12, s8;
	vm14 =	veq.s32 v10, v4;
	v5 =	vsel vm13, v8, v5;
	v7 =	vadd.f32 v13, v7  }
0xfa: {  	s8 =	sand.u32 $0x70, s8;
	vm15 =	veq.s32 v11, v4;
	s9 =	sand.u32 $0xFFFFFF80, s11;
	v5 =	vsel vm14, v6, v5  }
0xfb: {  	s8 =	sor.u32 s8, s9;
	v5 =	vsel vm15, v7, v5  }
0xfc: {  	[tilespmem:s8+$0x10800] =	vst v5  }
0xfd: {  	_ =	swait.ge [sflag:s30], $0x2000  }
0xfe: {  	[sflag:s30] =	ssyncset.done $0x0  }
0xff: {  	s8 =	sadd.s32 @!p0 $0x3, s7;
	[sflag:s30] =	ssyncadd.s32 $0xFFFFE000  }
0x100: {  	s9 =	sshll.u32 @!p0 s8, $0xD;
	_ =	swait.ge [sflag:s31], $0x2000  }
0x101: {  	s11 =	simm.s32 @!p0 $0x40;
	s9 =	sand.u32 @!p0 $0x6000, s9;
	[sflag:s31] =	ssyncset.done $0x0  }
0x102: {  	s8 =	sshll.u32 @!p0 s8, $0x7;
	s10 =	sor.u32 @!p0 $0x800, s9;
	[sflag:s31] =	ssyncadd.s32 $0xFFFFE000  }
0x103: {  	[tilespmem:s10], [sflag:$0x3] =	stream.indirect.gather @!p0 [hbm4b:s1+s11], $0x80, s8, s11, $0xb8;
	[tilespmem:$0x10A00] =	vst v63  }
0x104: {  	s13 =	sor.u32 $0x1, s7;
	s7 =	sor.u32 @!p0 $0x8800, s9;
	s8 =	sadd.s32 @!p0 $0x400, s8  }
0x105: {  	[tilespmem:s7], [sflag:$0x5] =	stream.indirect.gather @!p0 [hbm4b:s2+s11], $0x80, s8, s11, $0xb8;
	[tilespmem:$0x10A00] =	vst v63  }
0x106: {  	s12 =	sshll.u32 s13, $0xD;
	s7 =	simm.s32 $0x0  }
0x107: {  	s8 =	sand.u32 $0x6000, s12;
	s14 =	smin.u32 s7, $0xF  }
0x108: {  	s9 =	sor.u32 $0x180, s8;
	s12 =	sshll.u32 s14, $0x9  }
0x109: {  	s15 =	sor.u32 s9, s12  }
0x10a: {  	v5 =	vld [tilespmem:s15+$0x8800]  }
0x10b: {  	v6 =	vld [tilespmem:s15+$0x800]  }
0x10c: {  	v7 =	vld [tilespmem:s15+$0x8810]  }
0x10d: {  	v8 =	vld [tilespmem:s15+$0x810]  }
0x10e: {  	v9 =	vld [tilespmem:s15+$0x8820]  }
0x10f: {  	v10 =	vld [tilespmem:s15+$0x820]  }
0x110: {  	v11 =	vld [tilespmem:s15+$0x8830]  }
0x111: {  	v12 =	vld [tilespmem:s15+$0x830]  }
0x112: {  	v13 =	vld [tilespmem:s15+$0x8840]  }
0x113: {  	v14 =	vld [tilespmem:s15+$0x840]  }
0x114: {  	v15 =	vld [tilespmem:s15+$0x8850]  }
0x115: {  	v16 =	vld [tilespmem:s15+$0x850]  }
0x116: {  	v17 =	vld [tilespmem:s15+$0x8860]  }
0x117: {  	v18 =	vld [tilespmem:s15+$0x860]  }
0x118: {  	s10 =	sor.u32 $0x100, s8;
	v19 =	vld [tilespmem:s15+$0x8870]  }
0x119: {  	s16 =	sor.u32 s10, s12;
	v20 =	vld [tilespmem:s15+$0x870]  }
0x11a: {  	v21 =	vld [tilespmem:s16+$0x8800]  }
0x11b: {  	v22 =	vld [tilespmem:s16+$0x800]  }
0x11c: {  	v23 =	vld [tilespmem:s16+$0x8810]  }
0x11d: {  	v24 =	vld [tilespmem:s16+$0x810]  }
0x11e: {  	v25 =	vld [tilespmem:s16+$0x8820]  }
0x11f: {  	v26 =	vld [tilespmem:s16+$0x820]  }
0x120: {  	v27 =	vld [tilespmem:s16+$0x8830]  }
0x121: {  	v28 =	vld [tilespmem:s16+$0x830]  }
0x122: {  	v29 =	vld [tilespmem:s16+$0x8840]  }
0x123: {  	v30 =	vld [tilespmem:s16+$0x840]  }
0x124: {  	v31 =	vld [tilespmem:s16+$0x8850]  }
0x125: {  	v32 =	vld [tilespmem:s16+$0x850]  }
0x126: {  	v33 =	vld [tilespmem:s16+$0x8870];
	v5 =	vmul.f32 v5, v6  }
0x127: {  	v6 =	vld [tilespmem:s16+$0x8860];
	v7 =	vmul.f32 v7, v8;
	v8 =	vmul.f32 v9, v10  }
0x128: {  	s11 =	sor.u32 $0x80, s8;
	v9 =	vld [tilespmem:s16+$0x860];
	v10 =	vmul.f32 v11, v12;
	v13 =	vmul.f32 v13, v14  }
0x129: {  	s22 =	sor.u32 s11, s12;
	v14 =	vmul.f32 v15, v16;
	v15 =	vmul.f32 v17, v18;
	v16 =	vld [tilespmem:s16+$0x870]  }
0x12a: {  	v17 =	vmul.f32 v19, v20;
	v11 =	vld [tilespmem:s22+$0x8800];
	v18 =	vmul.f32 v23, v24  }
0x12b: {  	v12 =	vld [tilespmem:s22+$0x800];
	v20 =	vmul.f32 v25, v26;
	v23 =	vmul.f32 v29, v30;
	v5 =	vadd.f32 v7, v5  }
0x12c: {  	v25 =	vmul.f32 v31, v32;
	v7 =	vadd.f32 v10, v8;
	v19 =	vadd.f32 v14, v13;
	v13 =	vld [tilespmem:s22+$0x8810]  }
0x12d: {  	v10 =	vmul.f32 v21, v22;
	v8 =	vimm.f32 $0.0e+00;
	v21 =	vmul.f32 v27, v28;
	v14 =	vld [tilespmem:s22+$0x810]  }
0x12e: {  	v22 =	vadd.f32 v17, v15;
	v15 =	vld [tilespmem:s22+$0x8820];
	v24 =	vperm.xlane v8, v0;
	v7 =	vadd.f32 v7, v5  }
0x12f: {  	v17 =	vld [tilespmem:s22+$0x8830];
	v10 =	vadd.f32 v18, v10;
	v5 =	vmul.f32 v6, v9;
	v6 =	vmul.f32 v33, v16  }
0x130: {  	v18 =	vadd.f32 v21, v20;
	v21 =	vadd.f32 v25, v23;
	v20 =	vld [tilespmem:s22+$0x8840]  }
0x131: {  	s13 =	sshll.u32 s13, $0x6;
	v16 =	vld [tilespmem:s22+$0x820];
	v9 =	vadd.f32 v24, v8;
	v5 =	vadd.f32 v6, v5  }
0x132: {  	s13 =	sand.u32 $0x3FFFFFC0, s13;
	v27 =	vperm.xlane v8, v0;
	v6 =	vadd.f32 v22, v19;
	v19 =	vld [tilespmem:s22+$0x830]  }
0x133: {  	s13 =	sadd.s32 $0x10800, s13;
	v10 =	vadd.f32 v18, v10;
	v25 =	vperm.xlane v9, v1;
	v22 =	vld [tilespmem:s22+$0x8850];
	v23 =	vadd.f32 v5, v21  }
0x134: {  	s23 =	simm.s32 $0xC;
	v5 =	vmov s13;
	v18 =	vadd.f32 v6, v7;
	v21 =	vld [tilespmem:s22+$0x840];
	v7 =	vimm.f32 $0.0e+00  }
0x135: {  	s14 =	sand.u32 $0xC, s23;
	s13 =	simm.s32 $0x10;
	v6 =	vimm.f32 $0.0e+00;
	v26 =	vadd.f32 v23, v10;
	v23 =	vld [tilespmem:s22+$0x850];
	v10 =	vimm.f32 $0.0e+00  }
.LBB2_5:
0x136: {  	p0 =	sne.s32 s13, $0x4C;
	v28 =	vperm.xlane v8, v0;
	v24 =	vadd.f32 v24, v7;
	v25 =	vadd.f32 v25, v9;
	s15 =	sor.u32 $0x3, s14;
	v29 =	vld [tilespmem:s22+$0x8860];
	v9 =	vmovc v18  }
0x137: {  	v18 =	vmov s14;
	v7 =	vmovc v26;
	v10 =	vadd.f32 v27, v10;
	v27 =	vmov s15;
	v30 =	vld [tilespmem:s22+$0x860]  }
0x138: {  	s15 =	sor.u32 $0x2, s14;
	v8 =	vadd.f32 v28, v8;
	v26 =	vperm.xlane v24, v1;
	v28 =	vperm.xlane v25, v2;
	v31 =	vld [tilespmem:s22+$0x8870]  }
0x139: {  	v11 =	vmul.f32 v11, v12;
	v33 =	vmov s15;
	s15 =	sor.u32 s8, s12;
	v32 =	vperm.xlane v10, v1;
	v12 =	vld [tilespmem:s22+$0x870]  }
0x13a: {  	v13 =	vmul.f32 v13, v14;
	v34 =	vperm.xlane v8, v1;
	v24 =	vadd.f32 v26, v24;
	v26 =	vld [tilespmem:s15+$0x8800]  }
0x13b: {  	v15 =	vmul.f32 v15, v16;
	v16 =	vmul.f32 v17, v19;
	v10 =	vadd.f32 v32, v10;
	v14 =	vld [tilespmem:s15+$0x800]  }
0x13c: {  	v19 =	vmul.f32 v20, v21;
	v20 =	vmul.f32 v22, v23;
	v8 =	vadd.f32 v34, v8;
	v17 =	vld [tilespmem:s15+$0x8810]  }
0x13d: {  	v11 =	vadd.f32 v13, v11;
	v23 =	vmul.f32 v29, v30;
	v21 =	vperm.xlane v10, v2;
	v22 =	vld [tilespmem:s15+$0x810]  }
0x13e: {  	v15 =	vadd.f32 v16, v15;
	v13 =	vperm.xlane v8, v2;
	v29 =	vld [tilespmem:s15+$0x8820];
	v12 =	vmul.f32 v31, v12  }
0x13f: {  	s12 =	smax.u32 s7, $0x1;
	v16 =	vperm.xlane v24, v2;
	v19 =	vadd.f32 v20, v19;
	v10 =	vadd.f32 v21, v10;
	v21 =	vld [tilespmem:s15+$0x820]  }
0x140: {  	vm0 =	veq.s32 v18, v4;
	s12 =	sadd.s32 $0xFFFFFFFF, s12;
	v8 =	vadd.f32 v13, v8;
	v13 =	vld [tilespmem:s15+$0x8830];
	v12 =	vadd.f32 v12, v23  }
0x141: {  	s16 =	sand.u32 $0x3, s12;
	v20 =	vadd.f32 v28, v25;
	v16 =	vadd.f32 v16, v24;
	v18 =	vperm.xlane v10, v3;
	v23 =	vld [tilespmem:s15+$0x830]  }
0x142: {  	p1 =	slt.u32 s7, $0x2;
	s14 =	sor.u32 $0x1, s14;
	v11 =	vadd.f32 v15, v11;
	p2 =	sne.s32 s16, $0x0;
	v24 =	vperm.xlane v8, v3;
	v25 =	vld [tilespmem:s15+$0x8840];
	v12 =	vadd.f32 v12, v19  }
0x143: {  	v15 =	vmov s14;
	p1 =	por !p1, !p2;
	v10 =	vadd.f32 v18, v10;
	v18 =	vperm.xlane v16, v3;
	v19 =	vld [tilespmem:s15+$0x840]  }
0x144: {  	s14 =	simm.s32 $0x1;
	p1 =	por !p1, !p1;
	v28 =	vperm.xlane v20, v3;
	v24 =	vadd.f32 v24, v8;
	v30 =	vld [tilespmem:s15+$0x8850];
	v8 =	vadd.f32 v12, v11  }
0x145: {  	s12 =	sshrl.u32 s12, $0x2;
	s14 =	simm.s32 @!p1 $0x0;
	v6 =	vsel vm0, v10, v6;
	vm0 =	veq.s32 v15, v4;
	v10 =	vadd.f32 v18, v16;
	v11 =	vld [tilespmem:s15+$0x850]  }
0x146: {  	s7 =	sadd.s32 $0x1, s7;
	s12 =	ssub.s32 s12, s14;
	v12 =	vadd.f32 v28, v20;
	v6 =	vsel vm0, v24, v6;
	vm0 =	veq.s32 v33, v4;
	v15 =	vld [tilespmem:s15+$0x8860]  }
0x147: {  	s14 =	smin.u32 s7, $0xF;
	s16 =	sshll.u32 s12, $0x6;
	v6 =	vsel vm0, v10, v6;
	vm0 =	veq.s32 v27, v4;
	v10 =	vld [tilespmem:s15+$0x860]  }
0x148: {  	s12 =	sshll.u32 s14, $0x9;
	s14 =	sshra.s32 s16, $0x2;
	v6 =	vsel vm0, v12, v6;
	v12 =	vld [tilespmem:s15+$0x8870]  }
0x149: {  	s16 =	sor.u32 s9, s12;
	v16 =	vld [tilespmem:s15+$0x870];
	[tilespmem:v5+s14+$0x0 ss:$0x1] =	vst.idx.msk $0xffff, v6  }
0x14a: {  	v18 =	vld [tilespmem:s16+$0x8800]  }
0x14b: {  	v14 =	vmul.f32 v26, v14;
	v17 =	vmul.f32 v17, v22;
	v20 =	vld [tilespmem:s16+$0x800]  }
0x14c: {  	v21 =	vmul.f32 v29, v21;
	v13 =	vmul.f32 v13, v23;
	v22 =	vld [tilespmem:s16+$0x8810]  }
0x14d: {  	v19 =	vmul.f32 v25, v19;
	v11 =	vmul.f32 v30, v11;
	v23 =	vld [tilespmem:s16+$0x810]  }
0x14e: {  	v10 =	vmul.f32 v15, v10;
	v24 =	vld [tilespmem:s16+$0x8820];
	v12 =	vmul.f32 v12, v16  }
0x14f: {  	v14 =	vadd.f32 v17, v14;
	v13 =	vadd.f32 v13, v21;
	v15 =	vld [tilespmem:s16+$0x820]  }
0x150: {  	v11 =	vadd.f32 v11, v19;
	v16 =	vld [tilespmem:s16+$0x8830];
	v10 =	vadd.f32 v12, v10  }
0x151: {  	v12 =	vld [tilespmem:s16+$0x830]  }
0x152: {  	v13 =	vadd.f32 v13, v14;
	v17 =	vld [tilespmem:s16+$0x8840];
	v10 =	vadd.f32 v10, v11  }
0x153: {  	v11 =	vld [tilespmem:s16+$0x840]  }
0x154: {  	v14 =	vld [tilespmem:s16+$0x8850];
	v10 =	vadd.f32 v10, v13  }
0x155: {  	v13 =	vld [tilespmem:s16+$0x850]  }
0x156: {  	v19 =	vld [tilespmem:s16+$0x8860]  }
0x157: {  	v21 =	vld [tilespmem:s16+$0x860]  }
0x158: {  	v25 =	vld [tilespmem:s16+$0x8870]  }
0x159: {  	s14 =	sor.u32 s10, s12;
	v26 =	vld [tilespmem:s16+$0x870]  }
0x15a: {  	v27 =	vld [tilespmem:s14+$0x8800]  }
0x15b: {  	v18 =	vmul.f32 v18, v20;
	v20 =	vmul.f32 v22, v23;
	v28 =	vld [tilespmem:s14+$0x800]  }
0x15c: {  	v15 =	vmul.f32 v24, v15;
	v12 =	vmul.f32 v16, v12;
	v22 =	vld [tilespmem:s14+$0x8810]  }
0x15d: {  	v11 =	vmul.f32 v17, v11;
	v13 =	vmul.f32 v14, v13;
	v16 =	vld [tilespmem:s14+$0x810]  }
0x15e: {  	v17 =	vmul.f32 v19, v21;
	v14 =	vld [tilespmem:s14+$0x8820];
	v19 =	vmul.f32 v25, v26  }
0x15f: {  	v18 =	vadd.f32 v20, v18;
	v12 =	vadd.f32 v12, v15;
	v21 =	vld [tilespmem:s14+$0x820]  }
0x160: {  	v11 =	vadd.f32 v13, v11;
	v15 =	vld [tilespmem:s14+$0x8830];
	v13 =	vadd.f32 v19, v17  }
0x161: {  	v17 =	vld [tilespmem:s14+$0x830]  }
0x162: {  	v12 =	vadd.f32 v12, v18;
	v19 =	vld [tilespmem:s14+$0x8840];
	v11 =	vadd.f32 v13, v11  }
0x163: {  	v20 =	vld [tilespmem:s14+$0x840]  }
0x164: {  	v23 =	vld [tilespmem:s14+$0x8850];
	v18 =	vadd.f32 v11, v12  }
0x165: {  	v24 =	vld [tilespmem:s14+$0x850]  }
0x166: {  	v25 =	vld [tilespmem:s14+$0x8860]  }
0x167: {  	v26 =	vld [tilespmem:s14+$0x860]  }
0x168: {  	v29 =	vld [tilespmem:s14+$0x8870]  }
0x169: {  	s22 =	sor.u32 s11, s12;
	v30 =	vld [tilespmem:s14+$0x870]  }
0x16a: {  	v11 =	vld [tilespmem:s22+$0x8800]  }
0x16b: {  	v27 =	vmul.f32 v27, v28;
	v22 =	vmul.f32 v22, v16;
	v12 =	vld [tilespmem:s22+$0x800]  }
0x16c: {  	v21 =	vmul.f32 v14, v21;
	v17 =	vmul.f32 v15, v17;
	v13 =	vld [tilespmem:s22+$0x8810]  }
0x16d: {  	v19 =	vmul.f32 v19, v20;
	v20 =	vmul.f32 v23, v24;
	v14 =	vld [tilespmem:s22+$0x810]  }
0x16e: {  	v23 =	vmul.f32 v25, v26;
	v15 =	vld [tilespmem:s22+$0x8820];
	v24 =	vmul.f32 v29, v30  }
0x16f: {  	v22 =	vadd.f32 v22, v27;
	v21 =	vadd.f32 v17, v21;
	v25 =	vperm.xlane v9, v0;
	v16 =	vld [tilespmem:s22+$0x820]  }
0x170: {  	v26 =	vadd.f32 v20, v19;
	v17 =	vld [tilespmem:s22+$0x8830];
	v23 =	vadd.f32 v24, v23  }
.Ltmp1:
0x171: {  	v9 =	vadd.f32 v25, v9;
	v19 =	vld [tilespmem:s22+$0x830];
	(pc) =	sbr.rel @p0 .LBB2_5-.Ltmp1, $4  }
0x172: {  	v27 =	vadd.f32 v21, v22;
	v20 =	vld [tilespmem:s22+$0x8840];
	v23 =	vadd.f32 v23, v26  }
0x173: {  	v21 =	vld [tilespmem:s22+$0x840]  }
0x174: {  	v24 =	vperm.xlane v7, v0;
	v25 =	vperm.xlane v9, v1;
	v22 =	vld [tilespmem:s22+$0x8850];
	v26 =	vadd.f32 v23, v27  }
0x175: {  	s14 =	sand.u32 $0xC, s13;
	s13 =	sadd.s32 $0x4, s13;
	v27 =	vperm.xlane v10, v0;
	v23 =	vld [tilespmem:s22+$0x850]  }
0x176: {  	v11 =	vperm.xlane v8, v0  }
0x177: {  	v10 =	vadd.f32 v27, v10  }
0x178: {  	v8 =	vadd.f32 v11, v8  }
0x179: {  	v7 =	vadd.f32 v24, v7;
	v54 =	vperm.xlane v10, v1  }
0x17a: {  	v12 =	vperm.xlane v8, v1  }
0x17b: {  	v13 =	vperm.xlane v7, v1;
	v10 =	vadd.f32 v54, v10  }
0x17c: {  	v8 =	vadd.f32 v12, v8  }
0x17d: {  	v7 =	vadd.f32 v13, v7;
	v11 =	vperm.xlane v10, v2  }
0x17e: {  	v9 =	vadd.f32 v25, v9;
	s9 =	smax.u32 s7, $0x1;
	v12 =	vperm.xlane v8, v2  }
0x17f: {  	s9 =	sadd.s32 $0xFFFFFFFF, s9;
	v55 =	vperm.xlane v7, v2;
	v10 =	vadd.f32 v11, v10  }
0x180: {  	s8 =	sor.u32 $0x3, s14;
	v58 =	vmov s14;
	v14 =	vperm.xlane v9, v2;
	s16 =	sand.u32 $0x3, s9;
	v8 =	vadd.f32 v12, v8  }
0x181: {  	s15 =	sor.u32 $0x2, s14;
	p0 =	slt.u32 s7, $0x2;
	v56 =	vmov s8;
	p1 =	sne.s32 s16, $0x0;
	v7 =	vadd.f32 v55, v7;
	v15 =	vperm.xlane v10, v3  }
0x182: {  	s22 =	sor.u32 $0x1, s14;
	v57 =	vmov s15;
	v9 =	vadd.f32 v14, v9;
	p0 =	por !p0, !p1;
	v59 =	vperm.xlane v8, v3  }
0x183: {  	s7 =	simm.s32 $0x1;
	s6 =	sadd.s32 $0x1, s6;
	vm0 =	veq.s32 v58, v4;
	p0 =	por !p0, !p0;
	v60 =	vperm.xlane v7, v3;
	v10 =	vadd.f32 v15, v10  }
0x184: {  	v61 =	vmov s22;
	v62 =	vperm.xlane v9, v3;
	s7 =	simm.s32 @!p0 $0x0;
	p0 =	sne.s32 s6, $0x4;
	v8 =	vadd.f32 v59, v8  }
.Ltmp2:
0x185: {  	vm13 =	veq.s32 v61, v4;
	s23 =	sshrl.u32 s9, $0x2;
	v7 =	vadd.f32 v60, v7;
	v6 =	vsel vm0, v10, v6;
	(pc) =	sbr.rel @p0 .LBB2_2-.Ltmp2, $4  }
0x186: {  	vm14 =	veq.s32 v57, v4;
	s7 =	ssub.s32 s23, s7;
	v63 =	vadd.f32 v62, v9;
	v6 =	vsel vm13, v8, v6  }
0x187: {  	vm15 =	veq.s32 v56, v4;
	s7 =	sshll.u32 s7, $0x6;
	v6 =	vsel vm14, v7, v6  }
0x188: {  	s7 =	sshra.s32 s7, $0x2;
	v6 =	vsel vm15, v63, v6  }
0x189: {  	[tilespmem:v5+s7+$0x0 ss:$0x1] =	vst.idx.msk $0xffff, v6  }
0x18a: {  	s5 =	sadd.s32 $0x1, s5  }
0x18b: {  	p0 =	sne.s32 s5, s24  }
.Ltmp3:
0x18c: {  	s6 =	simm.s32 $0x10800;
	(pc) =	sbr.rel @p0 .LBB2_1-.Ltmp3, $4  }
0x18d: {  	[hbm4b:s21+s4] =	stream.linear.scatter [tilespmem:s6], [sflag:$0x6], $0x200, $0x38;
	[tilespmem:$0x10A00] =	vst v63  }
0x18e: {  	_ =	swait.ge [sflag:s29], $0x200  }
0x18f: {  	[sflag:s29] =	ssyncset.done $0x0  }
0x190: {  	[sflag:s29] =	ssyncadd.s32 $0xFFFFFE00  }
0x191: {  	_ =	sfence.sel $0x180000  }
0x192: {  	[bflag:$0x0] =	sbarrier.arrive $0xFFFF  }
0x193: {  	_ =	strace $0x90000047  }
0x194: {  	s0 =	stileid.u32;
	[bflag:$0x2] =	sbarrier.arrive $0xFFFF  }
0x195: {  	p0 =	sne.s32 s0, $0x0;
	s0 =	rddreg [dreg:$0x5]  }
0x196: {  	s0 =	sadd.s32 @!p0 $0x100000, s0  }
0x197: {  	[sflag:s0] =	ssyncadd.tile.s32 @!p0 $0x1;
	_ =	shalt  }
.Lfunc_end2:
_tile_overlayer_lowered:
.L_overlay_start_2:
0x198: {  	(tag) =	ssettag $0x2  }
0x199: {  	s0 =	rddreg [dreg:$0x0];
	s2 =	stileid.u32  }
0x19a: {  	s1 =	rddreg [dreg:$0x1];
	p0 =	sne.s32 s2, $0x0  }
0x19b: {  	s3 =	rddreg [dreg:$0x2];
	[bflag:$0x3] =	sbarrier.arrive $0xFFFF;
	s2 =	simm.s32 @!p0 $0x1C06  }
0x19c: {  	[timem:s3], [sflag:s2] =	dma.local @!p0 [hbm:s0], s1  }
0x19d: {  	s0 =	simm.s32 @!p0 $0x6  }
0x19e: {  	_ =	swait.ge @!p0 [sflag:s0], s1  }
0x19f: {  	s1 =	ssub.s32 @!p0 $0x0, s1;
	[sflag:s0] =	ssyncset.done @!p0 $0x0  }
0x1a0: {  	[sflag:s0] =	ssyncadd.s32 @!p0 s1  }
0x1a1: {  	[bflag:$0x3] =	sbarrier.arrive $0xFFFF  }
0x1a2: {  	_ =	shalt  }

</sc_bundles>
